<compile_context>
chip_gen: v7x
topology: tpu7x:2x2x1
jax: 0.10.2.dev20260603
libtpu: 0.0.44.dev20260713+nightly
codegen_flags: <defaults>
</compile_context>

<pallas_src>
import jax
import jax.numpy as jnp
import numpy as np
from jax import lax
from jax.experimental import pallas as pl
from jax.experimental.pallas import tpu as pltpu
from jax.experimental.pallas import tpu_sc as plsc

_IN_CHANNELS = 2048
_PERM_NP = np.random.RandomState(0).permutation(_IN_CHANNELS).astype(np.int32)

_ROWS = 8192
_NC = 2
_NS = 16
_NW = _NC * _NS
_R = 8
_ROWS_PER_W = _ROWS // _NW
_BLOCKS = _ROWS_PER_W // _R
_CHUNKS = _IN_CHANNELS // 16


def _permute_body(x_hbm, perm_hbm, out_hbm, idx_v, in_v0, in_v1, in_v2,
                  out_v0, out_v1, sem_in0, sem_in1, sem_in2,
                  sem_out0, sem_out1):
    c = lax.axis_index("c")
    s = lax.axis_index("s")
    wid = s * _NC + c
    row0 = wid * _ROWS_PER_W
    in_bufs = (in_v0, in_v1, in_v2)
    out_bufs = (out_v0, out_v1)
    sems_in = (sem_in0, sem_in1, sem_in2)
    sems_out = (sem_out0, sem_out1)

    pltpu.sync_copy(perm_hbm, idx_v)

    def load(b, buf):
        return pltpu.make_async_copy(
            x_hbm.at[pl.ds(row0 + b * _R, _R), :], in_bufs[buf],
            sems_in[buf])

    def store(b, buf):
        return pltpu.make_async_copy(
            out_bufs[buf], out_hbm.at[pl.ds(row0 + b * _R, _R), :],
            sems_out[buf])

    for ibuf in range(3):
        load(ibuf, ibuf).start()

    def outer(p, carry):
        for k in range(6):
            b = p * 6 + k
            ibuf = k % 3
            obuf = k % 2
            load(b, ibuf).wait()

            @pl.when(b >= 2)
            def _():
                store(b - 2, obuf).wait()

            ov = out_bufs[obuf]
            iv = in_bufs[ibuf]

            @plsc.parallel_loop(0, _CHUNKS, 1, unroll=4)
            def chunk(cidx):
                idx = idx_v[pl.ds(cidx * 16, 16)]
                for r in range(_R):
                    row_ids = jnp.full((16,), r, jnp.int32)
                    g = plsc.load_gather(iv, [row_ids, idx])
                    ov[r, pl.ds(cidx * 16, 16)] = g

            store(b, obuf).start()

            @pl.when(b + 3 < _BLOCKS)
            def _():
                load(b + 3, ibuf).start()

        return carry

    lax.fori_loop(0, _BLOCKS // 6, outer, 0)
    for b in range(_BLOCKS - _BLOCKS % 6, _BLOCKS):
        k = b % 6
        ibuf = k % 3
        obuf = k % 2
        load(b, ibuf).wait()
        store(b - 2, obuf).wait()
        ov = out_bufs[obuf]
        iv = in_bufs[ibuf]

        @plsc.parallel_loop(0, _CHUNKS, 1, unroll=4)
        def chunk(cidx):
            idx = idx_v[pl.ds(cidx * 16, 16)]
            for r in range(_R):
                row_ids = jnp.full((16,), r, jnp.int32)
                g = plsc.load_gather(iv, [row_ids, idx])
                ov[r, pl.ds(cidx * 16, 16)] = g

        store(b, obuf).start()
    store(_BLOCKS - 2, (_BLOCKS - 2) % 2).wait()
    store(_BLOCKS - 1, (_BLOCKS - 1) % 2).wait()


@jax.jit
def _permute(x2d, perm):
    mesh = plsc.VectorSubcoreMesh(core_axis_name="c", subcore_axis_name="s")
    f = pl.kernel(
        _permute_body,
        out_type=jax.ShapeDtypeStruct((_ROWS, _IN_CHANNELS), jnp.float32),
        mesh=mesh,
        scratch_types=[
            pltpu.VMEM((_IN_CHANNELS,), jnp.int32),
            pltpu.VMEM((_R, _IN_CHANNELS), jnp.float32),
            pltpu.VMEM((_R, _IN_CHANNELS), jnp.float32),
            pltpu.VMEM((_R, _IN_CHANNELS), jnp.float32),
            pltpu.VMEM((_R, _IN_CHANNELS), jnp.float32),
            pltpu.VMEM((_R, _IN_CHANNELS), jnp.float32),
            pltpu.SemaphoreType.DMA,
            pltpu.SemaphoreType.DMA,
            pltpu.SemaphoreType.DMA,
            pltpu.SemaphoreType.DMA,
            pltpu.SemaphoreType.DMA,
        ],
        compiler_params=pltpu.CompilerParams(needs_layout_passes=False),
    )
    return f(x2d, perm)


def kernel(x):
    x0 = x[0]
    perm = jnp.asarray(_PERM_NP)
    return _permute(x0, perm)

# --- scband reference (transcript-rebuilt; emitter-appended) ---
"""Pipeline reference for scband-permute-layer-16389595201978 (READ-ONLY COPY).

The authoritative reference and input builder live on the scoring server;
editing this copy changes nothing except your own understanding.
"""

import jax, jax.numpy as jnp
import numpy as np

# permute_layer builds a fixed permutation from np.random.seed(seed) with seed=0
_IN_CHANNELS = 2048
_rng = np.random.RandomState(0)
_PERM_NP = _rng.permutation(_IN_CHANNELS)
PERM = jnp.asarray(_PERM_NP, dtype=jnp.int64)


def setup_inputs(seed: int = 0) -> dict:
    key = jax.random.key(seed)
    # module forward takes x as a list of tensors; we model that as a leading
    # singleton axis so x[0] yields the [B, C] tensor, matching x[0][:, perm]
    x = jax.random.normal(key, (1, 8192, 2048), dtype=jnp.float32)
    return {"x": x}


def reference(x):
    # forward(x, rev=False): return [x[0][:, self.perm]]
    x0 = x[0]
    out = x0[:, PERM]
    return out

if __name__ == "__main__":
    import jax
    _d = setup_inputs()
    print(jax.jit(kernel)(*tuple(_d.values())))

</pallas_src>

<mosaic_0001>
#map = affine_map<(d0, d1) -> (0, 0)>
#map1 = affine_map<(d0, d1) -> (0)>
module attributes {stable_mosaic.version = 14 : i64} {
  func.func @_permute_body(%arg0: i32, %arg1: i32, %arg2: memref<8192x2048xf32, #tpu.memory_space<hbm>>, %arg3: memref<2048xi32, #tpu.memory_space<hbm>>, %arg4: memref<8192x2048xf32, #tpu.memory_space<hbm>>, %arg5: memref<2048xi32, #tpu.memory_space<vmem>>, %arg6: memref<8x2048xf32, #tpu.memory_space<vmem>>, %arg7: memref<8x2048xf32, #tpu.memory_space<vmem>>, %arg8: memref<8x2048xf32, #tpu.memory_space<vmem>>, %arg9: memref<8x2048xf32, #tpu.memory_space<vmem>>, %arg10: memref<8x2048xf32, #tpu.memory_space<vmem>>, %arg11: memref<!tpu.dma_semaphore, #tpu.memory_space<semaphore_mem>>, %arg12: memref<!tpu.dma_semaphore, #tpu.memory_space<semaphore_mem>>, %arg13: memref<!tpu.dma_semaphore, #tpu.memory_space<semaphore_mem>>, %arg14: memref<!tpu.dma_semaphore, #tpu.memory_space<semaphore_mem>>, %arg15: memref<!tpu.dma_semaphore, #tpu.memory_space<semaphore_mem>>) attributes {dimension_semantics = [#tpu.dimension_semantics<core_parallel>, #tpu.dimension_semantics<subcore_parallel>], iteration_bounds = array<i64: 2, 16>, scalar_prefetch = 0 : i64, scratch_operands = 11 : i64, tpu.core_type = #tpu.core_type<sc_vector_subcore>, window_params = [{transform_indices = #map}, {transform_indices = #map1}, {transform_indices = #map}]} {
    %mul3A = arith.constant 2 : i32
    %mul3A_0 = arith.muli %arg1, %mul3A : i32
    %add3A = arith.addi %mul3A_0, %arg0 : i32
    %mul3A_1 = arith.constant 256 : i32
    %mul3A_2 = arith.muli %add3A, %mul3A_1 : i32
    "tpu.region"() ({
      %run_scoped3A = tpu.sem_alloc : memref<!tpu.dma_semaphore, #tpu.memory_space<semaphore_mem>>
      tpu.enqueue_dma source(%arg3 : memref<2048xi32, #tpu.memory_space<hbm>>) target(%arg5 : memref<2048xi32, #tpu.memory_space<vmem>>) target_semaphore(%run_scoped3A : memref<!tpu.dma_semaphore, #tpu.memory_space<semaphore_mem>>)
      tpu.wait_dma2 semaphore(%run_scoped3A : memref<!tpu.dma_semaphore, #tpu.memory_space<semaphore_mem>>) src(%arg3 : memref<2048xi32, #tpu.memory_space<hbm>>) dst(%arg5 : memref<2048xi32, #tpu.memory_space<vmem>>)
      tpu.yield
    }) : () -> ()
    %add3A_3 = arith.constant 0 : i32
    %add3A_4 = arith.addi %mul3A_2, %add3A_3 : i32
    %dma_start3A = arith.constant 0 : i32
    %dma_start3A_5 = tpu.memref_slice %arg2[%add3A_4, %dma_start3A] : memref<8192x2048xf32, #tpu.memory_space<hbm>> -> memref<8x2048xf32, #tpu.memory_space<hbm>>
    %dma_start3A_6 = arith.constant 0 : i32
    %dma_start3A_7 = tpu.memref_slice %arg2[%add3A_4, %dma_start3A_6] : memref<8192x2048xf32, #tpu.memory_space<hbm>> -> memref<8x2048xf32, #tpu.memory_space<hbm>>
    tpu.enqueue_dma source(%dma_start3A_7 : memref<8x2048xf32, #tpu.memory_space<hbm>>) target(%arg6 : memref<8x2048xf32, #tpu.memory_space<vmem>>) target_semaphore(%arg11 : memref<!tpu.dma_semaphore, #tpu.memory_space<semaphore_mem>>)
    %add3A_8 = arith.constant 8 : i32
    %add3A_9 = arith.addi %mul3A_2, %add3A_8 : i32
    %dma_start3A_10 = arith.constant 0 : i32
    %dma_start3A_11 = tpu.memref_slice %arg2[%add3A_9, %dma_start3A_10] : memref<8192x2048xf32, #tpu.memory_space<hbm>> -> memref<8x2048xf32, #tpu.memory_space<hbm>>
    %dma_start3A_12 = arith.constant 0 : i32
    %dma_start3A_13 = tpu.memref_slice %arg2[%add3A_9, %dma_start3A_12] : memref<8192x2048xf32, #tpu.memory_space<hbm>> -> memref<8x2048xf32, #tpu.memory_space<hbm>>
    tpu.enqueue_dma source(%dma_start3A_13 : memref<8x2048xf32, #tpu.memory_space<hbm>>) target(%arg7 : memref<8x2048xf32, #tpu.memory_space<vmem>>) target_semaphore(%arg12 : memref<!tpu.dma_semaphore, #tpu.memory_space<semaphore_mem>>)
    %add3A_14 = arith.constant 16 : i32
    %add3A_15 = arith.addi %mul3A_2, %add3A_14 : i32
    %dma_start3A_16 = arith.constant 0 : i32
    %dma_start3A_17 = tpu.memref_slice %arg2[%add3A_15, %dma_start3A_16] : memref<8192x2048xf32, #tpu.memory_space<hbm>> -> memref<8x2048xf32, #tpu.memory_space<hbm>>
    %dma_start3A_18 = arith.constant 0 : i32
    %dma_start3A_19 = tpu.memref_slice %arg2[%add3A_15, %dma_start3A_18] : memref<8192x2048xf32, #tpu.memory_space<hbm>> -> memref<8x2048xf32, #tpu.memory_space<hbm>>
    tpu.enqueue_dma source(%dma_start3A_19 : memref<8x2048xf32, #tpu.memory_space<hbm>>) target(%arg8 : memref<8x2048xf32, #tpu.memory_space<vmem>>) target_semaphore(%arg13 : memref<!tpu.dma_semaphore, #tpu.memory_space<semaphore_mem>>)
    %scan3A = arith.constant 0 : i32
    %scan3A_20 = arith.constant 0 : i32
    %scan3A_21 = arith.constant 5 : i32
    %scan3A_22 = arith.addi %scan3A_20, %scan3A_21 : i32
    %scan3A_23 = arith.constant 1 : i32
    scf.for %scan3A_77 = %scan3A_20 to %scan3A_22 step %scan3A_23  : i32 {
      %mul3A_78 = arith.constant 6 : i32
      %mul3A_79 = arith.muli %scan3A_77, %mul3A_78 : i32
      %add3A_80 = arith.constant 0 : i32
      %add3A_81 = arith.addi %mul3A_79, %add3A_80 : i32
      %mul3A_82 = arith.constant 8 : i32
      %mul3A_83 = arith.muli %add3A_81, %mul3A_82 : i32
      %add3A_84 = arith.addi %mul3A_2, %mul3A_83 : i32
      %dma_wait3A_85 = arith.constant 0 : i32
      %dma_wait3A_86 = tpu.memref_slice %arg2[%add3A_84, %dma_wait3A_85] : memref<8192x2048xf32, #tpu.memory_space<hbm>> -> memref<8x2048xf32, #tpu.memory_space<hbm>>
      %dma_wait3A_87 = arith.constant 0 : i32
      %dma_wait3A_88 = tpu.memref_slice %arg2[%add3A_84, %dma_wait3A_87] : memref<8192x2048xf32, #tpu.memory_space<hbm>> -> memref<8x2048xf32, #tpu.memory_space<hbm>>
      tpu.wait_dma2 semaphore(%arg11 : memref<!tpu.dma_semaphore, #tpu.memory_space<semaphore_mem>>) src(%dma_wait3A_88 : memref<8x2048xf32, #tpu.memory_space<hbm>>) dst(%arg6 : memref<8x2048xf32, #tpu.memory_space<vmem>>)
      %ge3A = arith.constant 2 : i32
      %ge3A_89 = arith.cmpi sge, %add3A_81, %ge3A : i32
      %convert_element_type3A = arith.extui %ge3A_89 : i1 to i32
      %cond3A = arith.constant 0 : i32
      %cond3A_90 = arith.cmpi ne, %convert_element_type3A, %cond3A : i32
      scf.if %cond3A_90 {
        %sub3A = arith.constant 2 : i32
        %sub3A_272 = arith.subi %add3A_81, %sub3A : i32
        %mul3A_273 = arith.constant 8 : i32
        %mul3A_274 = arith.muli %sub3A_272, %mul3A_273 : i32
        %add3A_275 = arith.addi %mul3A_2, %mul3A_274 : i32
        %dma_wait3A_276 = arith.constant 0 : i32
        %dma_wait3A_277 = tpu.memref_slice %arg4[%add3A_275, %dma_wait3A_276] : memref<8192x2048xf32, #tpu.memory_space<hbm>> -> memref<8x2048xf32, #tpu.memory_space<hbm>>
        %dma_wait3A_278 = arith.constant 0 : i32
        %dma_wait3A_279 = tpu.memref_slice %arg4[%add3A_275, %dma_wait3A_278] : memref<8192x2048xf32, #tpu.memory_space<hbm>> -> memref<8x2048xf32, #tpu.memory_space<hbm>>
        tpu.wait_dma2 semaphore(%arg14 : memref<!tpu.dma_semaphore, #tpu.memory_space<semaphore_mem>>) src(%arg9 : memref<8x2048xf32, #tpu.memory_space<vmem>>) dst(%dma_wait3A_279 : memref<8x2048xf32, #tpu.memory_space<hbm>>)
      } else {
      }
      %parallel_loop3A_91 = arith.constant 0 : i32
      %parallel_loop3A_92 = arith.constant 128 : i32
      %parallel_loop3A_93 = arith.constant 1 : i32
      scf.for %parallel_loop3A_272 = %parallel_loop3A_91 to %parallel_loop3A_92 step %parallel_loop3A_93  : i32 {
        %parallel_loop3A_273 = arith.constant 16 : i32
        %parallel_loop3A_274 = arith.muli %parallel_loop3A_272, %parallel_loop3A_273 : i32
        %parallel_loop3A_275 = arith.index_cast %parallel_loop3A_274 : i32 to index
        %parallel_loop3A_276 = tpu.vector_load %arg5[%parallel_loop3A_275] {strides = array<i32>} : memref<2048xi32, #tpu.memory_space<vmem>>, vector<16xi32>,
        %parallel_loop3A_277 = arith.constant 0 : i32
        %parallel_loop3A_278 = vector.broadcast %parallel_loop3A_277 : i32 to vector<16xi32>
        %parallel_loop3A_279 = tpu.vector_load_idx %arg6[%parallel_loop3A_278, %parallel_loop3A_276] : memref<8x2048xf32, #tpu.memory_space<vmem>>[vector<16xi32>, vector<16xi32>], vector<16xf32>,
        %parallel_loop3A_280 = arith.constant 16 : i32
        %parallel_loop3A_281 = arith.muli %parallel_loop3A_272, %parallel_loop3A_280 : i32
        %parallel_loop3A_282 = arith.constant 0 : i32
        %parallel_loop3A_283 = arith.index_cast %parallel_loop3A_282 : i32 to index
        %parallel_loop3A_284 = arith.index_cast %parallel_loop3A_281 : i32 to index
        %parallel_loop3A_285 = tpu.vector_load %arg9[%parallel_loop3A_283, %parallel_loop3A_284] {strides = array<i32>} : memref<8x2048xf32, #tpu.memory_space<vmem>>, vector<16xf32>,
        tpu.vector_store %arg9[%parallel_loop3A_283, %parallel_loop3A_284], %parallel_loop3A_279 {strides = array<i32>} : memref<8x2048xf32, #tpu.memory_space<vmem>>, vector<16xf32>,
        %parallel_loop3A_286 = arith.constant 1 : i32
        %parallel_loop3A_287 = vector.broadcast %parallel_loop3A_286 : i32 to vector<16xi32>
        %parallel_loop3A_288 = tpu.vector_load_idx %arg6[%parallel_loop3A_287, %parallel_loop3A_276] : memref<8x2048xf32, #tpu.memory_space<vmem>>[vector<16xi32>, vector<16xi32>], vector<16xf32>,
        %parallel_loop3A_289 = arith.constant 16 : i32
        %parallel_loop3A_290 = arith.muli %parallel_loop3A_272, %parallel_loop3A_289 : i32
        %parallel_loop3A_291 = arith.constant 1 : i32
        %parallel_loop3A_292 = arith.index_cast %parallel_loop3A_291 : i32 to index
        %parallel_loop3A_293 = arith.index_cast %parallel_loop3A_290 : i32 to index
        %parallel_loop3A_294 = tpu.vector_load %arg9[%parallel_loop3A_292, %parallel_loop3A_293] {strides = array<i32>} : memref<8x2048xf32, #tpu.memory_space<vmem>>, vector<16xf32>,
        tpu.vector_store %arg9[%parallel_loop3A_292, %parallel_loop3A_293], %parallel_loop3A_288 {strides = array<i32>} : memref<8x2048xf32, #tpu.memory_space<vmem>>, vector<16xf32>,
        %parallel_loop3A_295 = arith.constant 2 : i32
        %parallel_loop3A_296 = vector.broadcast %parallel_loop3A_295 : i32 to vector<16xi32>
        %parallel_loop3A_297 = tpu.vector_load_idx %arg6[%parallel_loop3A_296, %parallel_loop3A_276] : memref<8x2048xf32, #tpu.memory_space<vmem>>[vector<16xi32>, vector<16xi32>], vector<16xf32>,
        %parallel_loop3A_298 = arith.constant 16 : i32
        %parallel_loop3A_299 = arith.muli %parallel_loop3A_272, %parallel_loop3A_298 : i32
        %parallel_loop3A_300 = arith.constant 2 : i32
        %parallel_loop3A_301 = arith.index_cast %parallel_loop3A_300 : i32 to index
        %parallel_loop3A_302 = arith.index_cast %parallel_loop3A_299 : i32 to index
        %parallel_loop3A_303 = tpu.vector_load %arg9[%parallel_loop3A_301, %parallel_loop3A_302] {strides = array<i32>} : memref<8x2048xf32, #tpu.memory_space<vmem>>, vector<16xf32>,
        tpu.vector_store %arg9[%parallel_loop3A_301, %parallel_loop3A_302], %parallel_loop3A_297 {strides = array<i32>} : memref<8x2048xf32, #tpu.memory_space<vmem>>, vector<16xf32>,
        %parallel_loop3A_304 = arith.constant 3 : i32
        %parallel_loop3A_305 = vector.broadcast %parallel_loop3A_304 : i32 to vector<16xi32>
        %parallel_loop3A_306 = tpu.vector_load_idx %arg6[%parallel_loop3A_305, %parallel_loop3A_276] : memref<8x2048xf32, #tpu.memory_space<vmem>>[vector<16xi32>, vector<16xi32>], vector<16xf32>,
        %parallel_loop3A_307 = arith.constant 16 : i32
        %parallel_loop3A_308 = arith.muli %parallel_loop3A_272, %parallel_loop3A_307 : i32
        %parallel_loop3A_309 = arith.constant 3 : i32
        %parallel_loop3A_310 = arith.index_cast %parallel_loop3A_309 : i32 to index
        %parallel_loop3A_311 = arith.index_cast %parallel_loop3A_308 : i32 to index
        %parallel_loop3A_312 = tpu.vector_load %arg9[%parallel_loop3A_310, %parallel_loop3A_311] {strides = array<i32>} : memref<8x2048xf32, #tpu.memory_space<vmem>>, vector<16xf32>,
        tpu.vector_store %arg9[%parallel_loop3A_310, %parallel_loop3A_311], %parallel_loop3A_306 {strides = array<i32>} : memref<8x2048xf32, #tpu.memory_space<vmem>>, vector<16xf32>,
        %parallel_loop3A_313 = arith.constant 4 : i32
        %parallel_loop3A_314 = vector.broadcast %parallel_loop3A_313 : i32 to vector<16xi32>
        %parallel_loop3A_315 = tpu.vector_load_idx %arg6[%parallel_loop3A_314, %parallel_loop3A_276] : memref<8x2048xf32, #tpu.memory_space<vmem>>[vector<16xi32>, vector<16xi32>], vector<16xf32>,
        %parallel_loop3A_316 = arith.constant 16 : i32
        %parallel_loop3A_317 = arith.muli %parallel_loop3A_272, %parallel_loop3A_316 : i32
        %parallel_loop3A_318 = arith.constant 4 : i32
        %parallel_loop3A_319 = arith.index_cast %parallel_loop3A_318 : i32 to index
        %parallel_loop3A_320 = arith.index_cast %parallel_loop3A_317 : i32 to index
        %parallel_loop3A_321 = tpu.vector_load %arg9[%parallel_loop3A_319, %parallel_loop3A_320] {strides = array<i32>} : memref<8x2048xf32, #tpu.memory_space<vmem>>, vector<16xf32>,
        tpu.vector_store %arg9[%parallel_loop3A_319, %parallel_loop3A_320], %parallel_loop3A_315 {strides = array<i32>} : memref<8x2048xf32, #tpu.memory_space<vmem>>, vector<16xf32>,
        %parallel_loop3A_322 = arith.constant 5 : i32
        %parallel_loop3A_323 = vector.broadcast %parallel_loop3A_322 : i32 to vector<16xi32>
        %parallel_loop3A_324 = tpu.vector_load_idx %arg6[%parallel_loop3A_323, %parallel_loop3A_276] : memref<8x2048xf32, #tpu.memory_space<vmem>>[vector<16xi32>, vector<16xi32>], vector<16xf32>,
        %parallel_loop3A_325 = arith.constant 16 : i32
        %parallel_loop3A_326 = arith.muli %parallel_loop3A_272, %parallel_loop3A_325 : i32
        %parallel_loop3A_327 = arith.constant 5 : i32
        %parallel_loop3A_328 = arith.index_cast %parallel_loop3A_327 : i32 to index
        %parallel_loop3A_329 = arith.index_cast %parallel_loop3A_326 : i32 to index
        %parallel_loop3A_330 = tpu.vector_load %arg9[%parallel_loop3A_328, %parallel_loop3A_329] {strides = array<i32>} : memref<8x2048xf32, #tpu.memory_space<vmem>>, vector<16xf32>,
        tpu.vector_store %arg9[%parallel_loop3A_328, %parallel_loop3A_329], %parallel_loop3A_324 {strides = array<i32>} : memref<8x2048xf32, #tpu.memory_space<vmem>>, vector<16xf32>,
        %parallel_loop3A_331 = arith.constant 6 : i32
        %parallel_loop3A_332 = vector.broadcast %parallel_loop3A_331 : i32 to vector<16xi32>
        %parallel_loop3A_333 = tpu.vector_load_idx %arg6[%parallel_loop3A_332, %parallel_loop3A_276] : memref<8x2048xf32, #tpu.memory_space<vmem>>[vector<16xi32>, vector<16xi32>], vector<16xf32>,
        %parallel_loop3A_334 = arith.constant 16 : i32
        %parallel_loop3A_335 = arith.muli %parallel_loop3A_272, %parallel_loop3A_334 : i32
        %parallel_loop3A_336 = arith.constant 6 : i32
        %parallel_loop3A_337 = arith.index_cast %parallel_loop3A_336 : i32 to index
        %parallel_loop3A_338 = arith.index_cast %parallel_loop3A_335 : i32 to index
        %parallel_loop3A_339 = tpu.vector_load %arg9[%parallel_loop3A_337, %parallel_loop3A_338] {strides = array<i32>} : memref<8x2048xf32, #tpu.memory_space<vmem>>, vector<16xf32>,
        tpu.vector_store %arg9[%parallel_loop3A_337, %parallel_loop3A_338], %parallel_loop3A_333 {strides = array<i32>} : memref<8x2048xf32, #tpu.memory_space<vmem>>, vector<16xf32>,
        %parallel_loop3A_340 = arith.constant 7 : i32
        %parallel_loop3A_341 = vector.broadcast %parallel_loop3A_340 : i32 to vector<16xi32>
        %parallel_loop3A_342 = tpu.vector_load_idx %arg6[%parallel_loop3A_341, %parallel_loop3A_276] : memref<8x2048xf32, #tpu.memory_space<vmem>>[vector<16xi32>, vector<16xi32>], vector<16xf32>,
        %parallel_loop3A_343 = arith.constant 16 : i32
        %parallel_loop3A_344 = arith.muli %parallel_loop3A_272, %parallel_loop3A_343 : i32
        %parallel_loop3A_345 = arith.constant 7 : i32
        %parallel_loop3A_346 = arith.index_cast %parallel_loop3A_345 : i32 to index
        %parallel_loop3A_347 = arith.index_cast %parallel_loop3A_344 : i32 to index
        %parallel_loop3A_348 = tpu.vector_load %arg9[%parallel_loop3A_346, %parallel_loop3A_347] {strides = array<i32>} : memref<8x2048xf32, #tpu.memory_space<vmem>>, vector<16xf32>,
        tpu.vector_store %arg9[%parallel_loop3A_346, %parallel_loop3A_347], %parallel_loop3A_342 {strides = array<i32>} : memref<8x2048xf32, #tpu.memory_space<vmem>>, vector<16xf32>,
      } {sc.loop_unroll_factor = 4 : i64, sc.parallel_access}
      %mul3A_94 = arith.constant 8 : i32
      %mul3A_95 = arith.muli %add3A_81, %mul3A_94 : i32
      %add3A_96 = arith.addi %mul3A_2, %mul3A_95 : i32
      %dma_start3A_97 = arith.constant 0 : i32
      %dma_start3A_98 = tpu.memref_slice %arg4[%add3A_96, %dma_start3A_97] : memref<8192x2048xf32, #tpu.memory_space<hbm>> -> memref<8x2048xf32, #tpu.memory_space<hbm>>
      %dma_start3A_99 = arith.constant 0 : i32
      %dma_start3A_100 = tpu.memref_slice %arg4[%add3A_96, %dma_start3A_99] : memref<8192x2048xf32, #tpu.memory_space<hbm>> -> memref<8x2048xf32, #tpu.memory_space<hbm>>
      tpu.enqueue_dma source(%arg9 : memref<8x2048xf32, #tpu.memory_space<vmem>>) target(%dma_start3A_100 : memref<8x2048xf32, #tpu.memory_space<hbm>>) target_semaphore(%arg14 : memref<!tpu.dma_semaphore, #tpu.memory_space<semaphore_mem>>)
      %add3A_101 = arith.constant 3 : i32
      %add3A_102 = arith.addi %add3A_81, %add3A_101 : i32
      %lt3A = arith.constant 32 : i32
      %lt3A_103 = arith.cmpi slt, %add3A_102, %lt3A : i32
      %convert_element_type3A_104 = arith.extui %lt3A_103 : i1 to i32
      %cond3A_105 = arith.constant 0 : i32
      %cond3A_106 = arith.cmpi ne, %convert_element_type3A_104, %cond3A_105 : i32
      scf.if %cond3A_106 {
        %add3A_272 = arith.constant 3 : i32
        %add3A_273 = arith.addi %add3A_81, %add3A_272 : i32
        %mul3A_274 = arith.constant 8 : i32
        %mul3A_275 = arith.muli %add3A_273, %mul3A_274 : i32
        %add3A_276 = arith.addi %mul3A_2, %mul3A_275 : i32
        %dma_start3A_277 = arith.constant 0 : i32
        %dma_start3A_278 = tpu.memref_slice %arg2[%add3A_276, %dma_start3A_277] : memref<8192x2048xf32, #tpu.memory_space<hbm>> -> memref<8x2048xf32, #tpu.memory_space<hbm>>
        %dma_start3A_279 = arith.constant 0 : i32
        %dma_start3A_280 = tpu.memref_slice %arg2[%add3A_276, %dma_start3A_279] : memref<8192x2048xf32, #tpu.memory_space<hbm>> -> memref<8x2048xf32, #tpu.memory_space<hbm>>
        tpu.enqueue_dma source(%dma_start3A_280 : memref<8x2048xf32, #tpu.memory_space<hbm>>) target(%arg6 : memref<8x2048xf32, #tpu.memory_space<vmem>>) target_semaphore(%arg11 : memref<!tpu.dma_semaphore, #tpu.memory_space<semaphore_mem>>)
      } else {
      }
      %mul3A_107 = arith.constant 6 : i32
      %mul3A_108 = arith.muli %scan3A_77, %mul3A_107 : i32
      %add3A_109 = arith.constant 1 : i32
      %add3A_110 = arith.addi %mul3A_108, %add3A_109 : i32
      %mul3A_111 = arith.constant 8 : i32
      %mul3A_112 = arith.muli %add3A_110, %mul3A_111 : i32
      %add3A_113 = arith.addi %mul3A_2, %mul3A_112 : i32
      %dma_wait3A_114 = arith.constant 0 : i32
      %dma_wait3A_115 = tpu.memref_slice %arg2[%add3A_113, %dma_wait3A_114] : memref<8192x2048xf32, #tpu.memory_space<hbm>> -> memref<8x2048xf32, #tpu.memory_space<hbm>>
      %dma_wait3A_116 = arith.constant 0 : i32
      %dma_wait3A_117 = tpu.memref_slice %arg2[%add3A_113, %dma_wait3A_116] : memref<8192x2048xf32, #tpu.memory_space<hbm>> -> memref<8x2048xf32, #tpu.memory_space<hbm>>
      tpu.wait_dma2 semaphore(%arg12 : memref<!tpu.dma_semaphore, #tpu.memory_space<semaphore_mem>>) src(%dma_wait3A_117 : memref<8x2048xf32, #tpu.memory_space<hbm>>) dst(%arg7 : memref<8x2048xf32, #tpu.memory_space<vmem>>)
      %ge3A_118 = arith.constant 2 : i32
      %ge3A_119 = arith.cmpi sge, %add3A_110, %ge3A_118 : i32
      %convert_element_type3A_120 = arith.extui %ge3A_119 : i1 to i32
      %cond3A_121 = arith.constant 0 : i32
      %cond3A_122 = arith.cmpi ne, %convert_element_type3A_120, %cond3A_121 : i32
      scf.if %cond3A_122 {
        %sub3A = arith.constant 2 : i32
        %sub3A_272 = arith.subi %add3A_110, %sub3A : i32
        %mul3A_273 = arith.constant 8 : i32
        %mul3A_274 = arith.muli %sub3A_272, %mul3A_273 : i32
        %add3A_275 = arith.addi %mul3A_2, %mul3A_274 : i32
        %dma_wait3A_276 = arith.constant 0 : i32
        %dma_wait3A_277 = tpu.memref_slice %arg4[%add3A_275, %dma_wait3A_276] : memref<8192x2048xf32, #tpu.memory_space<hbm>> -> memref<8x2048xf32, #tpu.memory_space<hbm>>
        %dma_wait3A_278 = arith.constant 0 : i32
        %dma_wait3A_279 = tpu.memref_slice %arg4[%add3A_275, %dma_wait3A_278] : memref<8192x2048xf32, #tpu.memory_space<hbm>> -> memref<8x2048xf32, #tpu.memory_space<hbm>>
        tpu.wait_dma2 semaphore(%arg15 : memref<!tpu.dma_semaphore, #tpu.memory_space<semaphore_mem>>) src(%arg10 : memref<8x2048xf32, #tpu.memory_space<vmem>>) dst(%dma_wait3A_279 : memref<8x2048xf32, #tpu.memory_space<hbm>>)
      } else {
      }
      %parallel_loop3A_123 = arith.constant 0 : i32
      %parallel_loop3A_124 = arith.constant 128 : i32
      %parallel_loop3A_125 = arith.constant 1 : i32
      scf.for %parallel_loop3A_272 = %parallel_loop3A_123 to %parallel_loop3A_124 step %parallel_loop3A_125  : i32 {
        %parallel_loop3A_273 = arith.constant 16 : i32
        %parallel_loop3A_274 = arith.muli %parallel_loop3A_272, %parallel_loop3A_273 : i32
        %parallel_loop3A_275 = arith.index_cast %parallel_loop3A_274 : i32 to index
        %parallel_loop3A_276 = tpu.vector_load %arg5[%parallel_loop3A_275] {strides = array<i32>} : memref<2048xi32, #tpu.memory_space<vmem>>, vector<16xi32>,
        %parallel_loop3A_277 = arith.constant 0 : i32
        %parallel_loop3A_278 = vector.broadcast %parallel_loop3A_277 : i32 to vector<16xi32>
        %parallel_loop3A_279 = tpu.vector_load_idx %arg7[%parallel_loop3A_278, %parallel_loop3A_276] : memref<8x2048xf32, #tpu.memory_space<vmem>>[vector<16xi32>, vector<16xi32>], vector<16xf32>,
        %parallel_loop3A_280 = arith.constant 16 : i32
        %parallel_loop3A_281 = arith.muli %parallel_loop3A_272, %parallel_loop3A_280 : i32
        %parallel_loop3A_282 = arith.constant 0 : i32
        %parallel_loop3A_283 = arith.index_cast %parallel_loop3A_282 : i32 to index
        %parallel_loop3A_284 = arith.index_cast %parallel_loop3A_281 : i32 to index
        %parallel_loop3A_285 = tpu.vector_load %arg10[%parallel_loop3A_283, %parallel_loop3A_284] {strides = array<i32>} : memref<8x2048xf32, #tpu.memory_space<vmem>>, vector<16xf32>,
        tpu.vector_store %arg10[%parallel_loop3A_283, %parallel_loop3A_284], %parallel_loop3A_279 {strides = array<i32>} : memref<8x2048xf32, #tpu.memory_space<vmem>>, vector<16xf32>,
        %parallel_loop3A_286 = arith.constant 1 : i32
        %parallel_loop3A_287 = vector.broadcast %parallel_loop3A_286 : i32 to vector<16xi32>
        %parallel_loop3A_288 = tpu.vector_load_idx %arg7[%parallel_loop3A_287, %parallel_loop3A_276] : memref<8x2048xf32, #tpu.memory_space<vmem>>[vector<16xi32>, vector<16xi32>], vector<16xf32>,
        %parallel_loop3A_289 = arith.constant 16 : i32
        %parallel_loop3A_290 = arith.muli %parallel_loop3A_272, %parallel_loop3A_289 : i32
        %parallel_loop3A_291 = arith.constant 1 : i32
        %parallel_loop3A_292 = arith.index_cast %parallel_loop3A_291 : i32 to index
        %parallel_loop3A_293 = arith.index_cast %parallel_loop3A_290 : i32 to index
        %parallel_loop3A_294 = tpu.vector_load %arg10[%parallel_loop3A_292, %parallel_loop3A_293] {strides = array<i32>} : memref<8x2048xf32, #tpu.memory_space<vmem>>, vector<16xf32>,
        tpu.vector_store %arg10[%parallel_loop3A_292, %parallel_loop3A_293], %parallel_loop3A_288 {strides = array<i32>} : memref<8x2048xf32, #tpu.memory_space<vmem>>, vector<16xf32>,
        %parallel_loop3A_295 = arith.constant 2 : i32
        %parallel_loop3A_296 = vector.broadcast %parallel_loop3A_295 : i32 to vector<16xi32>
        %parallel_loop3A_297 = tpu.vector_load_idx %arg7[%parallel_loop3A_296, %parallel_loop3A_276] : memref<8x2048xf32, #tpu.memory_space<vmem>>[vector<16xi32>, vector<16xi32>], vector<16xf32>,
        %parallel_loop3A_298 = arith.constant 16 : i32
        %parallel_loop3A_299 = arith.muli %parallel_loop3A_272, %parallel_loop3A_298 : i32
        %parallel_loop3A_300 = arith.constant 2 : i32
        %parallel_loop3A_301 = arith.index_cast %parallel_loop3A_300 : i32 to index
        %parallel_loop3A_302 = arith.index_cast %parallel_loop3A_299 : i32 to index
        %parallel_loop3A_303 = tpu.vector_load %arg10[%parallel_loop3A_301, %parallel_loop3A_302] {strides = array<i32>} : memref<8x2048xf32, #tpu.memory_space<vmem>>, vector<16xf32>,
        tpu.vector_store %arg10[%parallel_loop3A_301, %parallel_loop3A_302], %parallel_loop3A_297 {strides = array<i32>} : memref<8x2048xf32, #tpu.memory_space<vmem>>, vector<16xf32>,
        %parallel_loop3A_304 = arith.constant 3 : i32
        %parallel_loop3A_305 = vector.broadcast %parallel_loop3A_304 : i32 to vector<16xi32>
        %parallel_loop3A_306 = tpu.vector_load_idx %arg7[%parallel_loop3A_305, %parallel_loop3A_276] : memref<8x2048xf32, #tpu.memory_space<vmem>>[vector<16xi32>, vector<16xi32>], vector<16xf32>,
        %parallel_loop3A_307 = arith.constant 16 : i32
        %parallel_loop3A_308 = arith.muli %parallel_loop3A_272, %parallel_loop3A_307 : i32
        %parallel_loop3A_309 = arith.constant 3 : i32
        %parallel_loop3A_310 = arith.index_cast %parallel_loop3A_309 : i32 to index
        %parallel_loop3A_311 = arith.index_cast %parallel_loop3A_308 : i32 to index
        %parallel_loop3A_312 = tpu.vector_load %arg10[%parallel_loop3A_310, %parallel_loop3A_311] {strides = array<i32>} : memref<8x2048xf32, #tpu.memory_space<vmem>>, vector<16xf32>,
        tpu.vector_store %arg10[%parallel_loop3A_310, %parallel_loop3A_311], %parallel_loop3A_306 {strides = array<i32>} : memref<8x2048xf32, #tpu.memory_space<vmem>>, vector<16xf32>,
        %parallel_loop3A_313 = arith.constant 4 : i32
        %parallel_loop3A_314 = vector.broadcast %parallel_loop3A_313 : i32 to vector<16xi32>
        %parallel_loop3A_315 = tpu.vector_load_idx %arg7[%parallel_loop3A_314, %parallel_loop3A_276] : memref<8x2048xf32, #tpu.memory_space<vmem>>[vector<16xi32>, vector<16xi32>], vector<16xf32>,
        %parallel_loop3A_316 = arith.constant 16 : i32
        %parallel_loop3A_317 = arith.muli %parallel_loop3A_272, %parallel_loop3A_316 : i32
        %parallel_loop3A_318 = arith.constant 4 : i32
        %parallel_loop3A_319 = arith.index_cast %parallel_loop3A_318 : i32 to index
        %parallel_loop3A_320 = arith.index_cast %parallel_loop3A_317 : i32 to index
        %parallel_loop3A_321 = tpu.vector_load %arg10[%parallel_loop3A_319, %parallel_loop3A_320] {strides = array<i32>} : memref<8x2048xf32, #tpu.memory_space<vmem>>, vector<16xf32>,
        tpu.vector_store %arg10[%parallel_loop3A_319, %parallel_loop3A_320], %parallel_loop3A_315 {strides = array<i32>} : memref<8x2048xf32, #tpu.memory_space<vmem>>, vector<16xf32>,
        %parallel_loop3A_322 = arith.constant 5 : i32
        %parallel_loop3A_323 = vector.broadcast %parallel_loop3A_322 : i32 to vector<16xi32>
        %parallel_loop3A_324 = tpu.vector_load_idx %arg7[%parallel_loop3A_323, %parallel_loop3A_276] : memref<8x2048xf32, #tpu.memory_space<vmem>>[vector<16xi32>, vector<16xi32>], vector<16xf32>,
        %parallel_loop3A_325 = arith.constant 16 : i32
        %parallel_loop3A_326 = arith.muli %parallel_loop3A_272, %parallel_loop3A_325 : i32
        %parallel_loop3A_327 = arith.constant 5 : i32
        %parallel_loop3A_328 = arith.index_cast %parallel_loop3A_327 : i32 to index
        %parallel_loop3A_329 = arith.index_cast %parallel_loop3A_326 : i32 to index
        %parallel_loop3A_330 = tpu.vector_load %arg10[%parallel_loop3A_328, %parallel_loop3A_329] {strides = array<i32>} : memref<8x2048xf32, #tpu.memory_space<vmem>>, vector<16xf32>,
        tpu.vector_store %arg10[%parallel_loop3A_328, %parallel_loop3A_329], %parallel_loop3A_324 {strides = array<i32>} : memref<8x2048xf32, #tpu.memory_space<vmem>>, vector<16xf32>,
        %parallel_loop3A_331 = arith.constant 6 : i32
        %parallel_loop3A_332 = vector.broadcast %parallel_loop3A_331 : i32 to vector<16xi32>
        %parallel_loop3A_333 = tpu.vector_load_idx %arg7[%parallel_loop3A_332, %parallel_loop3A_276] : memref<8x2048xf32, #tpu.memory_space<vmem>>[vector<16xi32>, vector<16xi32>], vector<16xf32>,
        %parallel_loop3A_334 = arith.constant 16 : i32
        %parallel_loop3A_335 = arith.muli %parallel_loop3A_272, %parallel_loop3A_334 : i32
        %parallel_loop3A_336 = arith.constant 6 : i32
        %parallel_loop3A_337 = arith.index_cast %parallel_loop3A_336 : i32 to index
        %parallel_loop3A_338 = arith.index_cast %parallel_loop3A_335 : i32 to index
        %parallel_loop3A_339 = tpu.vector_load %arg10[%parallel_loop3A_337, %parallel_loop3A_338] {strides = array<i32>} : memref<8x2048xf32, #tpu.memory_space<vmem>>, vector<16xf32>,
        tpu.vector_store %arg10[%parallel_loop3A_337, %parallel_loop3A_338], %parallel_loop3A_333 {strides = array<i32>} : memref<8x2048xf32, #tpu.memory_space<vmem>>, vector<16xf32>,
        %parallel_loop3A_340 = arith.constant 7 : i32
        %parallel_loop3A_341 = vector.broadcast %parallel_loop3A_340 : i32 to vector<16xi32>
        %parallel_loop3A_342 = tpu.vector_load_idx %arg7[%parallel_loop3A_341, %parallel_loop3A_276] : memref<8x2048xf32, #tpu.memory_space<vmem>>[vector<16xi32>, vector<16xi32>], vector<16xf32>,
        %parallel_loop3A_343 = arith.constant 16 : i32
        %parallel_loop3A_344 = arith.muli %parallel_loop3A_272, %parallel_loop3A_343 : i32
        %parallel_loop3A_345 = arith.constant 7 : i32
        %parallel_loop3A_346 = arith.index_cast %parallel_loop3A_345 : i32 to index
        %parallel_loop3A_347 = arith.index_cast %parallel_loop3A_344 : i32 to index
        %parallel_loop3A_348 = tpu.vector_load %arg10[%parallel_loop3A_346, %parallel_loop3A_347] {strides = array<i32>} : memref<8x2048xf32, #tpu.memory_space<vmem>>, vector<16xf32>,
        tpu.vector_store %arg10[%parallel_loop3A_346, %parallel_loop3A_347], %parallel_loop3A_342 {strides = array<i32>} : memref<8x2048xf32, #tpu.memory_space<vmem>>, vector<16xf32>,
      } {sc.loop_unroll_factor = 4 : i64, sc.parallel_access}
      %mul3A_126 = arith.constant 8 : i32
      %mul3A_127 = arith.muli %add3A_110, %mul3A_126 : i32
      %add3A_128 = arith.addi %mul3A_2, %mul3A_127 : i32
      %dma_start3A_129 = arith.constant 0 : i32
      %dma_start3A_130 = tpu.memref_slice %arg4[%add3A_128, %dma_start3A_129] : memref<8192x2048xf32, #tpu.memory_space<hbm>> -> memref<8x2048xf32, #tpu.memory_space<hbm>>
      %dma_start3A_131 = arith.constant 0 : i32
      %dma_start3A_132 = tpu.memref_slice %arg4[%add3A_128, %dma_start3A_131] : memref<8192x2048xf32, #tpu.memory_space<hbm>> -> memref<8x2048xf32, #tpu.memory_space<hbm>>
      tpu.enqueue_dma source(%arg10 : memref<8x2048xf32, #tpu.memory_space<vmem>>) target(%dma_start3A_132 : memref<8x2048xf32, #tpu.memory_space<hbm>>) target_semaphore(%arg15 : memref<!tpu.dma_semaphore, #tpu.memory_space<semaphore_mem>>)
      %add3A_133 = arith.constant 3 : i32
      %add3A_134 = arith.addi %add3A_110, %add3A_133 : i32
      %lt3A_135 = arith.constant 32 : i32
      %lt3A_136 = arith.cmpi slt, %add3A_134, %lt3A_135 : i32
      %convert_element_type3A_137 = arith.extui %lt3A_136 : i1 to i32
      %cond3A_138 = arith.constant 0 : i32
      %cond3A_139 = arith.cmpi ne, %convert_element_type3A_137, %cond3A_138 : i32
      scf.if %cond3A_139 {
        %add3A_272 = arith.constant 3 : i32
        %add3A_273 = arith.addi %add3A_110, %add3A_272 : i32
        %mul3A_274 = arith.constant 8 : i32
        %mul3A_275 = arith.muli %add3A_273, %mul3A_274 : i32
        %add3A_276 = arith.addi %mul3A_2, %mul3A_275 : i32
        %dma_start3A_277 = arith.constant 0 : i32
        %dma_start3A_278 = tpu.memref_slice %arg2[%add3A_276, %dma_start3A_277] : memref<8192x2048xf32, #tpu.memory_space<hbm>> -> memref<8x2048xf32, #tpu.memory_space<hbm>>
        %dma_start3A_279 = arith.constant 0 : i32
        %dma_start3A_280 = tpu.memref_slice %arg2[%add3A_276, %dma_start3A_279] : memref<8192x2048xf32, #tpu.memory_space<hbm>> -> memref<8x2048xf32, #tpu.memory_space<hbm>>
        tpu.enqueue_dma source(%dma_start3A_280 : memref<8x2048xf32, #tpu.memory_space<hbm>>) target(%arg7 : memref<8x2048xf32, #tpu.memory_space<vmem>>) target_semaphore(%arg12 : memref<!tpu.dma_semaphore, #tpu.memory_space<semaphore_mem>>)
      } else {
      }
      %mul3A_140 = arith.constant 6 : i32
      %mul3A_141 = arith.muli %scan3A_77, %mul3A_140 : i32
      %add3A_142 = arith.constant 2 : i32
      %add3A_143 = arith.addi %mul3A_141, %add3A_142 : i32
      %mul3A_144 = arith.constant 8 : i32
      %mul3A_145 = arith.muli %add3A_143, %mul3A_144 : i32
      %add3A_146 = arith.addi %mul3A_2, %mul3A_145 : i32
      %dma_wait3A_147 = arith.constant 0 : i32
      %dma_wait3A_148 = tpu.memref_slice %arg2[%add3A_146, %dma_wait3A_147] : memref<8192x2048xf32, #tpu.memory_space<hbm>> -> memref<8x2048xf32, #tpu.memory_space<hbm>>
      %dma_wait3A_149 = arith.constant 0 : i32
      %dma_wait3A_150 = tpu.memref_slice %arg2[%add3A_146, %dma_wait3A_149] : memref<8192x2048xf32, #tpu.memory_space<hbm>> -> memref<8x2048xf32, #tpu.memory_space<hbm>>
      tpu.wait_dma2 semaphore(%arg13 : memref<!tpu.dma_semaphore, #tpu.memory_space<semaphore_mem>>) src(%dma_wait3A_150 : memref<8x2048xf32, #tpu.memory_space<hbm>>) dst(%arg8 : memref<8x2048xf32, #tpu.memory_space<vmem>>)
      %ge3A_151 = arith.constant 2 : i32
      %ge3A_152 = arith.cmpi sge, %add3A_143, %ge3A_151 : i32
      %convert_element_type3A_153 = arith.extui %ge3A_152 : i1 to i32
      %cond3A_154 = arith.constant 0 : i32
      %cond3A_155 = arith.cmpi ne, %convert_element_type3A_153, %cond3A_154 : i32
      scf.if %cond3A_155 {
        %sub3A = arith.constant 2 : i32
        %sub3A_272 = arith.subi %add3A_143, %sub3A : i32
        %mul3A_273 = arith.constant 8 : i32
        %mul3A_274 = arith.muli %sub3A_272, %mul3A_273 : i32
        %add3A_275 = arith.addi %mul3A_2, %mul3A_274 : i32
        %dma_wait3A_276 = arith.constant 0 : i32
        %dma_wait3A_277 = tpu.memref_slice %arg4[%add3A_275, %dma_wait3A_276] : memref<8192x2048xf32, #tpu.memory_space<hbm>> -> memref<8x2048xf32, #tpu.memory_space<hbm>>
        %dma_wait3A_278 = arith.constant 0 : i32
        %dma_wait3A_279 = tpu.memref_slice %arg4[%add3A_275, %dma_wait3A_278] : memref<8192x2048xf32, #tpu.memory_space<hbm>> -> memref<8x2048xf32, #tpu.memory_space<hbm>>
        tpu.wait_dma2 semaphore(%arg14 : memref<!tpu.dma_semaphore, #tpu.memory_space<semaphore_mem>>) src(%arg9 : memref<8x2048xf32, #tpu.memory_space<vmem>>) dst(%dma_wait3A_279 : memref<8x2048xf32, #tpu.memory_space<hbm>>)
      } else {
      }
      %parallel_loop3A_156 = arith.constant 0 : i32
      %parallel_loop3A_157 = arith.constant 128 : i32
      %parallel_loop3A_158 = arith.constant 1 : i32
      scf.for %parallel_loop3A_272 = %parallel_loop3A_156 to %parallel_loop3A_157 step %parallel_loop3A_158  : i32 {
        %parallel_loop3A_273 = arith.constant 16 : i32
        %parallel_loop3A_274 = arith.muli %parallel_loop3A_272, %parallel_loop3A_273 : i32
        %parallel_loop3A_275 = arith.index_cast %parallel_loop3A_274 : i32 to index
        %parallel_loop3A_276 = tpu.vector_load %arg5[%parallel_loop3A_275] {strides = array<i32>} : memref<2048xi32, #tpu.memory_space<vmem>>, vector<16xi32>,
        %parallel_loop3A_277 = arith.constant 0 : i32
        %parallel_loop3A_278 = vector.broadcast %parallel_loop3A_277 : i32 to vector<16xi32>
        %parallel_loop3A_279 = tpu.vector_load_idx %arg8[%parallel_loop3A_278, %parallel_loop3A_276] : memref<8x2048xf32, #tpu.memory_space<vmem>>[vector<16xi32>, vector<16xi32>], vector<16xf32>,
        %parallel_loop3A_280 = arith.constant 16 : i32
        %parallel_loop3A_281 = arith.muli %parallel_loop3A_272, %parallel_loop3A_280 : i32
        %parallel_loop3A_282 = arith.constant 0 : i32
        %parallel_loop3A_283 = arith.index_cast %parallel_loop3A_282 : i32 to index
        %parallel_loop3A_284 = arith.index_cast %parallel_loop3A_281 : i32 to index
        %parallel_loop3A_285 = tpu.vector_load %arg9[%parallel_loop3A_283, %parallel_loop3A_284] {strides = array<i32>} : memref<8x2048xf32, #tpu.memory_space<vmem>>, vector<16xf32>,
        tpu.vector_store %arg9[%parallel_loop3A_283, %parallel_loop3A_284], %parallel_loop3A_279 {strides = array<i32>} : memref<8x2048xf32, #tpu.memory_space<vmem>>, vector<16xf32>,
        %parallel_loop3A_286 = arith.constant 1 : i32
        %parallel_loop3A_287 = vector.broadcast %parallel_loop3A_286 : i32 to vector<16xi32>
        %parallel_loop3A_288 = tpu.vector_load_idx %arg8[%parallel_loop3A_287, %parallel_loop3A_276] : memref<8x2048xf32, #tpu.memory_space<vmem>>[vector<16xi32>, vector<16xi32>], vector<16xf32>,
        %parallel_loop3A_289 = arith.constant 16 : i32
        %parallel_loop3A_290 = arith.muli %parallel_loop3A_272, %parallel_loop3A_289 : i32
        %parallel_loop3A_291 = arith.constant 1 : i32
        %parallel_loop3A_292 = arith.index_cast %parallel_loop3A_291 : i32 to index
        %parallel_loop3A_293 = arith.index_cast %parallel_loop3A_290 : i32 to index
        %parallel_loop3A_294 = tpu.vector_load %arg9[%parallel_loop3A_292, %parallel_loop3A_293] {strides = array<i32>} : memref<8x2048xf32, #tpu.memory_space<vmem>>, vector<16xf32>,
        tpu.vector_store %arg9[%parallel_loop3A_292, %parallel_loop3A_293], %parallel_loop3A_288 {strides = array<i32>} : memref<8x2048xf32, #tpu.memory_space<vmem>>, vector<16xf32>,
        %parallel_loop3A_295 = arith.constant 2 : i32
        %parallel_loop3A_296 = vector.broadcast %parallel_loop3A_295 : i32 to vector<16xi32>
        %parallel_loop3A_297 = tpu.vector_load_idx %arg8[%parallel_loop3A_296, %parallel_loop3A_276] : memref<8x2048xf32, #tpu.memory_space<vmem>>[vector<16xi32>, vector<16xi32>], vector<16xf32>,
        %parallel_loop3A_298 = arith.constant 16 : i32
        %parallel_loop3A_299 = arith.muli %parallel_loop3A_272, %parallel_loop3A_298 : i32
        %parallel_loop3A_300 = arith.constant 2 : i32
        %parallel_loop3A_301 = arith.index_cast %parallel_loop3A_300 : i32 to index
        %parallel_loop3A_302 = arith.index_cast %parallel_loop3A_299 : i32 to index
        %parallel_loop3A_303 = tpu.vector_load %arg9[%parallel_loop3A_301, %parallel_loop3A_302] {strides = array<i32>} : memref<8x2048xf32, #tpu.memory_space<vmem>>, vector<16xf32>,
        tpu.vector_store %arg9[%parallel_loop3A_301, %parallel_loop3A_302], %parallel_loop3A_297 {strides = array<i32>} : memref<8x2048xf32, #tpu.memory_space<vmem>>, vector<16xf32>,
        %parallel_loop3A_304 = arith.constant 3 : i32
        %parallel_loop3A_305 = vector.broadcast %parallel_loop3A_304 : i32 to vector<16xi32>
        %parallel_loop3A_306 = tpu.vector_load_idx %arg8[%parallel_loop3A_305, %parallel_loop3A_276] : memref<8x2048xf32, #tpu.memory_space<vmem>>[vector<16xi32>, vector<16xi32>], vector<16xf32>,
        %parallel_loop3A_307 = arith.constant 16 : i32
        %parallel_loop3A_308 = arith.muli %parallel_loop3A_272, %parallel_loop3A_307 : i32
        %parallel_loop3A_309 = arith.constant 3 : i32
        %parallel_loop3A_310 = arith.index_cast %parallel_loop3A_309 : i32 to index
        %parallel_loop3A_311 = arith.index_cast %parallel_loop3A_308 : i32 to index
        %parallel_loop3A_312 = tpu.vector_load %arg9[%parallel_loop3A_310, %parallel_loop3A_311] {strides = array<i32>} : memref<8x2048xf32, #tpu.memory_space<vmem>>, vector<16xf32>,
        tpu.vector_store %arg9[%parallel_loop3A_310, %parallel_loop3A_311], %parallel_loop3A_306 {strides = array<i32>} : memref<8x2048xf32, #tpu.memory_space<vmem>>, vector<16xf32>,
        %parallel_loop3A_313 = arith.constant 4 : i32
        %parallel_loop3A_314 = vector.broadcast %parallel_loop3A_313 : i32 to vector<16xi32>
        %parallel_loop3A_315 = tpu.vector_load_idx %arg8[%parallel_loop3A_314, %parallel_loop3A_276] : memref<8x2048xf32, #tpu.memory_space<vmem>>[vector<16xi32>, vector<16xi32>], vector<16xf32>,
        %parallel_loop3A_316 = arith.constant 16 : i32
        %parallel_loop3A_317 = arith.muli %parallel_loop3A_272, %parallel_loop3A_316 : i32
        %parallel_loop3A_318 = arith.constant 4 : i32
        %parallel_loop3A_319 = arith.index_cast %parallel_loop3A_318 : i32 to index
        %parallel_loop3A_320 = arith.index_cast %parallel_loop3A_317 : i32 to index
        %parallel_loop3A_321 = tpu.vector_load %arg9[%parallel_loop3A_319, %parallel_loop3A_320] {strides = array<i32>} : memref<8x2048xf32, #tpu.memory_space<vmem>>, vector<16xf32>,
        tpu.vector_store %arg9[%parallel_loop3A_319, %parallel_loop3A_320], %parallel_loop3A_315 {strides = array<i32>} : memref<8x2048xf32, #tpu.memory_space<vmem>>, vector<16xf32>,
        %parallel_loop3A_322 = arith.constant 5 : i32
        %parallel_loop3A_323 = vector.broadcast %parallel_loop3A_322 : i32 to vector<16xi32>
        %parallel_loop3A_324 = tpu.vector_load_idx %arg8[%parallel_loop3A_323, %parallel_loop3A_276] : memref<8x2048xf32, #tpu.memory_space<vmem>>[vector<16xi32>, vector<16xi32>], vector<16xf32>,
        %parallel_loop3A_325 = arith.constant 16 : i32
        %parallel_loop3A_326 = arith.muli %parallel_loop3A_272, %parallel_loop3A_325 : i32
        %parallel_loop3A_327 = arith.constant 5 : i32
        %parallel_loop3A_328 = arith.index_cast %parallel_loop3A_327 : i32 to index
        %parallel_loop3A_329 = arith.index_cast %parallel_loop3A_326 : i32 to index
        %parallel_loop3A_330 = tpu.vector_load %arg9[%parallel_loop3A_328, %parallel_loop3A_329] {strides = array<i32>} : memref<8x2048xf32, #tpu.memory_space<vmem>>, vector<16xf32>,
        tpu.vector_store %arg9[%parallel_loop3A_328, %parallel_loop3A_329], %parallel_loop3A_324 {strides = array<i32>} : memref<8x2048xf32, #tpu.memory_space<vmem>>, vector<16xf32>,
        %parallel_loop3A_331 = arith.constant 6 : i32
        %parallel_loop3A_332 = vector.broadcast %parallel_loop3A_331 : i32 to vector<16xi32>
        %parallel_loop3A_333 = tpu.vector_load_idx %arg8[%parallel_loop3A_332, %parallel_loop3A_276] : memref<8x2048xf32, #tpu.memory_space<vmem>>[vector<16xi32>, vector<16xi32>], vector<16xf32>,
        %parallel_loop3A_334 = arith.constant 16 : i32
        %parallel_loop3A_335 = arith.muli %parallel_loop3A_272, %parallel_loop3A_334 : i32
        %parallel_loop3A_336 = arith.constant 6 : i32
        %parallel_loop3A_337 = arith.index_cast %parallel_loop3A_336 : i32 to index
        %parallel_loop3A_338 = arith.index_cast %parallel_loop3A_335 : i32 to index
        %parallel_loop3A_339 = tpu.vector_load %arg9[%parallel_loop3A_337, %parallel_loop3A_338] {strides = array<i32>} : memref<8x2048xf32, #tpu.memory_space<vmem>>, vector<16xf32>,
        tpu.vector_store %arg9[%parallel_loop3A_337, %parallel_loop3A_338], %parallel_loop3A_333 {strides = array<i32>} : memref<8x2048xf32, #tpu.memory_space<vmem>>, vector<16xf32>,
        %parallel_loop3A_340 = arith.constant 7 : i32
        %parallel_loop3A_341 = vector.broadcast %parallel_loop3A_340 : i32 to vector<16xi32>
        %parallel_loop3A_342 = tpu.vector_load_idx %arg8[%parallel_loop3A_341, %parallel_loop3A_276] : memref<8x2048xf32, #tpu.memory_space<vmem>>[vector<16xi32>, vector<16xi32>], vector<16xf32>,
        %parallel_loop3A_343 = arith.constant 16 : i32
        %parallel_loop3A_344 = arith.muli %parallel_loop3A_272, %parallel_loop3A_343 : i32
        %parallel_loop3A_345 = arith.constant 7 : i32
        %parallel_loop3A_346 = arith.index_cast %parallel_loop3A_345 : i32 to index
        %parallel_loop3A_347 = arith.index_cast %parallel_loop3A_344 : i32 to index
        %parallel_loop3A_348 = tpu.vector_load %arg9[%parallel_loop3A_346, %parallel_loop3A_347] {strides = array<i32>} : memref<8x2048xf32, #tpu.memory_space<vmem>>, vector<16xf32>,
        tpu.vector_store %arg9[%parallel_loop3A_346, %parallel_loop3A_347], %parallel_loop3A_342 {strides = array<i32>} : memref<8x2048xf32, #tpu.memory_space<vmem>>, vector<16xf32>,
      } {sc.loop_unroll_factor = 4 : i64, sc.parallel_access}
      %mul3A_159 = arith.constant 8 : i32
      %mul3A_160 = arith.muli %add3A_143, %mul3A_159 : i32
      %add3A_161 = arith.addi %mul3A_2, %mul3A_160 : i32
      %dma_start3A_162 = arith.constant 0 : i32
      %dma_start3A_163 = tpu.memref_slice %arg4[%add3A_161, %dma_start3A_162] : memref<8192x2048xf32, #tpu.memory_space<hbm>> -> memref<8x2048xf32, #tpu.memory_space<hbm>>
      %dma_start3A_164 = arith.constant 0 : i32
      %dma_start3A_165 = tpu.memref_slice %arg4[%add3A_161, %dma_start3A_164] : memref<8192x2048xf32, #tpu.memory_space<hbm>> -> memref<8x2048xf32, #tpu.memory_space<hbm>>
      tpu.enqueue_dma source(%arg9 : memref<8x2048xf32, #tpu.memory_space<vmem>>) target(%dma_start3A_165 : memref<8x2048xf32, #tpu.memory_space<hbm>>) target_semaphore(%arg14 : memref<!tpu.dma_semaphore, #tpu.memory_space<semaphore_mem>>)
      %add3A_166 = arith.constant 3 : i32
      %add3A_167 = arith.addi %add3A_143, %add3A_166 : i32
      %lt3A_168 = arith.constant 32 : i32
      %lt3A_169 = arith.cmpi slt, %add3A_167, %lt3A_168 : i32
      %convert_element_type3A_170 = arith.extui %lt3A_169 : i1 to i32
      %cond3A_171 = arith.constant 0 : i32
      %cond3A_172 = arith.cmpi ne, %convert_element_type3A_170, %cond3A_171 : i32
      scf.if %cond3A_172 {
        %add3A_272 = arith.constant 3 : i32
        %add3A_273 = arith.addi %add3A_143, %add3A_272 : i32
        %mul3A_274 = arith.constant 8 : i32
        %mul3A_275 = arith.muli %add3A_273, %mul3A_274 : i32
        %add3A_276 = arith.addi %mul3A_2, %mul3A_275 : i32
        %dma_start3A_277 = arith.constant 0 : i32
        %dma_start3A_278 = tpu.memref_slice %arg2[%add3A_276, %dma_start3A_277] : memref<8192x2048xf32, #tpu.memory_space<hbm>> -> memref<8x2048xf32, #tpu.memory_space<hbm>>
        %dma_start3A_279 = arith.constant 0 : i32
        %dma_start3A_280 = tpu.memref_slice %arg2[%add3A_276, %dma_start3A_279] : memref<8192x2048xf32, #tpu.memory_space<hbm>> -> memref<8x2048xf32, #tpu.memory_space<hbm>>
        tpu.enqueue_dma source(%dma_start3A_280 : memref<8x2048xf32, #tpu.memory_space<hbm>>) target(%arg8 : memref<8x2048xf32, #tpu.memory_space<vmem>>) target_semaphore(%arg13 : memref<!tpu.dma_semaphore, #tpu.memory_space<semaphore_mem>>)
      } else {
      }
      %mul3A_173 = arith.constant 6 : i32
      %mul3A_174 = arith.muli %scan3A_77, %mul3A_173 : i32
      %add3A_175 = arith.constant 3 : i32
      %add3A_176 = arith.addi %mul3A_174, %add3A_175 : i32
      %mul3A_177 = arith.constant 8 : i32
      %mul3A_178 = arith.muli %add3A_176, %mul3A_177 : i32
      %add3A_179 = arith.addi %mul3A_2, %mul3A_178 : i32
      %dma_wait3A_180 = arith.constant 0 : i32
      %dma_wait3A_181 = tpu.memref_slice %arg2[%add3A_179, %dma_wait3A_180] : memref<8192x2048xf32, #tpu.memory_space<hbm>> -> memref<8x2048xf32, #tpu.memory_space<hbm>>
      %dma_wait3A_182 = arith.constant 0 : i32
      %dma_wait3A_183 = tpu.memref_slice %arg2[%add3A_179, %dma_wait3A_182] : memref<8192x2048xf32, #tpu.memory_space<hbm>> -> memref<8x2048xf32, #tpu.memory_space<hbm>>
      tpu.wait_dma2 semaphore(%arg11 : memref<!tpu.dma_semaphore, #tpu.memory_space<semaphore_mem>>) src(%dma_wait3A_183 : memref<8x2048xf32, #tpu.memory_space<hbm>>) dst(%arg6 : memref<8x2048xf32, #tpu.memory_space<vmem>>)
      %ge3A_184 = arith.constant 2 : i32
      %ge3A_185 = arith.cmpi sge, %add3A_176, %ge3A_184 : i32
      %convert_element_type3A_186 = arith.extui %ge3A_185 : i1 to i32
      %cond3A_187 = arith.constant 0 : i32
      %cond3A_188 = arith.cmpi ne, %convert_element_type3A_186, %cond3A_187 : i32
      scf.if %cond3A_188 {
        %sub3A = arith.constant 2 : i32
        %sub3A_272 = arith.subi %add3A_176, %sub3A : i32
        %mul3A_273 = arith.constant 8 : i32
        %mul3A_274 = arith.muli %sub3A_272, %mul3A_273 : i32
        %add3A_275 = arith.addi %mul3A_2, %mul3A_274 : i32
        %dma_wait3A_276 = arith.constant 0 : i32
        %dma_wait3A_277 = tpu.memref_slice %arg4[%add3A_275, %dma_wait3A_276] : memref<8192x2048xf32, #tpu.memory_space<hbm>> -> memref<8x2048xf32, #tpu.memory_space<hbm>>
        %dma_wait3A_278 = arith.constant 0 : i32
        %dma_wait3A_279 = tpu.memref_slice %arg4[%add3A_275, %dma_wait3A_278] : memref<8192x2048xf32, #tpu.memory_space<hbm>> -> memref<8x2048xf32, #tpu.memory_space<hbm>>
        tpu.wait_dma2 semaphore(%arg15 : memref<!tpu.dma_semaphore, #tpu.memory_space<semaphore_mem>>) src(%arg10 : memref<8x2048xf32, #tpu.memory_space<vmem>>) dst(%dma_wait3A_279 : memref<8x2048xf32, #tpu.memory_space<hbm>>)
      } else {
      }
      %parallel_loop3A_189 = arith.constant 0 : i32
      %parallel_loop3A_190 = arith.constant 128 : i32
      %parallel_loop3A_191 = arith.constant 1 : i32
      scf.for %parallel_loop3A_272 = %parallel_loop3A_189 to %parallel_loop3A_190 step %parallel_loop3A_191  : i32 {
        %parallel_loop3A_273 = arith.constant 16 : i32
        %parallel_loop3A_274 = arith.muli %parallel_loop3A_272, %parallel_loop3A_273 : i32
        %parallel_loop3A_275 = arith.index_cast %parallel_loop3A_274 : i32 to index
        %parallel_loop3A_276 = tpu.vector_load %arg5[%parallel_loop3A_275] {strides = array<i32>} : memref<2048xi32, #tpu.memory_space<vmem>>, vector<16xi32>,
        %parallel_loop3A_277 = arith.constant 0 : i32
        %parallel_loop3A_278 = vector.broadcast %parallel_loop3A_277 : i32 to vector<16xi32>
        %parallel_loop3A_279 = tpu.vector_load_idx %arg6[%parallel_loop3A_278, %parallel_loop3A_276] : memref<8x2048xf32, #tpu.memory_space<vmem>>[vector<16xi32>, vector<16xi32>], vector<16xf32>,
        %parallel_loop3A_280 = arith.constant 16 : i32
        %parallel_loop3A_281 = arith.muli %parallel_loop3A_272, %parallel_loop3A_280 : i32
        %parallel_loop3A_282 = arith.constant 0 : i32
        %parallel_loop3A_283 = arith.index_cast %parallel_loop3A_282 : i32 to index
        %parallel_loop3A_284 = arith.index_cast %parallel_loop3A_281 : i32 to index
        %parallel_loop3A_285 = tpu.vector_load %arg10[%parallel_loop3A_283, %parallel_loop3A_284] {strides = array<i32>} : memref<8x2048xf32, #tpu.memory_space<vmem>>, vector<16xf32>,
        tpu.vector_store %arg10[%parallel_loop3A_283, %parallel_loop3A_284], %parallel_loop3A_279 {strides = array<i32>} : memref<8x2048xf32, #tpu.memory_space<vmem>>, vector<16xf32>,
        %parallel_loop3A_286 = arith.constant 1 : i32
        %parallel_loop3A_287 = vector.broadcast %parallel_loop3A_286 : i32 to vector<16xi32>
        %parallel_loop3A_288 = tpu.vector_load_idx %arg6[%parallel_loop3A_287, %parallel_loop3A_276] : memref<8x2048xf32, #tpu.memory_space<vmem>>[vector<16xi32>, vector<16xi32>], vector<16xf32>,
        %parallel_loop3A_289 = arith.constant 16 : i32
        %parallel_loop3A_290 = arith.muli %parallel_loop3A_272, %parallel_loop3A_289 : i32
        %parallel_loop3A_291 = arith.constant 1 : i32
        %parallel_loop3A_292 = arith.index_cast %parallel_loop3A_291 : i32 to index
        %parallel_loop3A_293 = arith.index_cast %parallel_loop3A_290 : i32 to index
        %parallel_loop3A_294 = tpu.vector_load %arg10[%parallel_loop3A_292, %parallel_loop3A_293] {strides = array<i32>} : memref<8x2048xf32, #tpu.memory_space<vmem>>, vector<16xf32>,
        tpu.vector_store %arg10[%parallel_loop3A_292, %parallel_loop3A_293], %parallel_loop3A_288 {strides = array<i32>} : memref<8x2048xf32, #tpu.memory_space<vmem>>, vector<16xf32>,
        %parallel_loop3A_295 = arith.constant 2 : i32
        %parallel_loop3A_296 = vector.broadcast %parallel_loop3A_295 : i32 to vector<16xi32>
        %parallel_loop3A_297 = tpu.vector_load_idx %arg6[%parallel_loop3A_296, %parallel_loop3A_276] : memref<8x2048xf32, #tpu.memory_space<vmem>>[vector<16xi32>, vector<16xi32>], vector<16xf32>,
        %parallel_loop3A_298 = arith.constant 16 : i32
        %parallel_loop3A_299 = arith.muli %parallel_loop3A_272, %parallel_loop3A_298 : i32
        %parallel_loop3A_300 = arith.constant 2 : i32
        %parallel_loop3A_301 = arith.index_cast %parallel_loop3A_300 : i32 to index
        %parallel_loop3A_302 = arith.index_cast %parallel_loop3A_299 : i32 to index
        %parallel_loop3A_303 = tpu.vector_load %arg10[%parallel_loop3A_301, %parallel_loop3A_302] {strides = array<i32>} : memref<8x2048xf32, #tpu.memory_space<vmem>>, vector<16xf32>,
        tpu.vector_store %arg10[%parallel_loop3A_301, %parallel_loop3A_302], %parallel_loop3A_297 {strides = array<i32>} : memref<8x2048xf32, #tpu.memory_space<vmem>>, vector<16xf32>,
        %parallel_loop3A_304 = arith.constant 3 : i32
        %parallel_loop3A_305 = vector.broadcast %parallel_loop3A_304 : i32 to vector<16xi32>
        %parallel_loop3A_306 = tpu.vector_load_idx %arg6[%parallel_loop3A_305, %parallel_loop3A_276] : memref<8x2048xf32, #tpu.memory_space<vmem>>[vector<16xi32>, vector<16xi32>], vector<16xf32>,
        %parallel_loop3A_307 = arith.constant 16 : i32
        %parallel_loop3A_308 = arith.muli %parallel_loop3A_272, %parallel_loop3A_307 : i32
        %parallel_loop3A_309 = arith.constant 3 : i32
        %parallel_loop3A_310 = arith.index_cast %parallel_loop3A_309 : i32 to index
        %parallel_loop3A_311 = arith.index_cast %parallel_loop3A_308 : i32 to index
        %parallel_loop3A_312 = tpu.vector_load %arg10[%parallel_loop3A_310, %parallel_loop3A_311] {strides = array<i32>} : memref<8x2048xf32, #tpu.memory_space<vmem>>, vector<16xf32>,
        tpu.vector_store %arg10[%parallel_loop3A_310, %parallel_loop3A_311], %parallel_loop3A_306 {strides = array<i32>} : memref<8x2048xf32, #tpu.memory_space<vmem>>, vector<16xf32>,
        %parallel_loop3A_313 = arith.constant 4 : i32
        %parallel_loop3A_314 = vector.broadcast %parallel_loop3A_313 : i32 to vector<16xi32>
        %parallel_loop3A_315 = tpu.vector_load_idx %arg6[%parallel_loop3A_314, %parallel_loop3A_276] : memref<8x2048xf32, #tpu.memory_space<vmem>>[vector<16xi32>, vector<16xi32>], vector<16xf32>,
        %parallel_loop3A_316 = arith.constant 16 : i32
        %parallel_loop3A_317 = arith.muli %parallel_loop3A_272, %parallel_loop3A_316 : i32
        %parallel_loop3A_318 = arith.constant 4 : i32
        %parallel_loop3A_319 = arith.index_cast %parallel_loop3A_318 : i32 to index
        %parallel_loop3A_320 = arith.index_cast %parallel_loop3A_317 : i32 to index
        %parallel_loop3A_321 = tpu.vector_load %arg10[%parallel_loop3A_319, %parallel_loop3A_320] {strides = array<i32>} : memref<8x2048xf32, #tpu.memory_space<vmem>>, vector<16xf32>,
        tpu.vector_store %arg10[%parallel_loop3A_319, %parallel_loop3A_320], %parallel_loop3A_315 {strides = array<i32>} : memref<8x2048xf32, #tpu.memory_space<vmem>>, vector<16xf32>,
        %parallel_loop3A_322 = arith.constant 5 : i32
        %parallel_loop3A_323 = vector.broadcast %parallel_loop3A_322 : i32 to vector<16xi32>
        %parallel_loop3A_324 = tpu.vector_load_idx %arg6[%parallel_loop3A_323, %parallel_loop3A_276] : memref<8x2048xf32, #tpu.memory_space<vmem>>[vector<16xi32>, vector<16xi32>], vector<16xf32>,
        %parallel_loop3A_325 = arith.constant 16 : i32
        %parallel_loop3A_326 = arith.muli %parallel_loop3A_272, %parallel_loop3A_325 : i32
        %parallel_loop3A_327 = arith.constant 5 : i32
        %parallel_loop3A_328 = arith.index_cast %parallel_loop3A_327 : i32 to index
        %parallel_loop3A_329 = arith.index_cast %parallel_loop3A_326 : i32 to index
        %parallel_loop3A_330 = tpu.vector_load %arg10[%parallel_loop3A_328, %parallel_loop3A_329] {strides = array<i32>} : memref<8x2048xf32, #tpu.memory_space<vmem>>, vector<16xf32>,
        tpu.vector_store %arg10[%parallel_loop3A_328, %parallel_loop3A_329], %parallel_loop3A_324 {strides = array<i32>} : memref<8x2048xf32, #tpu.memory_space<vmem>>, vector<16xf32>,
        %parallel_loop3A_331 = arith.constant 6 : i32
        %parallel_loop3A_332 = vector.broadcast %parallel_loop3A_331 : i32 to vector<16xi32>
        %parallel_loop3A_333 = tpu.vector_load_idx %arg6[%parallel_loop3A_332, %parallel_loop3A_276] : memref<8x2048xf32, #tpu.memory_space<vmem>>[vector<16xi32>, vector<16xi32>], vector<16xf32>,
        %parallel_loop3A_334 = arith.constant 16 : i32
        %parallel_loop3A_335 = arith.muli %parallel_loop3A_272, %parallel_loop3A_334 : i32
        %parallel_loop3A_336 = arith.constant 6 : i32
        %parallel_loop3A_337 = arith.index_cast %parallel_loop3A_336 : i32 to index
        %parallel_loop3A_338 = arith.index_cast %parallel_loop3A_335 : i32 to index
        %parallel_loop3A_339 = tpu.vector_load %arg10[%parallel_loop3A_337, %parallel_loop3A_338] {strides = array<i32>} : memref<8x2048xf32, #tpu.memory_space<vmem>>, vector<16xf32>,
        tpu.vector_store %arg10[%parallel_loop3A_337, %parallel_loop3A_338], %parallel_loop3A_333 {strides = array<i32>} : memref<8x2048xf32, #tpu.memory_space<vmem>>, vector<16xf32>,
        %parallel_loop3A_340 = arith.constant 7 : i32
        %parallel_loop3A_341 = vector.broadcast %parallel_loop3A_340 : i32 to vector<16xi32>
        %parallel_loop3A_342 = tpu.vector_load_idx %arg6[%parallel_loop3A_341, %parallel_loop3A_276] : memref<8x2048xf32, #tpu.memory_space<vmem>>[vector<16xi32>, vector<16xi32>], vector<16xf32>,
        %parallel_loop3A_343 = arith.constant 16 : i32
        %parallel_loop3A_344 = arith.muli %parallel_loop3A_272, %parallel_loop3A_343 : i32
        %parallel_loop3A_345 = arith.constant 7 : i32
        %parallel_loop3A_346 = arith.index_cast %parallel_loop3A_345 : i32 to index
        %parallel_loop3A_347 = arith.index_cast %parallel_loop3A_344 : i32 to index
        %parallel_loop3A_348 = tpu.vector_load %arg10[%parallel_loop3A_346, %parallel_loop3A_347] {strides = array<i32>} : memref<8x2048xf32, #tpu.memory_space<vmem>>, vector<16xf32>,
        tpu.vector_store %arg10[%parallel_loop3A_346, %parallel_loop3A_347], %parallel_loop3A_342 {strides = array<i32>} : memref<8x2048xf32, #tpu.memory_space<vmem>>, vector<16xf32>,
      } {sc.loop_unroll_factor = 4 : i64, sc.parallel_access}
      %mul3A_192 = arith.constant 8 : i32
      %mul3A_193 = arith.muli %add3A_176, %mul3A_192 : i32
      %add3A_194 = arith.addi %mul3A_2, %mul3A_193 : i32
      %dma_start3A_195 = arith.constant 0 : i32
      %dma_start3A_196 = tpu.memref_slice %arg4[%add3A_194, %dma_start3A_195] : memref<8192x2048xf32, #tpu.memory_space<hbm>> -> memref<8x2048xf32, #tpu.memory_space<hbm>>
      %dma_start3A_197 = arith.constant 0 : i32
      %dma_start3A_198 = tpu.memref_slice %arg4[%add3A_194, %dma_start3A_197] : memref<8192x2048xf32, #tpu.memory_space<hbm>> -> memref<8x2048xf32, #tpu.memory_space<hbm>>
      tpu.enqueue_dma source(%arg10 : memref<8x2048xf32, #tpu.memory_space<vmem>>) target(%dma_start3A_198 : memref<8x2048xf32, #tpu.memory_space<hbm>>) target_semaphore(%arg15 : memref<!tpu.dma_semaphore, #tpu.memory_space<semaphore_mem>>)
      %add3A_199 = arith.constant 3 : i32
      %add3A_200 = arith.addi %add3A_176, %add3A_199 : i32
      %lt3A_201 = arith.constant 32 : i32
      %lt3A_202 = arith.cmpi slt, %add3A_200, %lt3A_201 : i32
      %convert_element_type3A_203 = arith.extui %lt3A_202 : i1 to i32
      %cond3A_204 = arith.constant 0 : i32
      %cond3A_205 = arith.cmpi ne, %convert_element_type3A_203, %cond3A_204 : i32
      scf.if %cond3A_205 {
        %add3A_272 = arith.constant 3 : i32
        %add3A_273 = arith.addi %add3A_176, %add3A_272 : i32
        %mul3A_274 = arith.constant 8 : i32
        %mul3A_275 = arith.muli %add3A_273, %mul3A_274 : i32
        %add3A_276 = arith.addi %mul3A_2, %mul3A_275 : i32
        %dma_start3A_277 = arith.constant 0 : i32
        %dma_start3A_278 = tpu.memref_slice %arg2[%add3A_276, %dma_start3A_277] : memref<8192x2048xf32, #tpu.memory_space<hbm>> -> memref<8x2048xf32, #tpu.memory_space<hbm>>
        %dma_start3A_279 = arith.constant 0 : i32
        %dma_start3A_280 = tpu.memref_slice %arg2[%add3A_276, %dma_start3A_279] : memref<8192x2048xf32, #tpu.memory_space<hbm>> -> memref<8x2048xf32, #tpu.memory_space<hbm>>
        tpu.enqueue_dma source(%dma_start3A_280 : memref<8x2048xf32, #tpu.memory_space<hbm>>) target(%arg6 : memref<8x2048xf32, #tpu.memory_space<vmem>>) target_semaphore(%arg11 : memref<!tpu.dma_semaphore, #tpu.memory_space<semaphore_mem>>)
      } else {
      }
      %mul3A_206 = arith.constant 6 : i32
      %mul3A_207 = arith.muli %scan3A_77, %mul3A_206 : i32
      %add3A_208 = arith.constant 4 : i32
      %add3A_209 = arith.addi %mul3A_207, %add3A_208 : i32
      %mul3A_210 = arith.constant 8 : i32
      %mul3A_211 = arith.muli %add3A_209, %mul3A_210 : i32
      %add3A_212 = arith.addi %mul3A_2, %mul3A_211 : i32
      %dma_wait3A_213 = arith.constant 0 : i32
      %dma_wait3A_214 = tpu.memref_slice %arg2[%add3A_212, %dma_wait3A_213] : memref<8192x2048xf32, #tpu.memory_space<hbm>> -> memref<8x2048xf32, #tpu.memory_space<hbm>>
      %dma_wait3A_215 = arith.constant 0 : i32
      %dma_wait3A_216 = tpu.memref_slice %arg2[%add3A_212, %dma_wait3A_215] : memref<8192x2048xf32, #tpu.memory_space<hbm>> -> memref<8x2048xf32, #tpu.memory_space<hbm>>
      tpu.wait_dma2 semaphore(%arg12 : memref<!tpu.dma_semaphore, #tpu.memory_space<semaphore_mem>>) src(%dma_wait3A_216 : memref<8x2048xf32, #tpu.memory_space<hbm>>) dst(%arg7 : memref<8x2048xf32, #tpu.memory_space<vmem>>)
      %ge3A_217 = arith.constant 2 : i32
      %ge3A_218 = arith.cmpi sge, %add3A_209, %ge3A_217 : i32
      %convert_element_type3A_219 = arith.extui %ge3A_218 : i1 to i32
      %cond3A_220 = arith.constant 0 : i32
      %cond3A_221 = arith.cmpi ne, %convert_element_type3A_219, %cond3A_220 : i32
      scf.if %cond3A_221 {
        %sub3A = arith.constant 2 : i32
        %sub3A_272 = arith.subi %add3A_209, %sub3A : i32
        %mul3A_273 = arith.constant 8 : i32
        %mul3A_274 = arith.muli %sub3A_272, %mul3A_273 : i32
        %add3A_275 = arith.addi %mul3A_2, %mul3A_274 : i32
        %dma_wait3A_276 = arith.constant 0 : i32
        %dma_wait3A_277 = tpu.memref_slice %arg4[%add3A_275, %dma_wait3A_276] : memref<8192x2048xf32, #tpu.memory_space<hbm>> -> memref<8x2048xf32, #tpu.memory_space<hbm>>
        %dma_wait3A_278 = arith.constant 0 : i32
        %dma_wait3A_279 = tpu.memref_slice %arg4[%add3A_275, %dma_wait3A_278] : memref<8192x2048xf32, #tpu.memory_space<hbm>> -> memref<8x2048xf32, #tpu.memory_space<hbm>>
        tpu.wait_dma2 semaphore(%arg14 : memref<!tpu.dma_semaphore, #tpu.memory_space<semaphore_mem>>) src(%arg9 : memref<8x2048xf32, #tpu.memory_space<vmem>>) dst(%dma_wait3A_279 : memref<8x2048xf32, #tpu.memory_space<hbm>>)
      } else {
      }
      %parallel_loop3A_222 = arith.constant 0 : i32
      %parallel_loop3A_223 = arith.constant 128 : i32
      %parallel_loop3A_224 = arith.constant 1 : i32
      scf.for %parallel_loop3A_272 = %parallel_loop3A_222 to %parallel_loop3A_223 step %parallel_loop3A_224  : i32 {
        %parallel_loop3A_273 = arith.constant 16 : i32
        %parallel_loop3A_274 = arith.muli %parallel_loop3A_272, %parallel_loop3A_273 : i32
        %parallel_loop3A_275 = arith.index_cast %parallel_loop3A_274 : i32 to index
        %parallel_loop3A_276 = tpu.vector_load %arg5[%parallel_loop3A_275] {strides = array<i32>} : memref<2048xi32, #tpu.memory_space<vmem>>, vector<16xi32>,
        %parallel_loop3A_277 = arith.constant 0 : i32
        %parallel_loop3A_278 = vector.broadcast %parallel_loop3A_277 : i32 to vector<16xi32>
        %parallel_loop3A_279 = tpu.vector_load_idx %arg7[%parallel_loop3A_278, %parallel_loop3A_276] : memref<8x2048xf32, #tpu.memory_space<vmem>>[vector<16xi32>, vector<16xi32>], vector<16xf32>,
        %parallel_loop3A_280 = arith.constant 16 : i32
        %parallel_loop3A_281 = arith.muli %parallel_loop3A_272, %parallel_loop3A_280 : i32
        %parallel_loop3A_282 = arith.constant 0 : i32
        %parallel_loop3A_283 = arith.index_cast %parallel_loop3A_282 : i32 to index
        %parallel_loop3A_284 = arith.index_cast %parallel_loop3A_281 : i32 to index
        %parallel_loop3A_285 = tpu.vector_load %arg9[%parallel_loop3A_283, %parallel_loop3A_284] {strides = array<i32>} : memref<8x2048xf32, #tpu.memory_space<vmem>>, vector<16xf32>,
        tpu.vector_store %arg9[%parallel_loop3A_283, %parallel_loop3A_284], %parallel_loop3A_279 {strides = array<i32>} : memref<8x2048xf32, #tpu.memory_space<vmem>>, vector<16xf32>,
        %parallel_loop3A_286 = arith.constant 1 : i32
        %parallel_loop3A_287 = vector.broadcast %parallel_loop3A_286 : i32 to vector<16xi32>
        %parallel_loop3A_288 = tpu.vector_load_idx %arg7[%parallel_loop3A_287, %parallel_loop3A_276] : memref<8x2048xf32, #tpu.memory_space<vmem>>[vector<16xi32>, vector<16xi32>], vector<16xf32>,
        %parallel_loop3A_289 = arith.constant 16 : i32
        %parallel_loop3A_290 = arith.muli %parallel_loop3A_272, %parallel_loop3A_289 : i32
        %parallel_loop3A_291 = arith.constant 1 : i32
        %parallel_loop3A_292 = arith.index_cast %parallel_loop3A_291 : i32 to index
        %parallel_loop3A_293 = arith.index_cast %parallel_loop3A_290 : i32 to index
        %parallel_loop3A_294 = tpu.vector_load %arg9[%parallel_loop3A_292, %parallel_loop3A_293] {strides = array<i32>} : memref<8x2048xf32, #tpu.memory_space<vmem>>, vector<16xf32>,
        tpu.vector_store %arg9[%parallel_loop3A_292, %parallel_loop3A_293], %parallel_loop3A_288 {strides = array<i32>} : memref<8x2048xf32, #tpu.memory_space<vmem>>, vector<16xf32>,
        %parallel_loop3A_295 = arith.constant 2 : i32
        %parallel_loop3A_296 = vector.broadcast %parallel_loop3A_295 : i32 to vector<16xi32>
        %parallel_loop3A_297 = tpu.vector_load_idx %arg7[%parallel_loop3A_296, %parallel_loop3A_276] : memref<8x2048xf32, #tpu.memory_space<vmem>>[vector<16xi32>, vector<16xi32>], vector<16xf32>,
        %parallel_loop3A_298 = arith.constant 16 : i32
        %parallel_loop3A_299 = arith.muli %parallel_loop3A_272, %parallel_loop3A_298 : i32
        %parallel_loop3A_300 = arith.constant 2 : i32
        %parallel_loop3A_301 = arith.index_cast %parallel_loop3A_300 : i32 to index
        %parallel_loop3A_302 = arith.index_cast %parallel_loop3A_299 : i32 to index
        %parallel_loop3A_303 = tpu.vector_load %arg9[%parallel_loop3A_301, %parallel_loop3A_302] {strides = array<i32>} : memref<8x2048xf32, #tpu.memory_space<vmem>>, vector<16xf32>,
        tpu.vector_store %arg9[%parallel_loop3A_301, %parallel_loop3A_302], %parallel_loop3A_297 {strides = array<i32>} : memref<8x2048xf32, #tpu.memory_space<vmem>>, vector<16xf32>,
        %parallel_loop3A_304 = arith.constant 3 : i32
        %parallel_loop3A_305 = vector.broadcast %parallel_loop3A_304 : i32 to vector<16xi32>
        %parallel_loop3A_306 = tpu.vector_load_idx %arg7[%parallel_loop3A_305, %parallel_loop3A_276] : memref<8x2048xf32, #tpu.memory_space<vmem>>[vector<16xi32>, vector<16xi32>], vector<16xf32>,
        %parallel_loop3A_307 = arith.constant 16 : i32
        %parallel_loop3A_308 = arith.muli %parallel_loop3A_272, %parallel_loop3A_307 : i32
        %parallel_loop3A_309 = arith.constant 3 : i32
        %parallel_loop3A_310 = arith.index_cast %parallel_loop3A_309 : i32 to index
        %parallel_loop3A_311 = arith.index_cast %parallel_loop3A_308 : i32 to index
        %parallel_loop3A_312 = tpu.vector_load %arg9[%parallel_loop3A_310, %parallel_loop3A_311] {strides = array<i32>} : memref<8x2048xf32, #tpu.memory_space<vmem>>, vector<16xf32>,
        tpu.vector_store %arg9[%parallel_loop3A_310, %parallel_loop3A_311], %parallel_loop3A_306 {strides = array<i32>} : memref<8x2048xf32, #tpu.memory_space<vmem>>, vector<16xf32>,
        %parallel_loop3A_313 = arith.constant 4 : i32
        %parallel_loop3A_314 = vector.broadcast %parallel_loop3A_313 : i32 to vector<16xi32>
        %parallel_loop3A_315 = tpu.vector_load_idx %arg7[%parallel_loop3A_314, %parallel_loop3A_276] : memref<8x2048xf32, #tpu.memory_space<vmem>>[vector<16xi32>, vector<16xi32>], vector<16xf32>,
        %parallel_loop3A_316 = arith.constant 16 : i32
        %parallel_loop3A_317 = arith.muli %parallel_loop3A_272, %parallel_loop3A_316 : i32
        %parallel_loop3A_318 = arith.constant 4 : i32
        %parallel_loop3A_319 = arith.index_cast %parallel_loop3A_318 : i32 to index
        %parallel_loop3A_320 = arith.index_cast %parallel_loop3A_317 : i32 to index
        %parallel_loop3A_321 = tpu.vector_load %arg9[%parallel_loop3A_319, %parallel_loop3A_320] {strides = array<i32>} : memref<8x2048xf32, #tpu.memory_space<vmem>>, vector<16xf32>,
        tpu.vector_store %arg9[%parallel_loop3A_319, %parallel_loop3A_320], %parallel_loop3A_315 {strides = array<i32>} : memref<8x2048xf32, #tpu.memory_space<vmem>>, vector<16xf32>,
        %parallel_loop3A_322 = arith.constant 5 : i32
        %parallel_loop3A_323 = vector.broadcast %parallel_loop3A_322 : i32 to vector<16xi32>
        %parallel_loop3A_324 = tpu.vector_load_idx %arg7[%parallel_loop3A_323, %parallel_loop3A_276] : memref<8x2048xf32, #tpu.memory_space<vmem>>[vector<16xi32>, vector<16xi32>], vector<16xf32>,
        %parallel_loop3A_325 = arith.constant 16 : i32
        %parallel_loop3A_326 = arith.muli %parallel_loop3A_272, %parallel_loop3A_325 : i32
        %parallel_loop3A_327 = arith.constant 5 : i32
        %parallel_loop3A_328 = arith.index_cast %parallel_loop3A_327 : i32 to index
        %parallel_loop3A_329 = arith.index_cast %parallel_loop3A_326 : i32 to index
        %parallel_loop3A_330 = tpu.vector_load %arg9[%parallel_loop3A_328, %parallel_loop3A_329] {strides = array<i32>} : memref<8x2048xf32, #tpu.memory_space<vmem>>, vector<16xf32>,
        tpu.vector_store %arg9[%parallel_loop3A_328, %parallel_loop3A_329], %parallel_loop3A_324 {strides = array<i32>} : memref<8x2048xf32, #tpu.memory_space<vmem>>, vector<16xf32>,
        %parallel_loop3A_331 = arith.constant 6 : i32
        %parallel_loop3A_332 = vector.broadcast %parallel_loop3A_331 : i32 to vector<16xi32>
        %parallel_loop3A_333 = tpu.vector_load_idx %arg7[%parallel_loop3A_332, %parallel_loop3A_276] : memref<8x2048xf32, #tpu.memory_space<vmem>>[vector<16xi32>, vector<16xi32>], vector<16xf32>,
        %parallel_loop3A_334 = arith.constant 16 : i32
        %parallel_loop3A_335 = arith.muli %parallel_loop3A_272, %parallel_loop3A_334 : i32
        %parallel_loop3A_336 = arith.constant 6 : i32
        %parallel_loop3A_337 = arith.index_cast %parallel_loop3A_336 : i32 to index
        %parallel_loop3A_338 = arith.index_cast %parallel_loop3A_335 : i32 to index
        %parallel_loop3A_339 = tpu.vector_load %arg9[%parallel_loop3A_337, %parallel_loop3A_338] {strides = array<i32>} : memref<8x2048xf32, #tpu.memory_space<vmem>>, vector<16xf32>,
        tpu.vector_store %arg9[%parallel_loop3A_337, %parallel_loop3A_338], %parallel_loop3A_333 {strides = array<i32>} : memref<8x2048xf32, #tpu.memory_space<vmem>>, vector<16xf32>,
        %parallel_loop3A_340 = arith.constant 7 : i32
        %parallel_loop3A_341 = vector.broadcast %parallel_loop3A_340 : i32 to vector<16xi32>
        %parallel_loop3A_342 = tpu.vector_load_idx %arg7[%parallel_loop3A_341, %parallel_loop3A_276] : memref<8x2048xf32, #tpu.memory_space<vmem>>[vector<16xi32>, vector<16xi32>], vector<16xf32>,
        %parallel_loop3A_343 = arith.constant 16 : i32
        %parallel_loop3A_344 = arith.muli %parallel_loop3A_272, %parallel_loop3A_343 : i32
        %parallel_loop3A_345 = arith.constant 7 : i32
        %parallel_loop3A_346 = arith.index_cast %parallel_loop3A_345 : i32 to index
        %parallel_loop3A_347 = arith.index_cast %parallel_loop3A_344 : i32 to index
        %parallel_loop3A_348 = tpu.vector_load %arg9[%parallel_loop3A_346, %parallel_loop3A_347] {strides = array<i32>} : memref<8x2048xf32, #tpu.memory_space<vmem>>, vector<16xf32>,
        tpu.vector_store %arg9[%parallel_loop3A_346, %parallel_loop3A_347], %parallel_loop3A_342 {strides = array<i32>} : memref<8x2048xf32, #tpu.memory_space<vmem>>, vector<16xf32>,
      } {sc.loop_unroll_factor = 4 : i64, sc.parallel_access}
      %mul3A_225 = arith.constant 8 : i32
      %mul3A_226 = arith.muli %add3A_209, %mul3A_225 : i32
      %add3A_227 = arith.addi %mul3A_2, %mul3A_226 : i32
      %dma_start3A_228 = arith.constant 0 : i32
      %dma_start3A_229 = tpu.memref_slice %arg4[%add3A_227, %dma_start3A_228] : memref<8192x2048xf32, #tpu.memory_space<hbm>> -> memref<8x2048xf32, #tpu.memory_space<hbm>>
      %dma_start3A_230 = arith.constant 0 : i32
      %dma_start3A_231 = tpu.memref_slice %arg4[%add3A_227, %dma_start3A_230] : memref<8192x2048xf32, #tpu.memory_space<hbm>> -> memref<8x2048xf32, #tpu.memory_space<hbm>>
      tpu.enqueue_dma source(%arg9 : memref<8x2048xf32, #tpu.memory_space<vmem>>) target(%dma_start3A_231 : memref<8x2048xf32, #tpu.memory_space<hbm>>) target_semaphore(%arg14 : memref<!tpu.dma_semaphore, #tpu.memory_space<semaphore_mem>>)
      %add3A_232 = arith.constant 3 : i32
      %add3A_233 = arith.addi %add3A_209, %add3A_232 : i32
      %lt3A_234 = arith.constant 32 : i32
      %lt3A_235 = arith.cmpi slt, %add3A_233, %lt3A_234 : i32
      %convert_element_type3A_236 = arith.extui %lt3A_235 : i1 to i32
      %cond3A_237 = arith.constant 0 : i32
      %cond3A_238 = arith.cmpi ne, %convert_element_type3A_236, %cond3A_237 : i32
      scf.if %cond3A_238 {
        %add3A_272 = arith.constant 3 : i32
        %add3A_273 = arith.addi %add3A_209, %add3A_272 : i32
        %mul3A_274 = arith.constant 8 : i32
        %mul3A_275 = arith.muli %add3A_273, %mul3A_274 : i32
        %add3A_276 = arith.addi %mul3A_2, %mul3A_275 : i32
        %dma_start3A_277 = arith.constant 0 : i32
        %dma_start3A_278 = tpu.memref_slice %arg2[%add3A_276, %dma_start3A_277] : memref<8192x2048xf32, #tpu.memory_space<hbm>> -> memref<8x2048xf32, #tpu.memory_space<hbm>>
        %dma_start3A_279 = arith.constant 0 : i32
        %dma_start3A_280 = tpu.memref_slice %arg2[%add3A_276, %dma_start3A_279] : memref<8192x2048xf32, #tpu.memory_space<hbm>> -> memref<8x2048xf32, #tpu.memory_space<hbm>>
        tpu.enqueue_dma source(%dma_start3A_280 : memref<8x2048xf32, #tpu.memory_space<hbm>>) target(%arg7 : memref<8x2048xf32, #tpu.memory_space<vmem>>) target_semaphore(%arg12 : memref<!tpu.dma_semaphore, #tpu.memory_space<semaphore_mem>>)
      } else {
      }
      %mul3A_239 = arith.constant 6 : i32
      %mul3A_240 = arith.muli %scan3A_77, %mul3A_239 : i32
      %add3A_241 = arith.constant 5 : i32
      %add3A_242 = arith.addi %mul3A_240, %add3A_241 : i32
      %mul3A_243 = arith.constant 8 : i32
      %mul3A_244 = arith.muli %add3A_242, %mul3A_243 : i32
      %add3A_245 = arith.addi %mul3A_2, %mul3A_244 : i32
      %dma_wait3A_246 = arith.constant 0 : i32
      %dma_wait3A_247 = tpu.memref_slice %arg2[%add3A_245, %dma_wait3A_246] : memref<8192x2048xf32, #tpu.memory_space<hbm>> -> memref<8x2048xf32, #tpu.memory_space<hbm>>
      %dma_wait3A_248 = arith.constant 0 : i32
      %dma_wait3A_249 = tpu.memref_slice %arg2[%add3A_245, %dma_wait3A_248] : memref<8192x2048xf32, #tpu.memory_space<hbm>> -> memref<8x2048xf32, #tpu.memory_space<hbm>>
      tpu.wait_dma2 semaphore(%arg13 : memref<!tpu.dma_semaphore, #tpu.memory_space<semaphore_mem>>) src(%dma_wait3A_249 : memref<8x2048xf32, #tpu.memory_space<hbm>>) dst(%arg8 : memref<8x2048xf32, #tpu.memory_space<vmem>>)
      %ge3A_250 = arith.constant 2 : i32
      %ge3A_251 = arith.cmpi sge, %add3A_242, %ge3A_250 : i32
      %convert_element_type3A_252 = arith.extui %ge3A_251 : i1 to i32
      %cond3A_253 = arith.constant 0 : i32
      %cond3A_254 = arith.cmpi ne, %convert_element_type3A_252, %cond3A_253 : i32
      scf.if %cond3A_254 {
        %sub3A = arith.constant 2 : i32
        %sub3A_272 = arith.subi %add3A_242, %sub3A : i32
        %mul3A_273 = arith.constant 8 : i32
        %mul3A_274 = arith.muli %sub3A_272, %mul3A_273 : i32
        %add3A_275 = arith.addi %mul3A_2, %mul3A_274 : i32
        %dma_wait3A_276 = arith.constant 0 : i32
        %dma_wait3A_277 = tpu.memref_slice %arg4[%add3A_275, %dma_wait3A_276] : memref<8192x2048xf32, #tpu.memory_space<hbm>> -> memref<8x2048xf32, #tpu.memory_space<hbm>>
        %dma_wait3A_278 = arith.constant 0 : i32
        %dma_wait3A_279 = tpu.memref_slice %arg4[%add3A_275, %dma_wait3A_278] : memref<8192x2048xf32, #tpu.memory_space<hbm>> -> memref<8x2048xf32, #tpu.memory_space<hbm>>
        tpu.wait_dma2 semaphore(%arg15 : memref<!tpu.dma_semaphore, #tpu.memory_space<semaphore_mem>>) src(%arg10 : memref<8x2048xf32, #tpu.memory_space<vmem>>) dst(%dma_wait3A_279 : memref<8x2048xf32, #tpu.memory_space<hbm>>)
      } else {
      }
      %parallel_loop3A_255 = arith.constant 0 : i32
      %parallel_loop3A_256 = arith.constant 128 : i32
      %parallel_loop3A_257 = arith.constant 1 : i32
      scf.for %parallel_loop3A_272 = %parallel_loop3A_255 to %parallel_loop3A_256 step %parallel_loop3A_257  : i32 {
        %parallel_loop3A_273 = arith.constant 16 : i32
        %parallel_loop3A_274 = arith.muli %parallel_loop3A_272, %parallel_loop3A_273 : i32
        %parallel_loop3A_275 = arith.index_cast %parallel_loop3A_274 : i32 to index
        %parallel_loop3A_276 = tpu.vector_load %arg5[%parallel_loop3A_275] {strides = array<i32>} : memref<2048xi32, #tpu.memory_space<vmem>>, vector<16xi32>,
        %parallel_loop3A_277 = arith.constant 0 : i32
        %parallel_loop3A_278 = vector.broadcast %parallel_loop3A_277 : i32 to vector<16xi32>
        %parallel_loop3A_279 = tpu.vector_load_idx %arg8[%parallel_loop3A_278, %parallel_loop3A_276] : memref<8x2048xf32, #tpu.memory_space<vmem>>[vector<16xi32>, vector<16xi32>], vector<16xf32>,
        %parallel_loop3A_280 = arith.constant 16 : i32
        %parallel_loop3A_281 = arith.muli %parallel_loop3A_272, %parallel_loop3A_280 : i32
        %parallel_loop3A_282 = arith.constant 0 : i32
        %parallel_loop3A_283 = arith.index_cast %parallel_loop3A_282 : i32 to index
        %parallel_loop3A_284 = arith.index_cast %parallel_loop3A_281 : i32 to index
        %parallel_loop3A_285 = tpu.vector_load %arg10[%parallel_loop3A_283, %parallel_loop3A_284] {strides = array<i32>} : memref<8x2048xf32, #tpu.memory_space<vmem>>, vector<16xf32>,
        tpu.vector_store %arg10[%parallel_loop3A_283, %parallel_loop3A_284], %parallel_loop3A_279 {strides = array<i32>} : memref<8x2048xf32, #tpu.memory_space<vmem>>, vector<16xf32>,
        %parallel_loop3A_286 = arith.constant 1 : i32
        %parallel_loop3A_287 = vector.broadcast %parallel_loop3A_286 : i32 to vector<16xi32>
        %parallel_loop3A_288 = tpu.vector_load_idx %arg8[%parallel_loop3A_287, %parallel_loop3A_276] : memref<8x2048xf32, #tpu.memory_space<vmem>>[vector<16xi32>, vector<16xi32>], vector<16xf32>,
        %parallel_loop3A_289 = arith.constant 16 : i32
        %parallel_loop3A_290 = arith.muli %parallel_loop3A_272, %parallel_loop3A_289 : i32
        %parallel_loop3A_291 = arith.constant 1 : i32
        %parallel_loop3A_292 = arith.index_cast %parallel_loop3A_291 : i32 to index
        %parallel_loop3A_293 = arith.index_cast %parallel_loop3A_290 : i32 to index
        %parallel_loop3A_294 = tpu.vector_load %arg10[%parallel_loop3A_292, %parallel_loop3A_293] {strides = array<i32>} : memref<8x2048xf32, #tpu.memory_space<vmem>>, vector<16xf32>,
        tpu.vector_store %arg10[%parallel_loop3A_292, %parallel_loop3A_293], %parallel_loop3A_288 {strides = array<i32>} : memref<8x2048xf32, #tpu.memory_space<vmem>>, vector<16xf32>,
        %parallel_loop3A_295 = arith.constant 2 : i32
        %parallel_loop3A_296 = vector.broadcast %parallel_loop3A_295 : i32 to vector<16xi32>
        %parallel_loop3A_297 = tpu.vector_load_idx %arg8[%parallel_loop3A_296, %parallel_loop3A_276] : memref<8x2048xf32, #tpu.memory_space<vmem>>[vector<16xi32>, vector<16xi32>], vector<16xf32>,
        %parallel_loop3A_298 = arith.constant 16 : i32
        %parallel_loop3A_299 = arith.muli %parallel_loop3A_272, %parallel_loop3A_298 : i32
        %parallel_loop3A_300 = arith.constant 2 : i32
        %parallel_loop3A_301 = arith.index_cast %parallel_loop3A_300 : i32 to index
        %parallel_loop3A_302 = arith.index_cast %parallel_loop3A_299 : i32 to index
        %parallel_loop3A_303 = tpu.vector_load %arg10[%parallel_loop3A_301, %parallel_loop3A_302] {strides = array<i32>} : memref<8x2048xf32, #tpu.memory_space<vmem>>, vector<16xf32>,
        tpu.vector_store %arg10[%parallel_loop3A_301, %parallel_loop3A_302], %parallel_loop3A_297 {strides = array<i32>} : memref<8x2048xf32, #tpu.memory_space<vmem>>, vector<16xf32>,
        %parallel_loop3A_304 = arith.constant 3 : i32
        %parallel_loop3A_305 = vector.broadcast %parallel_loop3A_304 : i32 to vector<16xi32>
        %parallel_loop3A_306 = tpu.vector_load_idx %arg8[%parallel_loop3A_305, %parallel_loop3A_276] : memref<8x2048xf32, #tpu.memory_space<vmem>>[vector<16xi32>, vector<16xi32>], vector<16xf32>,
        %parallel_loop3A_307 = arith.constant 16 : i32
        %parallel_loop3A_308 = arith.muli %parallel_loop3A_272, %parallel_loop3A_307 : i32
        %parallel_loop3A_309 = arith.constant 3 : i32
        %parallel_loop3A_310 = arith.index_cast %parallel_loop3A_309 : i32 to index
        %parallel_loop3A_311 = arith.index_cast %parallel_loop3A_308 : i32 to index
        %parallel_loop3A_312 = tpu.vector_load %arg10[%parallel_loop3A_310, %parallel_loop3A_311] {strides = array<i32>} : memref<8x2048xf32, #tpu.memory_space<vmem>>, vector<16xf32>,
        tpu.vector_store %arg10[%parallel_loop3A_310, %parallel_loop3A_311], %parallel_loop3A_306 {strides = array<i32>} : memref<8x2048xf32, #tpu.memory_space<vmem>>, vector<16xf32>,
        %parallel_loop3A_313 = arith.constant 4 : i32
        %parallel_loop3A_314 = vector.broadcast %parallel_loop3A_313 : i32 to vector<16xi32>
        %parallel_loop3A_315 = tpu.vector_load_idx %arg8[%parallel_loop3A_314, %parallel_loop3A_276] : memref<8x2048xf32, #tpu.memory_space<vmem>>[vector<16xi32>, vector<16xi32>], vector<16xf32>,
        %parallel_loop3A_316 = arith.constant 16 : i32
        %parallel_loop3A_317 = arith.muli %parallel_loop3A_272, %parallel_loop3A_316 : i32
        %parallel_loop3A_318 = arith.constant 4 : i32
        %parallel_loop3A_319 = arith.index_cast %parallel_loop3A_318 : i32 to index
        %parallel_loop3A_320 = arith.index_cast %parallel_loop3A_317 : i32 to index
        %parallel_loop3A_321 = tpu.vector_load %arg10[%parallel_loop3A_319, %parallel_loop3A_320] {strides = array<i32>} : memref<8x2048xf32, #tpu.memory_space<vmem>>, vector<16xf32>,
        tpu.vector_store %arg10[%parallel_loop3A_319, %parallel_loop3A_320], %parallel_loop3A_315 {strides = array<i32>} : memref<8x2048xf32, #tpu.memory_space<vmem>>, vector<16xf32>,
        %parallel_loop3A_322 = arith.constant 5 : i32
        %parallel_loop3A_323 = vector.broadcast %parallel_loop3A_322 : i32 to vector<16xi32>
        %parallel_loop3A_324 = tpu.vector_load_idx %arg8[%parallel_loop3A_323, %parallel_loop3A_276] : memref<8x2048xf32, #tpu.memory_space<vmem>>[vector<16xi32>, vector<16xi32>], vector<16xf32>,
        %parallel_loop3A_325 = arith.constant 16 : i32
        %parallel_loop3A_326 = arith.muli %parallel_loop3A_272, %parallel_loop3A_325 : i32
        %parallel_loop3A_327 = arith.constant 5 : i32
        %parallel_loop3A_328 = arith.index_cast %parallel_loop3A_327 : i32 to index
        %parallel_loop3A_329 = arith.index_cast %parallel_loop3A_326 : i32 to index
        %parallel_loop3A_330 = tpu.vector_load %arg10[%parallel_loop3A_328, %parallel_loop3A_329] {strides = array<i32>} : memref<8x2048xf32, #tpu.memory_space<vmem>>, vector<16xf32>,
        tpu.vector_store %arg10[%parallel_loop3A_328, %parallel_loop3A_329], %parallel_loop3A_324 {strides = array<i32>} : memref<8x2048xf32, #tpu.memory_space<vmem>>, vector<16xf32>,
        %parallel_loop3A_331 = arith.constant 6 : i32
        %parallel_loop3A_332 = vector.broadcast %parallel_loop3A_331 : i32 to vector<16xi32>
        %parallel_loop3A_333 = tpu.vector_load_idx %arg8[%parallel_loop3A_332, %parallel_loop3A_276] : memref<8x2048xf32, #tpu.memory_space<vmem>>[vector<16xi32>, vector<16xi32>], vector<16xf32>,
        %parallel_loop3A_334 = arith.constant 16 : i32
        %parallel_loop3A_335 = arith.muli %parallel_loop3A_272, %parallel_loop3A_334 : i32
        %parallel_loop3A_336 = arith.constant 6 : i32
        %parallel_loop3A_337 = arith.index_cast %parallel_loop3A_336 : i32 to index
        %parallel_loop3A_338 = arith.index_cast %parallel_loop3A_335 : i32 to index
        %parallel_loop3A_339 = tpu.vector_load %arg10[%parallel_loop3A_337, %parallel_loop3A_338] {strides = array<i32>} : memref<8x2048xf32, #tpu.memory_space<vmem>>, vector<16xf32>,
        tpu.vector_store %arg10[%parallel_loop3A_337, %parallel_loop3A_338], %parallel_loop3A_333 {strides = array<i32>} : memref<8x2048xf32, #tpu.memory_space<vmem>>, vector<16xf32>,
        %parallel_loop3A_340 = arith.constant 7 : i32
        %parallel_loop3A_341 = vector.broadcast %parallel_loop3A_340 : i32 to vector<16xi32>
        %parallel_loop3A_342 = tpu.vector_load_idx %arg8[%parallel_loop3A_341, %parallel_loop3A_276] : memref<8x2048xf32, #tpu.memory_space<vmem>>[vector<16xi32>, vector<16xi32>], vector<16xf32>,
        %parallel_loop3A_343 = arith.constant 16 : i32
        %parallel_loop3A_344 = arith.muli %parallel_loop3A_272, %parallel_loop3A_343 : i32
        %parallel_loop3A_345 = arith.constant 7 : i32
        %parallel_loop3A_346 = arith.index_cast %parallel_loop3A_345 : i32 to index
        %parallel_loop3A_347 = arith.index_cast %parallel_loop3A_344 : i32 to index
        %parallel_loop3A_348 = tpu.vector_load %arg10[%parallel_loop3A_346, %parallel_loop3A_347] {strides = array<i32>} : memref<8x2048xf32, #tpu.memory_space<vmem>>, vector<16xf32>,
        tpu.vector_store %arg10[%parallel_loop3A_346, %parallel_loop3A_347], %parallel_loop3A_342 {strides = array<i32>} : memref<8x2048xf32, #tpu.memory_space<vmem>>, vector<16xf32>,
      } {sc.loop_unroll_factor = 4 : i64, sc.parallel_access}
      %mul3A_258 = arith.constant 8 : i32
      %mul3A_259 = arith.muli %add3A_242, %mul3A_258 : i32
      %add3A_260 = arith.addi %mul3A_2, %mul3A_259 : i32
      %dma_start3A_261 = arith.constant 0 : i32
      %dma_start3A_262 = tpu.memref_slice %arg4[%add3A_260, %dma_start3A_261] : memref<8192x2048xf32, #tpu.memory_space<hbm>> -> memref<8x2048xf32, #tpu.memory_space<hbm>>
      %dma_start3A_263 = arith.constant 0 : i32
      %dma_start3A_264 = tpu.memref_slice %arg4[%add3A_260, %dma_start3A_263] : memref<8192x2048xf32, #tpu.memory_space<hbm>> -> memref<8x2048xf32, #tpu.memory_space<hbm>>
      tpu.enqueue_dma source(%arg10 : memref<8x2048xf32, #tpu.memory_space<vmem>>) target(%dma_start3A_264 : memref<8x2048xf32, #tpu.memory_space<hbm>>) target_semaphore(%arg15 : memref<!tpu.dma_semaphore, #tpu.memory_space<semaphore_mem>>)
      %add3A_265 = arith.constant 3 : i32
      %add3A_266 = arith.addi %add3A_242, %add3A_265 : i32
      %lt3A_267 = arith.constant 32 : i32
      %lt3A_268 = arith.cmpi slt, %add3A_266, %lt3A_267 : i32
      %convert_element_type3A_269 = arith.extui %lt3A_268 : i1 to i32
      %cond3A_270 = arith.constant 0 : i32
      %cond3A_271 = arith.cmpi ne, %convert_element_type3A_269, %cond3A_270 : i32
      scf.if %cond3A_271 {
        %add3A_272 = arith.constant 3 : i32
        %add3A_273 = arith.addi %add3A_242, %add3A_272 : i32
        %mul3A_274 = arith.constant 8 : i32
        %mul3A_275 = arith.muli %add3A_273, %mul3A_274 : i32
        %add3A_276 = arith.addi %mul3A_2, %mul3A_275 : i32
        %dma_start3A_277 = arith.constant 0 : i32
        %dma_start3A_278 = tpu.memref_slice %arg2[%add3A_276, %dma_start3A_277] : memref<8192x2048xf32, #tpu.memory_space<hbm>> -> memref<8x2048xf32, #tpu.memory_space<hbm>>
        %dma_start3A_279 = arith.constant 0 : i32
        %dma_start3A_280 = tpu.memref_slice %arg2[%add3A_276, %dma_start3A_279] : memref<8192x2048xf32, #tpu.memory_space<hbm>> -> memref<8x2048xf32, #tpu.memory_space<hbm>>
        tpu.enqueue_dma source(%dma_start3A_280 : memref<8x2048xf32, #tpu.memory_space<hbm>>) target(%arg8 : memref<8x2048xf32, #tpu.memory_space<vmem>>) target_semaphore(%arg13 : memref<!tpu.dma_semaphore, #tpu.memory_space<semaphore_mem>>)
      } else {
      }
    }
    %scan3A_24 = arith.constant 5 : i32
    %add3A_25 = arith.constant 240 : i32
    %add3A_26 = arith.addi %mul3A_2, %add3A_25 : i32
    %dma_wait3A = arith.constant 0 : i32
    %dma_wait3A_27 = tpu.memref_slice %arg2[%add3A_26, %dma_wait3A] : memref<8192x2048xf32, #tpu.memory_space<hbm>> -> memref<8x2048xf32, #tpu.memory_space<hbm>>
    %dma_wait3A_28 = arith.constant 0 : i32
    %dma_wait3A_29 = tpu.memref_slice %arg2[%add3A_26, %dma_wait3A_28] : memref<8192x2048xf32, #tpu.memory_space<hbm>> -> memref<8x2048xf32, #tpu.memory_space<hbm>>
    tpu.wait_dma2 semaphore(%arg11 : memref<!tpu.dma_semaphore, #tpu.memory_space<semaphore_mem>>) src(%dma_wait3A_29 : memref<8x2048xf32, #tpu.memory_space<hbm>>) dst(%arg6 : memref<8x2048xf32, #tpu.memory_space<vmem>>)
    %add3A_30 = arith.constant 224 : i32
    %add3A_31 = arith.addi %mul3A_2, %add3A_30 : i32
    %dma_wait3A_32 = arith.constant 0 : i32
    %dma_wait3A_33 = tpu.memref_slice %arg4[%add3A_31, %dma_wait3A_32] : memref<8192x2048xf32, #tpu.memory_space<hbm>> -> memref<8x2048xf32, #tpu.memory_space<hbm>>
    %dma_wait3A_34 = arith.constant 0 : i32
    %dma_wait3A_35 = tpu.memref_slice %arg4[%add3A_31, %dma_wait3A_34] : memref<8192x2048xf32, #tpu.memory_space<hbm>> -> memref<8x2048xf32, #tpu.memory_space<hbm>>
    tpu.wait_dma2 semaphore(%arg14 : memref<!tpu.dma_semaphore, #tpu.memory_space<semaphore_mem>>) src(%arg9 : memref<8x2048xf32, #tpu.memory_space<vmem>>) dst(%dma_wait3A_35 : memref<8x2048xf32, #tpu.memory_space<hbm>>)
    %parallel_loop3A = arith.constant 0 : i32
    %parallel_loop3A_36 = arith.constant 128 : i32
    %parallel_loop3A_37 = arith.constant 1 : i32
    scf.for %parallel_loop3A_77 = %parallel_loop3A to %parallel_loop3A_36 step %parallel_loop3A_37  : i32 {
      %parallel_loop3A_78 = arith.constant 16 : i32
      %parallel_loop3A_79 = arith.muli %parallel_loop3A_77, %parallel_loop3A_78 : i32
      %parallel_loop3A_80 = arith.index_cast %parallel_loop3A_79 : i32 to index
      %parallel_loop3A_81 = tpu.vector_load %arg5[%parallel_loop3A_80] {strides = array<i32>} : memref<2048xi32, #tpu.memory_space<vmem>>, vector<16xi32>,
      %parallel_loop3A_82 = arith.constant 0 : i32
      %parallel_loop3A_83 = vector.broadcast %parallel_loop3A_82 : i32 to vector<16xi32>
      %parallel_loop3A_84 = tpu.vector_load_idx %arg6[%parallel_loop3A_83, %parallel_loop3A_81] : memref<8x2048xf32, #tpu.memory_space<vmem>>[vector<16xi32>, vector<16xi32>], vector<16xf32>,
      %parallel_loop3A_85 = arith.constant 16 : i32
      %parallel_loop3A_86 = arith.muli %parallel_loop3A_77, %parallel_loop3A_85 : i32
      %parallel_loop3A_87 = arith.constant 0 : i32
      %parallel_loop3A_88 = arith.index_cast %parallel_loop3A_87 : i32 to index
      %parallel_loop3A_89 = arith.index_cast %parallel_loop3A_86 : i32 to index
      %parallel_loop3A_90 = tpu.vector_load %arg9[%parallel_loop3A_88, %parallel_loop3A_89] {strides = array<i32>} : memref<8x2048xf32, #tpu.memory_space<vmem>>, vector<16xf32>,
      tpu.vector_store %arg9[%parallel_loop3A_88, %parallel_loop3A_89], %parallel_loop3A_84 {strides = array<i32>} : memref<8x2048xf32, #tpu.memory_space<vmem>>, vector<16xf32>,
      %parallel_loop3A_91 = arith.constant 1 : i32
      %parallel_loop3A_92 = vector.broadcast %parallel_loop3A_91 : i32 to vector<16xi32>
      %parallel_loop3A_93 = tpu.vector_load_idx %arg6[%parallel_loop3A_92, %parallel_loop3A_81] : memref<8x2048xf32, #tpu.memory_space<vmem>>[vector<16xi32>, vector<16xi32>], vector<16xf32>,
      %parallel_loop3A_94 = arith.constant 16 : i32
      %parallel_loop3A_95 = arith.muli %parallel_loop3A_77, %parallel_loop3A_94 : i32
      %parallel_loop3A_96 = arith.constant 1 : i32
      %parallel_loop3A_97 = arith.index_cast %parallel_loop3A_96 : i32 to index
      %parallel_loop3A_98 = arith.index_cast %parallel_loop3A_95 : i32 to index
      %parallel_loop3A_99 = tpu.vector_load %arg9[%parallel_loop3A_97, %parallel_loop3A_98] {strides = array<i32>} : memref<8x2048xf32, #tpu.memory_space<vmem>>, vector<16xf32>,
      tpu.vector_store %arg9[%parallel_loop3A_97, %parallel_loop3A_98], %parallel_loop3A_93 {strides = array<i32>} : memref<8x2048xf32, #tpu.memory_space<vmem>>, vector<16xf32>,
      %parallel_loop3A_100 = arith.constant 2 : i32
      %parallel_loop3A_101 = vector.broadcast %parallel_loop3A_100 : i32 to vector<16xi32>
      %parallel_loop3A_102 = tpu.vector_load_idx %arg6[%parallel_loop3A_101, %parallel_loop3A_81] : memref<8x2048xf32, #tpu.memory_space<vmem>>[vector<16xi32>, vector<16xi32>], vector<16xf32>,
      %parallel_loop3A_103 = arith.constant 16 : i32
      %parallel_loop3A_104 = arith.muli %parallel_loop3A_77, %parallel_loop3A_103 : i32
      %parallel_loop3A_105 = arith.constant 2 : i32
      %parallel_loop3A_106 = arith.index_cast %parallel_loop3A_105 : i32 to index
      %parallel_loop3A_107 = arith.index_cast %parallel_loop3A_104 : i32 to index
      %parallel_loop3A_108 = tpu.vector_load %arg9[%parallel_loop3A_106, %parallel_loop3A_107] {strides = array<i32>} : memref<8x2048xf32, #tpu.memory_space<vmem>>, vector<16xf32>,
      tpu.vector_store %arg9[%parallel_loop3A_106, %parallel_loop3A_107], %parallel_loop3A_102 {strides = array<i32>} : memref<8x2048xf32, #tpu.memory_space<vmem>>, vector<16xf32>,
      %parallel_loop3A_109 = arith.constant 3 : i32
      %parallel_loop3A_110 = vector.broadcast %parallel_loop3A_109 : i32 to vector<16xi32>
      %parallel_loop3A_111 = tpu.vector_load_idx %arg6[%parallel_loop3A_110, %parallel_loop3A_81] : memref<8x2048xf32, #tpu.memory_space<vmem>>[vector<16xi32>, vector<16xi32>], vector<16xf32>,
      %parallel_loop3A_112 = arith.constant 16 : i32
      %parallel_loop3A_113 = arith.muli %parallel_loop3A_77, %parallel_loop3A_112 : i32
      %parallel_loop3A_114 = arith.constant 3 : i32
      %parallel_loop3A_115 = arith.index_cast %parallel_loop3A_114 : i32 to index
      %parallel_loop3A_116 = arith.index_cast %parallel_loop3A_113 : i32 to index
      %parallel_loop3A_117 = tpu.vector_load %arg9[%parallel_loop3A_115, %parallel_loop3A_116] {strides = array<i32>} : memref<8x2048xf32, #tpu.memory_space<vmem>>, vector<16xf32>,
      tpu.vector_store %arg9[%parallel_loop3A_115, %parallel_loop3A_116], %parallel_loop3A_111 {strides = array<i32>} : memref<8x2048xf32, #tpu.memory_space<vmem>>, vector<16xf32>,
      %parallel_loop3A_118 = arith.constant 4 : i32
      %parallel_loop3A_119 = vector.broadcast %parallel_loop3A_118 : i32 to vector<16xi32>
      %parallel_loop3A_120 = tpu.vector_load_idx %arg6[%parallel_loop3A_119, %parallel_loop3A_81] : memref<8x2048xf32, #tpu.memory_space<vmem>>[vector<16xi32>, vector<16xi32>], vector<16xf32>,
      %parallel_loop3A_121 = arith.constant 16 : i32
      %parallel_loop3A_122 = arith.muli %parallel_loop3A_77, %parallel_loop3A_121 : i32
      %parallel_loop3A_123 = arith.constant 4 : i32
      %parallel_loop3A_124 = arith.index_cast %parallel_loop3A_123 : i32 to index
      %parallel_loop3A_125 = arith.index_cast %parallel_loop3A_122 : i32 to index
      %parallel_loop3A_126 = tpu.vector_load %arg9[%parallel_loop3A_124, %parallel_loop3A_125] {strides = array<i32>} : memref<8x2048xf32, #tpu.memory_space<vmem>>, vector<16xf32>,
      tpu.vector_store %arg9[%parallel_loop3A_124, %parallel_loop3A_125], %parallel_loop3A_120 {strides = array<i32>} : memref<8x2048xf32, #tpu.memory_space<vmem>>, vector<16xf32>,
      %parallel_loop3A_127 = arith.constant 5 : i32
      %parallel_loop3A_128 = vector.broadcast %parallel_loop3A_127 : i32 to vector<16xi32>
      %parallel_loop3A_129 = tpu.vector_load_idx %arg6[%parallel_loop3A_128, %parallel_loop3A_81] : memref<8x2048xf32, #tpu.memory_space<vmem>>[vector<16xi32>, vector<16xi32>], vector<16xf32>,
      %parallel_loop3A_130 = arith.constant 16 : i32
      %parallel_loop3A_131 = arith.muli %parallel_loop3A_77, %parallel_loop3A_130 : i32
      %parallel_loop3A_132 = arith.constant 5 : i32
      %parallel_loop3A_133 = arith.index_cast %parallel_loop3A_132 : i32 to index
      %parallel_loop3A_134 = arith.index_cast %parallel_loop3A_131 : i32 to index
      %parallel_loop3A_135 = tpu.vector_load %arg9[%parallel_loop3A_133, %parallel_loop3A_134] {strides = array<i32>} : memref<8x2048xf32, #tpu.memory_space<vmem>>, vector<16xf32>,
      tpu.vector_store %arg9[%parallel_loop3A_133, %parallel_loop3A_134], %parallel_loop3A_129 {strides = array<i32>} : memref<8x2048xf32, #tpu.memory_space<vmem>>, vector<16xf32>,
      %parallel_loop3A_136 = arith.constant 6 : i32
      %parallel_loop3A_137 = vector.broadcast %parallel_loop3A_136 : i32 to vector<16xi32>
      %parallel_loop3A_138 = tpu.vector_load_idx %arg6[%parallel_loop3A_137, %parallel_loop3A_81] : memref<8x2048xf32, #tpu.memory_space<vmem>>[vector<16xi32>, vector<16xi32>], vector<16xf32>,
      %parallel_loop3A_139 = arith.constant 16 : i32
      %parallel_loop3A_140 = arith.muli %parallel_loop3A_77, %parallel_loop3A_139 : i32
      %parallel_loop3A_141 = arith.constant 6 : i32
      %parallel_loop3A_142 = arith.index_cast %parallel_loop3A_141 : i32 to index
      %parallel_loop3A_143 = arith.index_cast %parallel_loop3A_140 : i32 to index
      %parallel_loop3A_144 = tpu.vector_load %arg9[%parallel_loop3A_142, %parallel_loop3A_143] {strides = array<i32>} : memref<8x2048xf32, #tpu.memory_space<vmem>>, vector<16xf32>,
      tpu.vector_store %arg9[%parallel_loop3A_142, %parallel_loop3A_143], %parallel_loop3A_138 {strides = array<i32>} : memref<8x2048xf32, #tpu.memory_space<vmem>>, vector<16xf32>,
      %parallel_loop3A_145 = arith.constant 7 : i32
      %parallel_loop3A_146 = vector.broadcast %parallel_loop3A_145 : i32 to vector<16xi32>
      %parallel_loop3A_147 = tpu.vector_load_idx %arg6[%parallel_loop3A_146, %parallel_loop3A_81] : memref<8x2048xf32, #tpu.memory_space<vmem>>[vector<16xi32>, vector<16xi32>], vector<16xf32>,
      %parallel_loop3A_148 = arith.constant 16 : i32
      %parallel_loop3A_149 = arith.muli %parallel_loop3A_77, %parallel_loop3A_148 : i32
      %parallel_loop3A_150 = arith.constant 7 : i32
      %parallel_loop3A_151 = arith.index_cast %parallel_loop3A_150 : i32 to index
      %parallel_loop3A_152 = arith.index_cast %parallel_loop3A_149 : i32 to index
      %parallel_loop3A_153 = tpu.vector_load %arg9[%parallel_loop3A_151, %parallel_loop3A_152] {strides = array<i32>} : memref<8x2048xf32, #tpu.memory_space<vmem>>, vector<16xf32>,
      tpu.vector_store %arg9[%parallel_loop3A_151, %parallel_loop3A_152], %parallel_loop3A_147 {strides = array<i32>} : memref<8x2048xf32, #tpu.memory_space<vmem>>, vector<16xf32>,
    } {sc.loop_unroll_factor = 4 : i64, sc.parallel_access}
    %add3A_38 = arith.constant 240 : i32
    %add3A_39 = arith.addi %mul3A_2, %add3A_38 : i32
    %dma_start3A_40 = arith.constant 0 : i32
    %dma_start3A_41 = tpu.memref_slice %arg4[%add3A_39, %dma_start3A_40] : memref<8192x2048xf32, #tpu.memory_space<hbm>> -> memref<8x2048xf32, #tpu.memory_space<hbm>>
    %dma_start3A_42 = arith.constant 0 : i32
    %dma_start3A_43 = tpu.memref_slice %arg4[%add3A_39, %dma_start3A_42] : memref<8192x2048xf32, #tpu.memory_space<hbm>> -> memref<8x2048xf32, #tpu.memory_space<hbm>>
    tpu.enqueue_dma source(%arg9 : memref<8x2048xf32, #tpu.memory_space<vmem>>) target(%dma_start3A_43 : memref<8x2048xf32, #tpu.memory_space<hbm>>) target_semaphore(%arg14 : memref<!tpu.dma_semaphore, #tpu.memory_space<semaphore_mem>>)
    %add3A_44 = arith.constant 248 : i32
    %add3A_45 = arith.addi %mul3A_2, %add3A_44 : i32
    %dma_wait3A_46 = arith.constant 0 : i32
    %dma_wait3A_47 = tpu.memref_slice %arg2[%add3A_45, %dma_wait3A_46] : memref<8192x2048xf32, #tpu.memory_space<hbm>> -> memref<8x2048xf32, #tpu.memory_space<hbm>>
    %dma_wait3A_48 = arith.constant 0 : i32
    %dma_wait3A_49 = tpu.memref_slice %arg2[%add3A_45, %dma_wait3A_48] : memref<8192x2048xf32, #tpu.memory_space<hbm>> -> memref<8x2048xf32, #tpu.memory_space<hbm>>
    tpu.wait_dma2 semaphore(%arg12 : memref<!tpu.dma_semaphore, #tpu.memory_space<semaphore_mem>>) src(%dma_wait3A_49 : memref<8x2048xf32, #tpu.memory_space<hbm>>) dst(%arg7 : memref<8x2048xf32, #tpu.memory_space<vmem>>)
    %add3A_50 = arith.constant 232 : i32
    %add3A_51 = arith.addi %mul3A_2, %add3A_50 : i32
    %dma_wait3A_52 = arith.constant 0 : i32
    %dma_wait3A_53 = tpu.memref_slice %arg4[%add3A_51, %dma_wait3A_52] : memref<8192x2048xf32, #tpu.memory_space<hbm>> -> memref<8x2048xf32, #tpu.memory_space<hbm>>
    %dma_wait3A_54 = arith.constant 0 : i32
    %dma_wait3A_55 = tpu.memref_slice %arg4[%add3A_51, %dma_wait3A_54] : memref<8192x2048xf32, #tpu.memory_space<hbm>> -> memref<8x2048xf32, #tpu.memory_space<hbm>>
    tpu.wait_dma2 semaphore(%arg15 : memref<!tpu.dma_semaphore, #tpu.memory_space<semaphore_mem>>) src(%arg10 : memref<8x2048xf32, #tpu.memory_space<vmem>>) dst(%dma_wait3A_55 : memref<8x2048xf32, #tpu.memory_space<hbm>>)
    %parallel_loop3A_56 = arith.constant 0 : i32
    %parallel_loop3A_57 = arith.constant 128 : i32
    %parallel_loop3A_58 = arith.constant 1 : i32
    scf.for %parallel_loop3A_77 = %parallel_loop3A_56 to %parallel_loop3A_57 step %parallel_loop3A_58  : i32 {
      %parallel_loop3A_78 = arith.constant 16 : i32
      %parallel_loop3A_79 = arith.muli %parallel_loop3A_77, %parallel_loop3A_78 : i32
      %parallel_loop3A_80 = arith.index_cast %parallel_loop3A_79 : i32 to index
      %parallel_loop3A_81 = tpu.vector_load %arg5[%parallel_loop3A_80] {strides = array<i32>} : memref<2048xi32, #tpu.memory_space<vmem>>, vector<16xi32>,
      %parallel_loop3A_82 = arith.constant 0 : i32
      %parallel_loop3A_83 = vector.broadcast %parallel_loop3A_82 : i32 to vector<16xi32>
      %parallel_loop3A_84 = tpu.vector_load_idx %arg7[%parallel_loop3A_83, %parallel_loop3A_81] : memref<8x2048xf32, #tpu.memory_space<vmem>>[vector<16xi32>, vector<16xi32>], vector<16xf32>,
      %parallel_loop3A_85 = arith.constant 16 : i32
      %parallel_loop3A_86 = arith.muli %parallel_loop3A_77, %parallel_loop3A_85 : i32
      %parallel_loop3A_87 = arith.constant 0 : i32
      %parallel_loop3A_88 = arith.index_cast %parallel_loop3A_87 : i32 to index
      %parallel_loop3A_89 = arith.index_cast %parallel_loop3A_86 : i32 to index
      %parallel_loop3A_90 = tpu.vector_load %arg10[%parallel_loop3A_88, %parallel_loop3A_89] {strides = array<i32>} : memref<8x2048xf32, #tpu.memory_space<vmem>>, vector<16xf32>,
      tpu.vector_store %arg10[%parallel_loop3A_88, %parallel_loop3A_89], %parallel_loop3A_84 {strides = array<i32>} : memref<8x2048xf32, #tpu.memory_space<vmem>>, vector<16xf32>,
      %parallel_loop3A_91 = arith.constant 1 : i32
      %parallel_loop3A_92 = vector.broadcast %parallel_loop3A_91 : i32 to vector<16xi32>
      %parallel_loop3A_93 = tpu.vector_load_idx %arg7[%parallel_loop3A_92, %parallel_loop3A_81] : memref<8x2048xf32, #tpu.memory_space<vmem>>[vector<16xi32>, vector<16xi32>], vector<16xf32>,
      %parallel_loop3A_94 = arith.constant 16 : i32
      %parallel_loop3A_95 = arith.muli %parallel_loop3A_77, %parallel_loop3A_94 : i32
      %parallel_loop3A_96 = arith.constant 1 : i32
      %parallel_loop3A_97 = arith.index_cast %parallel_loop3A_96 : i32 to index
      %parallel_loop3A_98 = arith.index_cast %parallel_loop3A_95 : i32 to index
      %parallel_loop3A_99 = tpu.vector_load %arg10[%parallel_loop3A_97, %parallel_loop3A_98] {strides = array<i32>} : memref<8x2048xf32, #tpu.memory_space<vmem>>, vector<16xf32>,
      tpu.vector_store %arg10[%parallel_loop3A_97, %parallel_loop3A_98], %parallel_loop3A_93 {strides = array<i32>} : memref<8x2048xf32, #tpu.memory_space<vmem>>, vector<16xf32>,
      %parallel_loop3A_100 = arith.constant 2 : i32
      %parallel_loop3A_101 = vector.broadcast %parallel_loop3A_100 : i32 to vector<16xi32>
      %parallel_loop3A_102 = tpu.vector_load_idx %arg7[%parallel_loop3A_101, %parallel_loop3A_81] : memref<8x2048xf32, #tpu.memory_space<vmem>>[vector<16xi32>, vector<16xi32>], vector<16xf32>,
      %parallel_loop3A_103 = arith.constant 16 : i32
      %parallel_loop3A_104 = arith.muli %parallel_loop3A_77, %parallel_loop3A_103 : i32
      %parallel_loop3A_105 = arith.constant 2 : i32
      %parallel_loop3A_106 = arith.index_cast %parallel_loop3A_105 : i32 to index
      %parallel_loop3A_107 = arith.index_cast %parallel_loop3A_104 : i32 to index
      %parallel_loop3A_108 = tpu.vector_load %arg10[%parallel_loop3A_106, %parallel_loop3A_107] {strides = array<i32>} : memref<8x2048xf32, #tpu.memory_space<vmem>>, vector<16xf32>,
      tpu.vector_store %arg10[%parallel_loop3A_106, %parallel_loop3A_107], %parallel_loop3A_102 {strides = array<i32>} : memref<8x2048xf32, #tpu.memory_space<vmem>>, vector<16xf32>,
      %parallel_loop3A_109 = arith.constant 3 : i32
      %parallel_loop3A_110 = vector.broadcast %parallel_loop3A_109 : i32 to vector<16xi32>
      %parallel_loop3A_111 = tpu.vector_load_idx %arg7[%parallel_loop3A_110, %parallel_loop3A_81] : memref<8x2048xf32, #tpu.memory_space<vmem>>[vector<16xi32>, vector<16xi32>], vector<16xf32>,
      %parallel_loop3A_112 = arith.constant 16 : i32
      %parallel_loop3A_113 = arith.muli %parallel_loop3A_77, %parallel_loop3A_112 : i32
      %parallel_loop3A_114 = arith.constant 3 : i32
      %parallel_loop3A_115 = arith.index_cast %parallel_loop3A_114 : i32 to index
      %parallel_loop3A_116 = arith.index_cast %parallel_loop3A_113 : i32 to index
      %parallel_loop3A_117 = tpu.vector_load %arg10[%parallel_loop3A_115, %parallel_loop3A_116] {strides = array<i32>} : memref<8x2048xf32, #tpu.memory_space<vmem>>, vector<16xf32>,
      tpu.vector_store %arg10[%parallel_loop3A_115, %parallel_loop3A_116], %parallel_loop3A_111 {strides = array<i32>} : memref<8x2048xf32, #tpu.memory_space<vmem>>, vector<16xf32>,
      %parallel_loop3A_118 = arith.constant 4 : i32
      %parallel_loop3A_119 = vector.broadcast %parallel_loop3A_118 : i32 to vector<16xi32>
      %parallel_loop3A_120 = tpu.vector_load_idx %arg7[%parallel_loop3A_119, %parallel_loop3A_81] : memref<8x2048xf32, #tpu.memory_space<vmem>>[vector<16xi32>, vector<16xi32>], vector<16xf32>,
      %parallel_loop3A_121 = arith.constant 16 : i32
      %parallel_loop3A_122 = arith.muli %parallel_loop3A_77, %parallel_loop3A_121 : i32
      %parallel_loop3A_123 = arith.constant 4 : i32
      %parallel_loop3A_124 = arith.index_cast %parallel_loop3A_123 : i32 to index
      %parallel_loop3A_125 = arith.index_cast %parallel_loop3A_122 : i32 to index
      %parallel_loop3A_126 = tpu.vector_load %arg10[%parallel_loop3A_124, %parallel_loop3A_125] {strides = array<i32>} : memref<8x2048xf32, #tpu.memory_space<vmem>>, vector<16xf32>,
      tpu.vector_store %arg10[%parallel_loop3A_124, %parallel_loop3A_125], %parallel_loop3A_120 {strides = array<i32>} : memref<8x2048xf32, #tpu.memory_space<vmem>>, vector<16xf32>,
      %parallel_loop3A_127 = arith.constant 5 : i32
      %parallel_loop3A_128 = vector.broadcast %parallel_loop3A_127 : i32 to vector<16xi32>
      %parallel_loop3A_129 = tpu.vector_load_idx %arg7[%parallel_loop3A_128, %parallel_loop3A_81] : memref<8x2048xf32, #tpu.memory_space<vmem>>[vector<16xi32>, vector<16xi32>], vector<16xf32>,
      %parallel_loop3A_130 = arith.constant 16 : i32
      %parallel_loop3A_131 = arith.muli %parallel_loop3A_77, %parallel_loop3A_130 : i32
      %parallel_loop3A_132 = arith.constant 5 : i32
      %parallel_loop3A_133 = arith.index_cast %parallel_loop3A_132 : i32 to index
      %parallel_loop3A_134 = arith.index_cast %parallel_loop3A_131 : i32 to index
      %parallel_loop3A_135 = tpu.vector_load %arg10[%parallel_loop3A_133, %parallel_loop3A_134] {strides = array<i32>} : memref<8x2048xf32, #tpu.memory_space<vmem>>, vector<16xf32>,
      tpu.vector_store %arg10[%parallel_loop3A_133, %parallel_loop3A_134], %parallel_loop3A_129 {strides = array<i32>} : memref<8x2048xf32, #tpu.memory_space<vmem>>, vector<16xf32>,
      %parallel_loop3A_136 = arith.constant 6 : i32
      %parallel_loop3A_137 = vector.broadcast %parallel_loop3A_136 : i32 to vector<16xi32>
      %parallel_loop3A_138 = tpu.vector_load_idx %arg7[%parallel_loop3A_137, %parallel_loop3A_81] : memref<8x2048xf32, #tpu.memory_space<vmem>>[vector<16xi32>, vector<16xi32>], vector<16xf32>,
      %parallel_loop3A_139 = arith.constant 16 : i32
      %parallel_loop3A_140 = arith.muli %parallel_loop3A_77, %parallel_loop3A_139 : i32
      %parallel_loop3A_141 = arith.constant 6 : i32
      %parallel_loop3A_142 = arith.index_cast %parallel_loop3A_141 : i32 to index
      %parallel_loop3A_143 = arith.index_cast %parallel_loop3A_140 : i32 to index
      %parallel_loop3A_144 = tpu.vector_load %arg10[%parallel_loop3A_142, %parallel_loop3A_143] {strides = array<i32>} : memref<8x2048xf32, #tpu.memory_space<vmem>>, vector<16xf32>,
      tpu.vector_store %arg10[%parallel_loop3A_142, %parallel_loop3A_143], %parallel_loop3A_138 {strides = array<i32>} : memref<8x2048xf32, #tpu.memory_space<vmem>>, vector<16xf32>,
      %parallel_loop3A_145 = arith.constant 7 : i32
      %parallel_loop3A_146 = vector.broadcast %parallel_loop3A_145 : i32 to vector<16xi32>
      %parallel_loop3A_147 = tpu.vector_load_idx %arg7[%parallel_loop3A_146, %parallel_loop3A_81] : memref<8x2048xf32, #tpu.memory_space<vmem>>[vector<16xi32>, vector<16xi32>], vector<16xf32>,
      %parallel_loop3A_148 = arith.constant 16 : i32
      %parallel_loop3A_149 = arith.muli %parallel_loop3A_77, %parallel_loop3A_148 : i32
      %parallel_loop3A_150 = arith.constant 7 : i32
      %parallel_loop3A_151 = arith.index_cast %parallel_loop3A_150 : i32 to index
      %parallel_loop3A_152 = arith.index_cast %parallel_loop3A_149 : i32 to index
      %parallel_loop3A_153 = tpu.vector_load %arg10[%parallel_loop3A_151, %parallel_loop3A_152] {strides = array<i32>} : memref<8x2048xf32, #tpu.memory_space<vmem>>, vector<16xf32>,
      tpu.vector_store %arg10[%parallel_loop3A_151, %parallel_loop3A_152], %parallel_loop3A_147 {strides = array<i32>} : memref<8x2048xf32, #tpu.memory_space<vmem>>, vector<16xf32>,
    } {sc.loop_unroll_factor = 4 : i64, sc.parallel_access}
    %add3A_59 = arith.constant 248 : i32
    %add3A_60 = arith.addi %mul3A_2, %add3A_59 : i32
    %dma_start3A_61 = arith.constant 0 : i32
    %dma_start3A_62 = tpu.memref_slice %arg4[%add3A_60, %dma_start3A_61] : memref<8192x2048xf32, #tpu.memory_space<hbm>> -> memref<8x2048xf32, #tpu.memory_space<hbm>>
    %dma_start3A_63 = arith.constant 0 : i32
    %dma_start3A_64 = tpu.memref_slice %arg4[%add3A_60, %dma_start3A_63] : memref<8192x2048xf32, #tpu.memory_space<hbm>> -> memref<8x2048xf32, #tpu.memory_space<hbm>>
    tpu.enqueue_dma source(%arg10 : memref<8x2048xf32, #tpu.memory_space<vmem>>) target(%dma_start3A_64 : memref<8x2048xf32, #tpu.memory_space<hbm>>) target_semaphore(%arg15 : memref<!tpu.dma_semaphore, #tpu.memory_space<semaphore_mem>>)
    %add3A_65 = arith.constant 240 : i32
    %add3A_66 = arith.addi %mul3A_2, %add3A_65 : i32
    %dma_wait3A_67 = arith.constant 0 : i32
    %dma_wait3A_68 = tpu.memref_slice %arg4[%add3A_66, %dma_wait3A_67] : memref<8192x2048xf32, #tpu.memory_space<hbm>> -> memref<8x2048xf32, #tpu.memory_space<hbm>>
    %dma_wait3A_69 = arith.constant 0 : i32
    %dma_wait3A_70 = tpu.memref_slice %arg4[%add3A_66, %dma_wait3A_69] : memref<8192x2048xf32, #tpu.memory_space<hbm>> -> memref<8x2048xf32, #tpu.memory_space<hbm>>
    tpu.wait_dma2 semaphore(%arg14 : memref<!tpu.dma_semaphore, #tpu.memory_space<semaphore_mem>>) src(%arg9 : memref<8x2048xf32, #tpu.memory_space<vmem>>) dst(%dma_wait3A_70 : memref<8x2048xf32, #tpu.memory_space<hbm>>)
    %add3A_71 = arith.constant 248 : i32
    %add3A_72 = arith.addi %mul3A_2, %add3A_71 : i32
    %dma_wait3A_73 = arith.constant 0 : i32
    %dma_wait3A_74 = tpu.memref_slice %arg4[%add3A_72, %dma_wait3A_73] : memref<8192x2048xf32, #tpu.memory_space<hbm>> -> memref<8x2048xf32, #tpu.memory_space<hbm>>
    %dma_wait3A_75 = arith.constant 0 : i32
    %dma_wait3A_76 = tpu.memref_slice %arg4[%add3A_72, %dma_wait3A_75] : memref<8192x2048xf32, #tpu.memory_space<hbm>> -> memref<8x2048xf32, #tpu.memory_space<hbm>>
    tpu.wait_dma2 semaphore(%arg15 : memref<!tpu.dma_semaphore, #tpu.memory_space<semaphore_mem>>) src(%arg10 : memref<8x2048xf32, #tpu.memory_space<vmem>>) dst(%dma_wait3A_76 : memref<8x2048xf32, #tpu.memory_space<hbm>>)
    return
  }
}

</mosaic_0001>

<sc_bundles>
// kernel: _permute.3.cloned.1.call-start
scs
__scs_entry_jumppad:
0x0: {  	(pc) =	sbr.rel $0x88, $3  }
0x1: {  	(tag) =	ssettag $0x0;
	lr =	simm.s32 $0x1  }
0x2: {  	[smem:$0x3F9F] =	sst lr;
	_ =	strace $0xD0000000  }
0x3: {  	_ = 	snop  }
0x4: {  	_ = 	snop  }
0x5: {  	_ = 	snop  }
0x6: {  	_ = 	snop  }
0x7: {  	_ = 	snop  }
__scs_overlays_trampoline_lowered:
0x8: {  	[smem:$0x3FAE] =	sst s0  }
0x9: {  	[smem:$0x3FAF] =	sst s1  }
0xa: {  	[smem:$0x3FB0] =	sst s2  }
0xb: {  	[smem:$0x3FB1] =	sst s3  }
0xc: {  	[smem:$0x3FB2] =	sst s4  }
0xd: {  	[smem:$0x3FB3] =	sst s5  }
0xe: {  	[smem:$0x3FB4] =	sst s6  }
0xf: {  	[smem:$0x3FB5] =	sst s7  }
0x10: {  	[smem:$0x3FB6] =	sst s8  }
0x11: {  	[smem:$0x3FB7] =	sst s9;
	s0 =	simm.s32 @!p0 $0x0  }
0x12: {  	s1 =	sld [smem:$0x3F9D];
	s0 =	simm.s32 @p0 $0x1  }
0x13: {  	[smem:$0x3FB8] =	sst s0;
	s0 =	simm.s32 @!p1 $0x0  }
0x14: {  	s2 =	sld [smem:$0x3F9C];
	s0 =	simm.s32 @p1 $0x1  }
0x15: {  	[smem:$0x3FB9] =	sst s0;
	s0 =	simm.s32 @!p2 $0x0  }
0x16: {  	s3 =	sld [smem:$0x3FDB];
	s0 =	simm.s32 @p2 $0x1  }
0x17: {  	s4 =	simm.s32 $0x1BF5;
	[smem:$0x3FBB] =	sst s0  }
0x18: {  	s0 =	sld [smem:$0x3F9E];
	_ =	swait.ge [sflag:s4], $0x0  }
0x19: {  	s7 =	sld [smem:$0x3F9F]  }
0x1a: {  	s8 =	sadd.s32 $0xFFFFE003, lr  }
0x1b: {  	s9 =	sadd.s32 $0xFFFFFEF7, lr;
	s5 =	simm.s32 $0xFFFFFFFF;
	p2 =	slt.u32 s8, $0xFFFFF086  }
0x1c: {  	p1 =	slt.u32 s9, $0xF7A;
	s5 =	simm.s32 @!p2 $0x0  }
0x1d: {  	s5 =	simm.s32 @p1 $0x1;
	p0 =	seq.s32 s7, s2  }
0x1e: {  	s7 =	smul.u32 @!p0 $0xF7A, s2;
	p2 =	seq.s32 @!p0 s5, $0x0  }
0x1f: {  	s9 =	smul.u32 $0xF7A, s1;
	s8 =	simm.s32 @!p0 $0x1BF5;
	p2 =	por !p2, p0  }
0x20: {  	[sflag:s8] =	ssyncset.s32 @!p0 $0xFFFFF086;
	s6 =	sadd.s32 @!p0 s3, s7;
	s7 =	simm.s32 @!p0 $0x108  }
0x21: {  	s3 =	sadd.s32 s3, s9;
	s6 =	sadd.s32 @!p0 $0x88, s6;
	s7 =	simm.s32 @p2 $0x1082  }
0x22: {  	[simem:s7], [sflag:s8] =	dma.local @!p0 [hbm:s6], $0xF7A  }
0x23: {  	s9 =	sor.u32 $0xD0000000, s2;
	s6 =	simm.s32 $0x108;
	_ =	swait.ge @!p0 [sflag:s8], $0x0  }
0x24: {  	s3 =	sadd.s32 $0x88, s3;
	s6 =	simm.s32 @!p1 $0x1082;
	[sflag:s4] =	ssyncset.s32 $0xFFFFF086  }
0x25: {  	[simem:s6], [sflag:s4] =	dma.local [hbm:s3], $0xF7A  }
0x26: {  	[smem:$0x3F9F] =	sst s1;
	(tag) =	ssettag s2;
	_ =	strace s9  }
0x27: {  	s1 =	sld [smem:$0x3FAF]  }
0x28: {  	s2 =	sld [smem:$0x3FB0]  }
0x29: {  	s4 =	sld [smem:$0x3FB2]  }
0x2a: {  	p0 =	seq.s32 s5, $0x0;
	s5 =	sld [smem:$0x3FB3]  }
0x2b: {  	s6 =	sld [smem:$0x3FB4]  }
0x2c: {  	s7 =	sld [smem:$0x3FB5]  }
0x2d: {  	s3 =	simm.s32 $0x108;
	s8 =	sld [smem:$0x3FB6]  }
0x2e: {  	s3 =	simm.s32 @!p0 $0x1082;
	s9 =	sld [smem:$0x3FB7]  }
0x2f: {  	lr =	sadd.s32 s0, s3;
	s0 =	sld [smem:$0x3FAE]  }
0x30: {  	s3 =	sld [smem:$0x3FB1]  }
0x31: {  	[smem:$0x3FBA] =	sst s10  }
0x32: {  	s10 =	sld [smem:$0x3FB8];
	_ =	sdelay $0x3  }
0x33: {  	p0 =	seq.s32 s10, $0x1;
	s10 =	sld [smem:$0x3FBA];
	_ =	sdelay $0x3  }
0x34: {  	[smem:$0x3FBA] =	sst s10  }
0x35: {  	s10 =	sld [smem:$0x3FB9];
	_ =	sdelay $0x3  }
0x36: {  	p1 =	seq.s32 s10, $0x1;
	s10 =	sld [smem:$0x3FBA];
	_ =	sdelay $0x3  }
0x37: {  	[smem:$0x3FBA] =	sst s10  }
0x38: {  	s10 =	sld [smem:$0x3FBB]  }
0x39: {  	_ = 	snop;
	(pc) =	sbr.ind lr, $3  }
0x3a: {  	_ = 	snop  }
0x3b: {  	_ = 	snop  }
0x3c: {  	p2 =	seq.s32 s10, $0x1;
	s10 =	sld [smem:$0x3FBA]  }
0x3d: {  	_ =	shalt  }
0x3e: {  	_ =	shalt  }
0x3f: {  	_ =	shalt  }
0x40: {  	_ =	shalt  }
0x41: {  	_ =	shalt  }
0x42: {  	_ =	shalt  }
0x43: {  	_ =	shalt  }
0x44: {  	_ =	shalt  }
0x45: {  	_ =	shalt  }
0x46: {  	_ =	shalt  }
0x47: {  	_ =	shalt  }
0x48: {  	_ =	shalt  }
0x49: {  	_ =	shalt  }
0x4a: {  	_ =	shalt  }
0x4b: {  	_ =	shalt  }
0x4c: {  	_ =	shalt  }
0x4d: {  	_ =	shalt  }
0x4e: {  	_ =	shalt  }
0x4f: {  	_ =	shalt  }
0x50: {  	_ =	shalt  }
0x51: {  	_ =	shalt  }
0x52: {  	_ =	shalt  }
0x53: {  	_ =	shalt  }
0x54: {  	_ =	shalt  }
0x55: {  	_ =	shalt  }
0x56: {  	_ =	shalt  }
0x57: {  	_ =	shalt  }
0x58: {  	_ =	shalt  }
0x59: {  	_ =	shalt  }
0x5a: {  	_ =	shalt  }
0x5b: {  	_ =	shalt  }
0x5c: {  	_ =	shalt  }
0x5d: {  	_ =	shalt  }
0x5e: {  	_ =	shalt  }
0x5f: {  	_ =	shalt  }
0x60: {  	_ =	shalt  }
0x61: {  	_ =	shalt  }
0x62: {  	_ =	shalt  }
0x63: {  	_ =	shalt  }
0x64: {  	_ =	shalt  }
0x65: {  	_ =	shalt  }
0x66: {  	_ =	shalt  }
0x67: {  	_ =	shalt  }
0x68: {  	_ =	shalt  }
0x69: {  	_ =	shalt  }
0x6a: {  	_ =	shalt  }
0x6b: {  	_ =	shalt  }
0x6c: {  	_ =	shalt  }
0x6d: {  	_ =	shalt  }
0x6e: {  	_ =	shalt  }
0x6f: {  	_ =	shalt  }
0x70: {  	_ =	shalt  }
0x71: {  	_ =	shalt  }
0x72: {  	_ =	shalt  }
0x73: {  	_ =	shalt  }
0x74: {  	_ =	shalt  }
0x75: {  	_ =	shalt  }
0x76: {  	_ =	shalt  }
0x77: {  	_ =	shalt  }
0x78: {  	_ =	shalt  }
0x79: {  	_ =	shalt  }
0x7a: {  	_ =	shalt  }
0x7b: {  	_ =	shalt  }
0x7c: {  	_ =	shalt  }
0x7d: {  	_ =	shalt  }
0x7e: {  	_ =	shalt  }
0x7f: {  	_ =	shalt  }
0x80: {  	_ =	shalt  }
0x81: {  	_ =	shalt  }
0x82: {  	_ =	shalt  }
0x83: {  	_ =	shalt  }
0x84: {  	_ =	shalt  }
0x85: {  	_ =	shalt  }
0x86: {  	_ =	shalt  }
0x87: {  	_ =	shalt  }
.Lfunc_end0:
.L_simem_size_0:
called_computation_lowered:
.L_overlay_start_0:
0x88: {  	s2 =	sld [smem:$0x3FD9]  }
0x89: {  	s3 =	sld [smem:$0x3FFE];
	_ =	sdelay $0x1  }
0x8a: {  	s1 =	srdreg.scid  }
0x8b: {  	s0 =	sand.u32 $0x1, s1  }
0x8c: {  	s18 =	sshll.u32 s0, $0xA;
	s2 =	sadd.s32 s3, s2  }
0x8d: {  	s2 =	sadd.s32 s2, s18  }
0x8e: {  	[smem:$0x3FC6] =	sst s2  }
0x8f: {  	_ = 	snop  }
0x90: {  	s2 =	sld [smem:$0x3FC9]  }
0x91: {  	s19 =	sld [smem:$0x3FC8]  }
0x92: {  	s4 =	sld [smem:$0x3FD0];
	(tm) =	ssettm $0x1  }
0x93: {  	s5 =	sld [smem:$0x3FFB];
	_ =	sdelay $0x3  }
0x94: {  	_ =	strace s5  }
0x95: {  	s5 =	sld [smem:$0x3FFC];
	_ =	sdelay $0x3  }
0x96: {  	_ =	strace s5  }
0x97: {  	s5 =	sld [smem:$0x3FFD];
	_ =	sdelay $0x3  }
0x98: {  	_ =	strace s5  }
0x99: {  	_ =	strace $0x8FFFFFFF  }
0x9a: {  	s20 =	sld [smem:$0x3FDB];
	_ =	sdelay $0x1  }
0x9b: {  	s6 =	simm.s32 $_scs_section_size  }
0x9c: {  	s7 =	simm.s32 $_size__tile_overlayer_lowered;
	s8 =	simm.s32 $_tile_overlayer_lowered  }
0x9d: {  	s23 =	simm.s32 $0x1BFF;
	s22 =	sshll.u32 s8, $0x1;
	s5 =	sadd.s32 s6, s20  }
0x9e: {  	s9 =	simm.s32 $0x0;
	s21 =	sshll.u32 s7, $0x1;
	s7 =	sadd.s32 s22, s5  }
0x9f: {  	[timem:s9], [sflag:s23] =	dma.local [hbm:s7], s21  }
0xa0: {  	_ =	swait.ge [sflag:s23], s21  }
0xa1: {  	s6 =	ssub.s32 $0x0, s21;
	[sflag:s23] =	ssyncset.done $0x0  }
0xa2: {  	[sflag:s23] =	ssyncadd.s32 s6;
	_ =	sdelay $0x1  }
0xa3: {  	s24 =	simm.s32 $0x1B8B  }
0xa4: {  	_ =	swait.ge [sflag:s24], $0x1  }
0xa5: {  	[sflag:s24] =	ssyncset.done $0x0  }
0xa6: {  	s25 =	simm.s32 $0x1B8E;
	[sflag:s24] =	ssyncadd.s32 $0xFFFFFFFF  }
0xa7: {  	s26 =	simm.s32 $execute0_lowered;
	[smem:$0x3FD2] =	sst s25  }
0xa8: {  	s6 =	sshll.u32 s26, $0x1;
	_ =	strace $0x80000046;
	[dreg:$0x1] =	wrdreg $0xFFFFFFFF  }
0xa9: {  	s28 =	simm.s32 $_size_execute0_lowered;
	s5 =	sadd.s32 s5, s6;
	[dreg:$0x0] =	wrdreg $0x0  }
0xaa: {  	s6 =	sshll.u32 s28, $0x1;
	[dreg:$0x2] =	wrdreg s5  }
0xab: {  	[dreg:$0x3] =	wrdreg s6  }
0xac: {  	[dreg:$0x4] =	wrdreg $0xC0  }
0xad: {  	_ =	task [dreg:s9], $0x5FFFF  }
0xae: {  	[dreg:$0x1] =	wrdreg $0xFFFFFFFF  }
0xaf: {  	[dreg:$0x0] =	wrdreg $0x60  }
0xb0: {  	[dreg:$0x2] =	wrdreg s2  }
0xb1: {  	[dreg:$0x3] =	wrdreg s19  }
0xb2: {  	[dreg:$0x4] =	wrdreg s4  }
0xb3: {  	[dreg:$0x5] =	wrdreg $0x9  }
0xb4: {  	_ =	task.clear_ibuf [dreg:s9], $0x6FFFF;
	_ =	strace $0x90000046  }
0xb5: {  	s29 =	simm.s32 $0x9;
	_ =	strace $0x80000048  }
0xb6: {  	_ =	swait.ge [sflag:s29], $0x1  }
0xb7: {  	[sflag:s29] =	ssyncadd.s32 $0xFFFFFFFF  }
0xb8: {  	_ =	strace $0x90000048  }
0xb9: {  	_ =	sfence  }
0xba: {  	s30 =	sld [smem:$0x0];
	_ =	sdelay $0x2  }
0xbb: {  	s31 =	sshll.u32 s1, $0xD;
	s1 =	sshrl.u32 s1, $0x2  }
0xbc: {  	s3 =	sand.u32 $0x4000, s31;
	s1 =	sadd.s32 s1, s30  }
0xbd: {  	s0 =	sor.u32 s3, s0;
	s1 =	sshll.u32 s1, $0x11  }
0xbe: {  	s0 =	sor.u32 s1, s0  }
0xbf: {  	s0 =	sadd.s32 $0x8F2B, s0  }
0xc0: {  	[sflag:s0] =	ssyncadd.remote.s32 $0x1  }
0xc1: {  	_ =	sfence.sel $0xFFFF  }
0xc2: {  	[dreg:$0x0] =	wrdreg $0xFFFFFFFF;
	(pc) =	sbr.abs _section_cstart, $3  }
0xc3: {  	[dreg:$0x1] =	wrdreg $0xFFFFFFFF  }
0xc4: {  	_ =	task.clear_ibuf [dreg:s9], $0x2FFFF;
	_ =	strace $0x9FFFFFFF  }
0xc5: {  	(tm) =	ssettm $0x7FFFFFFF  }
tec
execute0_lowered:
.L_overlay_start_1:
0x0: {  	(tag) =	ssettag $0x1  }
0x1: {  	s3 =	rddreg [dreg:$0x0];
	s0 =	srdreg.scid  }
0x2: {  	s4 =	rddreg [dreg:$0x2];
	s1 =	stileid.u32;
	s0 =	sand.u32 $0x1, s0  }
0x3: {  	s26 =	simm.s32 $0x0;
	s1 =	sshll.u32 s1, $0x9;
	s2 =	sshll.u32 s0, $0x8  }
0x4: {  	[smem:$0x7FF] =	sst s26;
	s5 =	sor.u32 s2, s1  }
0x5: {  	_ =	strace $0x80000047;
	s23 =	sor.u32 $0x8, s5;
	[dreg:$0x4] =	wrdreg s5  }
0x6: {  	s2 =	sshll.u32 s5, $0x8;
	s25 =	sor.u32 $0x10, s5;
	[dreg:$0x9] =	wrdreg s23  }
0x7: {  	s21 =	sshrl.u32 s5, $0x3;
	s20 =	sadd.s32 s3, s2;
	[dreg:$0xb] =	wrdreg s25  }
0x8: {  	s22 =	sor.u32 $0x3, s21;
	[dreg:$0x5] =	wrdreg s20  }
0x9: {  	s24 =	sor.u32 $0x4, s21;
	[dreg:$0x8] =	wrdreg s22  }
0xa: {  	s0 =	ssub.s32 $0x2, s0;
	s28 =	sor.u32 $0x5, s21;
	[dreg:$0xa] =	wrdreg s24  }
0xb: {  	s19 =	sshrl.u32 s0, $0x1;
	s29 =	sor.u32 $0x6, s21;
	[dreg:$0xc] =	wrdreg s28  }
0xc: {  	s0 =	ssub.s32 s0, s19;
	s30 =	sor.u32 $0x7, s21;
	[dreg:$0xd] =	wrdreg s29  }
0xd: {  	s0 =	smax.u32 s0, $0x1;
	[dreg:$0xe] =	wrdreg s30  }
0xe: {  	s3 =	sadd.s32 $0x800, s20;
	[dreg:$0x12] =	wrdreg s0  }
0xf: {  	s31 =	sadd.s32 s2, s4;
	s1 =	sadd.s32 $0x1000, s20;
	[dreg:$0x6] =	wrdreg s3  }
0x10: {  	s2 =	sadd.s32 $0xF000, s31;
	[dreg:$0x7] =	wrdreg s1  }
0x11: {  	s23 =	simm.s32 $0x4800;
	s1 =	sor.u32 $0x8, s21;
	[dreg:$0x10] =	wrdreg s2  }
0x12: {  	s22 =	simm.s32 $0x800;
	[dreg:$0xf] =	wrdreg s1;
	s1 =	sadd.s32 $0xF800, s31  }
0x13: {  	s24 =	simm.s32 $0x8800;
	s2 =	simm.s32 $0x0;
	[dreg:$0x11] =	wrdreg s1  }
.LBB2_1:
0x14: {  	[dreg:$0x13] =	wrdreg s2  }
0x15: {  	s0 =	rddreg [dreg:$0x1];
	s28 =	simm.s32 $0x6  }
0x16: {  	[tilespmem:s26], [sflag:$0x6] =	stream.linear.gather [hbm4b:s0+s26], $0x800, $0x38;
	[tilespmem:$0x14800] =	vst v63  }
0x17: {  	_ =	swait.ge [sflag:s28], $0x800  }
0x18: {  	[sflag:s28] =	ssyncset.done $0x0  }
0x19: {  	s29 =	rddreg [dreg:$0x5];
	[sflag:s28] =	ssyncadd.s32 $0xFFFFF800  }
0x1a: {  	[tilespmem:s22], [sflag:$0x1] =	stream.linear.gather [hbm4b:s29+s26], $0x4000, $0x38;
	[tilespmem:$0x14800] =	vst v63  }
0x1b: {  	s30 =	rddreg [dreg:$0x6]  }
0x1c: {  	[tilespmem:s23], [sflag:$0x2] =	stream.linear.gather [hbm4b:s30+s26], $0x4000, $0x38;
	[tilespmem:$0x14800] =	vst v63  }
0x1d: {  	s3 =	simm.s32 $0x0;
	s31 =	rddreg [dreg:$0x7]  }
0x1e: {  	[tilespmem:s24], [sflag:$0x3] =	stream.linear.gather [hbm4b:s31+s26], $0x4000, $0x38;
	[tilespmem:$0x14800] =	vst v63  }
.LBB2_2:
0x1f: {  	s0 =	simm.s32 $0x1  }
0x20: {  	_ =	swait.ge [sflag:s0], $0x4000  }
0x21: {  	p0 =	seq.s32 s3, $0x0;
	[sflag:s0] =	ssyncset.done $0x0  }
0x22: {  	s2 =	simm.s32 $0x0;
	s1 =	simm.s32 @!p0 $0x4;
	[sflag:s0] =	ssyncadd.s32 $0xFFFFC000  }
0x23: {  	s4 =	sand.u32 $0x40, s2;
	_ =	swait.ge @!p0 [sflag:s1], $0x4000  }
0x24: {  	s5 =	sand.u32 $0x780, s2;
	s6 =	sor.u32 $0x30, s4;
	[sflag:s1] =	ssyncset.done @!p0 $0x0  }
0x25: {  	s20 =	sor.u32 s6, s5;
	[sflag:s1] =	ssyncadd.s32 @!p0 $0xFFFFC000  }
0x26: {  	v0 =	vld [tilespmem:s20+$0x0]  }
0x27: {  	s21 =	sor.u32 $0x10, s4;
	v1 =	vld [tilespmem:s2+$0x0]  }
0x28: {  	s7 =	sor.u32 $0x20, s4;
	s8 =	sor.u32 s21, s5  }
0x29: {  	s5 =	sor.u32 s7, s5;
	v2 =	vld [tilespmem:s8+$0x0]  }
0x2a: {  	v3 =	vld [tilespmem:s5+$0x0]  }
0x2b: {  	v4 =	vshll.u32 v0, $0x3  }
0x2c: {  	v5 =	vshll.u32 v1, $0x3;
	v0 =	vand.u32 $0x7F, v0;
	v4 =	vand.u32 $0xFFFFFC00, v4  }
0x2d: {  	v1 =	vand.u32 $0x7F, v1;
	v6 =	vand.u32 $0xFFFFFC00, v5;
	v5 =	vor.u32 v0, v4  }
0x2e: {  	v0 =	vor.u32 v1, v6;
	v1 =	vshll.u32 v2, $0x3  }
0x2f: {  	v4 =	vshll.u32 v3, $0x3;
	v2 =	vand.u32 $0x7F, v2;
	v1 =	vand.u32 $0xFFFFFC00, v1  }
0x30: {  	v6 =	vand.u32 $0xFFFFFC00, v4;
	v4 =	vor.u32 v2, v1;
	v1 =	vand.u32 $0x7F, v3  }
0x31: {  	v3 =	vor.u32 v1, v6  }
0x32: {  	v1 =	vld.idx.msk [tilespmem:v5+s22+$0x0], $0xffff  }
0x33: {  	v6 =	vor.u32 $0x80, v5;
	v2 =	vld.idx.msk [tilespmem:v0+s22+$0x0], $0xffff  }
0x34: {  	s2 =	sand.u32 $0x3C00, s2;
	v7 =	vor.u32 $0x80, v0  }
0x35: {  	s25 =	sadd.s32 $0xC800, s2;
	v8 =	vld.idx.msk [tilespmem:v4+s22+$0x0], $0xffff  }
0x36: {  	s10 =	sor.u32 s6, s25;
	v9 =	vor.u32 $0x80, v4;
	v10 =	vld.idx.msk [tilespmem:v3+s22+$0x0], $0xffff  }
0x37: {  	s2 =	sor.u32 s4, s25;
	v11 =	vor.u32 $0x80, v3;
	[tilespmem:s10+$0x0] =	vst v1  }
0x38: {  	[tilespmem:s2+$0x0] =	vst v2;
	v1 =	vld.idx.msk [tilespmem:v6+s22+$0x0], $0xffff  }
0x39: {  	s26 =	sor.u32 s21, s25;
	v2 =	vld.idx.msk [tilespmem:v7+s22+$0x0], $0xffff;
	v6 =	vor.u32 $0x100, v5  }
0x3a: {  	s5 =	sor.u32 s7, s25;
	v7 =	vor.u32 $0x100, v0;
	[tilespmem:s26+$0x0] =	vst v8  }
0x3b: {  	v8 =	vld.idx.msk [tilespmem:v9+s22+$0x0], $0xffff;
	[tilespmem:s5+$0x0] =	vst v10  }
0x3c: {  	v9 =	vor.u32 $0x100, v4;
	v10 =	vld.idx.msk [tilespmem:v11+s22+$0x0], $0xffff  }
0x3d: {  	v11 =	vor.u32 $0x100, v3;
	[tilespmem:s10+$0x80] =	vst v1  }
0x3e: {  	[tilespmem:s2+$0x80] =	vst v2;
	v1 =	vld.idx.msk [tilespmem:v6+s22+$0x0], $0xffff  }
0x3f: {  	v2 =	vld.idx.msk [tilespmem:v7+s22+$0x0], $0xffff;
	v6 =	vor.u32 $0x180, v5  }
0x40: {  	v7 =	vor.u32 $0x180, v0;
	[tilespmem:s26+$0x80] =	vst v8  }
0x41: {  	v8 =	vld.idx.msk [tilespmem:v9+s22+$0x0], $0xffff;
	[tilespmem:s5+$0x80] =	vst v10  }
0x42: {  	s9 =	simm.s32 $0x40;
	v9 =	vor.u32 $0x180, v4;
	v10 =	vld.idx.msk [tilespmem:v11+s22+$0x0], $0xffff  }
0x43: {  	s28 =	sand.u32 $0x40, s9;
	v11 =	vld [tilespmem:s9+$0x0];
	[tilespmem:s10+$0x100] =	vst v1  }
0x44: {  	s11 =	sand.u32 $0x780, s9;
	s29 =	sor.u32 $0x30, s28;
	[tilespmem:s2+$0x100] =	vst v2;
	v1 =	vld.idx.msk [tilespmem:v6+s22+$0x0], $0xffff  }
0x45: {  	s30 =	sor.u32 s29, s11;
	v2 =	vor.u32 $0x180, v3;
	v6 =	vld.idx.msk [tilespmem:v7+s22+$0x0], $0xffff  }
0x46: {  	s31 =	sor.u32 $0x10, s28;
	v7 =	vor.u32 $0x200, v5;
	[tilespmem:s26+$0x100] =	vst v8;
	v8 =	vld [tilespmem:s30+$0x0]  }
0x47: {  	s0 =	sor.u32 $0x20, s28;
	s12 =	sor.u32 s31, s11;
	v9 =	vld.idx.msk [tilespmem:v9+s22+$0x0], $0xffff  }
0x48: {  	s11 =	sor.u32 s0, s11;
	v13 =	vld [tilespmem:s12+$0x0];
	v12 =	vor.u32 $0x200, v4;
	v14 =	vshll.u32 v11, $0x3  }
0x49: {  	v15 =	vld [tilespmem:s11+$0x0];
	[tilespmem:s5+$0x100] =	vst v10;
	v10 =	vor.u32 $0x200, v0;
	v11 =	vand.u32 $0x7F, v11;
	v14 =	vand.u32 $0xFFFFFC00, v14  }
0x4a: {  	p1 =	por $0x0, $0x0;
	v16 =	vld.idx.msk [tilespmem:v2+s22+$0x0], $0xffff;
	[tilespmem:s10+$0x180] =	vst v1;
	v1 =	vor.u32 v11, v14;
	s10 =	simm.s32 $0x1  }
0x4b: {  	v11 =	vor.u32 $0x200, v3;
	v7 =	vld.idx.msk [tilespmem:v7+s22+$0x0], $0xffff;
	v2 =	vshll.u32 v8, $0x3;
	s10 =	simm.s32 @!p1 $0x0  }
0x4c: {  	v8 =	vand.u32 $0x7F, v8;
	[tilespmem:s26+$0x180] =	vst v9;
	v2 =	vand.u32 $0xFFFFFC00, v2;
	s14 =	sshll.u32 s10, $0x6;
	v9 =	vor.u32 $0x280, v5  }
0x4d: {  	v14 =	vor.u32 $0x280, v4;
	[tilespmem:s2+$0x180] =	vst v6;
	v6 =	vld.idx.msk [tilespmem:v12+s22+$0x0], $0xffff;
	v12 =	vshll.u32 v13, $0x3;
	v2 =	vor.u32 v8, v2;
	s2 =	sadd.s32 $0x0, s14  }
0x4e: {  	v8 =	vld.idx.msk [tilespmem:v10+s22+$0x0], $0xffff;
	v10 =	vshll.u32 v15, $0x3;
	v13 =	vand.u32 $0x7F, v13;
	v12 =	vand.u32 $0xFFFFFC00, v12;
	s4 =	sadd.s32 $0x30, s2  }
0x4f: {  	v10 =	vand.u32 $0xFFFFFC00, v10;
	[tilespmem:s5+$0x180] =	vst v16;
	v17 =	vld.idx.msk [tilespmem:v1+s22+$0x0], $0xffff;
	v21 =	vor.u32 v13, v12;
	v12 =	vand.u32 $0x7F, v15;
	s15 =	sor.u32 $0x200, s4  }
0x50: {  	s5 =	sadd.s32 $0x10, s2;
	v11 =	vld.idx.msk [tilespmem:v11+s22+$0x0], $0xffff;
	v10 =	vor.u32 v12, v10;
	[tilespmem:s15+$0xC800] =	vst v7  }
0x51: {  	s16 =	sor.u32 $0x200, s5;
	v7 =	vor.u32 $0x280, v0;
	v9 =	vld.idx.msk [tilespmem:v9+s22+$0x0], $0xffff  }
0x52: {  	s20 =	simm.s32 $0x200;
	s17 =	sor.u32 $0x200, s2;
	v12 =	vor.u32 $0x280, v3;
	v13 =	vld.idx.msk [tilespmem:v2+s22+$0x0], $0xffff;
	[tilespmem:s16+$0xC800] =	vst v6  }
0x53: {  	s19 =	sand.u32 $0x3C00, s20;
	s10 =	sadd.s32 $0x20, s2;
	[tilespmem:s17+$0xC800] =	vst v8;
	v8 =	vor.u32 $0x80, v1;
	v6 =	vld.idx.msk [tilespmem:v14+s22+$0x0], $0xffff  }
0x54: {  	s11 =	sadd.s32 $0xC800, s19;
	s18 =	sor.u32 $0x200, s10;
	v14 =	vor.u32 $0x300, v5;
	v15 =	vld.idx.msk [tilespmem:v21+s22+$0x0], $0xffff  }
0x55: {  	s13 =	sor.u32 s28, s11;
	v16 =	vor.u32 $0x80, v2;
	[tilespmem:s18+$0xC800] =	vst v11;
	v18 =	vld.idx.msk [tilespmem:v10+s22+$0x0], $0xffff  }
0x56: {  	s21 =	sor.u32 $0x280, s4;
	v19 =	vor.u32 $0x80, v21;
	[tilespmem:s13+$0x0] =	vst v17;
	v22 =	vld.idx.msk [tilespmem:v7+s22+$0x0], $0xffff  }
0x57: {  	s16 =	sor.u32 s29, s11;
	v7 =	vor.u32 $0x80, v10;
	v11 =	vld.idx.msk [tilespmem:v12+s22+$0x0], $0xffff;
	[tilespmem:s21+$0xC800] =	vst v9  }
0x58: {  	s25 =	sor.u32 $0x280, s5;
	v9 =	vor.u32 $0x300, v4;
	[tilespmem:s16+$0x0] =	vst v13;
	v8 =	vld.idx.msk [tilespmem:v8+s22+$0x0], $0xffff  }
0x59: {  	s14 =	sor.u32 s31, s11;
	v13 =	vor.u32 $0x300, v3;
	v12 =	vld.idx.msk [tilespmem:v14+s22+$0x0], $0xffff;
	[tilespmem:s25+$0xC800] =	vst v6  }
0x5a: {  	s17 =	sor.u32 s0, s11;
	v5 =	vor.u32 $0x380, v5;
	v16 =	vld.idx.msk [tilespmem:v16+s22+$0x0], $0xffff;
	[tilespmem:s14+$0x0] =	vst v15  }
0x5b: {  	s26 =	sor.u32 $0x280, s10;
	v17 =	vor.u32 $0x100, v2;
	v15 =	vld.idx.msk [tilespmem:v19+s22+$0x0], $0xffff;
	[tilespmem:s17+$0x0] =	vst v18  }
0x5c: {  	v19 =	vor.u32 $0x100, v1;
	[tilespmem:s26+$0xC800] =	vst v11;
	v7 =	vld.idx.msk [tilespmem:v7+s22+$0x0], $0xffff  }
0x5d: {  	s28 =	sor.u32 $0x300, s4;
	v6 =	vor.u32 $0x100, v21;
	v23 =	vld.idx.msk [tilespmem:v9+s22+$0x0], $0xffff;
	[tilespmem:s13+$0x80] =	vst v8  }
0x5e: {  	v20 =	vor.u32 $0x100, v10;
	v14 =	vld.idx.msk [tilespmem:v13+s22+$0x0], $0xffff;
	[tilespmem:s28+$0xC800] =	vst v12  }
0x5f: {  	[tilespmem:s16+$0x80] =	vst v16;
	v16 =	vor.u32 $0x300, v0;
	v24 =	vld.idx.msk [tilespmem:v5+s22+$0x0], $0xffff  }
0x60: {  	v25 =	vor.u32 $0x380, v4;
	v18 =	vld.idx.msk [tilespmem:v17+s22+$0x0], $0xffff;
	[tilespmem:s14+$0x80] =	vst v15  }
0x61: {  	s8 =	smul.u32 $0x6, s3;
	s30 =	sor.u32 $0x280, s2;
	v4 =	vor.u32 $0x380, v21;
	v17 =	vld.idx.msk [tilespmem:v19+s22+$0x0], $0xffff;
	s29 =	rddreg [dreg:$0x4];
	[tilespmem:s17+$0x80] =	vst v7  }
0x62: {  	s1 =	simm.s32 $0x4;
	s19 =	smul.u32 $0x30, s3;
	v11 =	vor.u32 $0x200, v21;
	v13 =	vor.u32 $0x180, v21;
	v19 =	vld.idx.msk [tilespmem:v6+s22+$0x0], $0xffff;
	[tilespmem:s30+$0xC800] =	vst v22;
	v22 =	vor.u32 $0x180, v2  }
0x63: {  	s12 =	sor.u32 $0x300, s2;
	s7 =	sor.u32 $0x380, s2;
	s31 =	sor.u32 $0x300, s5;
	v8 =	vor.u32 $0x280, v21;
	v6 =	vor.u32 $0x300, v21;
	v21 =	vor.u32 $0x180, v1;
	v20 =	vld.idx.msk [tilespmem:v20+s22+$0x0], $0xffff  }
0x64: {  	s4 =	sor.u32 $0x380, s4;
	s15 =	sor.u32 $0x300, s10;
	s11 =	sor.u32 $0x380, s5;
	v3 =	vor.u32 $0x380, v3;
	v9 =	vor.u32 $0x200, v10;
	v12 =	vor.u32 $0x180, v10;
	[tilespmem:s31+$0xC800] =	vst v23;
	v15 =	vld.idx.msk [tilespmem:v16+s22+$0x0], $0xffff  }
0x65: {  	s21 =	sor.u32 $0x380, s10;
	s10 =	simm.s32 $0x80;
	v5 =	vor.u32 $0x300, v10;
	v7 =	vor.u32 $0x280, v10;
	v10 =	vor.u32 $0x380, v10;
	s18 =	sadd.s32 s29, s19;
	v16 =	vld.idx.msk [tilespmem:v25+s22+$0x0], $0xffff;
	[tilespmem:s4+$0xC800] =	vst v24  }
.LBB2_3:
0x66: {  	v23 =	vld [tilespmem:s10+$0x0];
	[tilespmem:s16+$0x100] =	vst v18;
	s9 =	sadd.s32 $0x40, s9  }
0x67: {  	s1 =	sadd.s32 $0x4, s1;
	s6 =	sand.u32 $0x40, s9;
	[tilespmem:s13+$0x100] =	vst v17;
	v17 =	vld.idx.msk [tilespmem:v22+s22+$0x0], $0xffff  }
0x68: {  	s2 =	sand.u32 $0x780, s9;
	p2 =	slt.u32 s1, $0x7C;
	s26 =	sor.u32 $0x30, s6;
	v18 =	vld.idx.msk [tilespmem:v21+s22+$0x0], $0xffff;
	[tilespmem:s14+$0x100] =	vst v19  }
0x69: {  	s5 =	sor.u32 $0x10, s6;
	s29 =	sor.u32 $0x20, s6;
	v19 =	vor.u32 $0x200, v2;
	s4 =	sor.u32 s26, s2;
	v13 =	vld.idx.msk [tilespmem:v13+s22+$0x0], $0xffff;
	[tilespmem:s17+$0x100] =	vst v20  }
0x6a: {  	v21 =	vor.u32 $0x200, v1;
	s25 =	sor.u32 s5, s2;
	s2 =	sor.u32 s29, s2;
	v20 =	vld [tilespmem:s4+$0x0];
	[tilespmem:s15+$0xC800] =	vst v14  }
0x6b: {  	v14 =	vld [tilespmem:s25+$0x0];
	[tilespmem:s12+$0xC800] =	vst v15  }
0x6c: {  	v15 =	vshll.u32 v23, $0x3;
	v22 =	vld [tilespmem:s2+$0x0];
	[tilespmem:s11+$0xC800] =	vst v16  }
0x6d: {  	v16 =	vand.u32 $0x7F, v23;
	v15 =	vand.u32 $0xFFFFFC00, v15;
	v12 =	vld.idx.msk [tilespmem:v12+s22+$0x0], $0xffff;
	[tilespmem:s16+$0x180] =	vst v17;
	v17 =	vor.u32 $0x380, v0;
	v0 =	vmovc v1  }
0x6e: {  	p1 =	por !p1, !p1;
	s2 =	simm.s32 $0x1;
	v1 =	vor.u32 v16, v15;
	[tilespmem:s13+$0x180] =	vst v18;
	v15 =	vld.idx.msk [tilespmem:v19+s22+$0x0], $0xffff  }
0x6f: {  	s2 =	simm.s32 @!p1 $0x0;
	v16 =	vshll.u32 v20, $0x3;
	v18 =	vld.idx.msk [tilespmem:v21+s22+$0x0], $0xffff;
	[tilespmem:s14+$0x180] =	vst v13  }
0x70: {  	s2 =	sshll.u32 s2, $0x6;
	v13 =	vand.u32 $0x7F, v20;
	v16 =	vand.u32 $0xFFFFFC00, v16;
	v19 =	vld.idx.msk [tilespmem:v11+s22+$0x0], $0xffff;
	v11 =	vor.u32 $0x280, v2  }
0x71: {  	s13 =	sadd.s32 s2, s20;
	v20 =	vshll.u32 v14, $0x3;
	v21 =	vshll.u32 v22, $0x3;
	v16 =	vor.u32 v13, v16;
	v23 =	vld.idx.msk [tilespmem:v3+s22+$0x0], $0xffff;
	v3 =	vmovc v10  }
0x72: {  	s11 =	sadd.s32 $0x10, s13;
	s14 =	sadd.s32 $0x20, s13;
	s2 =	sadd.s32 $0x30, s13;
	v10 =	vand.u32 $0x7F, v14;
	v13 =	vand.u32 $0xFFFFFC00, v20;
	v14 =	vand.u32 $0xFFFFFC00, v21;
	v17 =	vld.idx.msk [tilespmem:v17+s22+$0x0], $0xffff  }
0x73: {  	s16 =	sor.u32 $0x200, s11;
	s4 =	sor.u32 $0x200, s2;
	v10 =	vor.u32 v10, v13;
	v13 =	vand.u32 $0x7F, v22;
	v21 =	vor.u32 $0x280, v0;
	v20 =	vld.idx.msk [tilespmem:v1+s22+$0x0], $0xffff;
	[tilespmem:s17+$0x180] =	vst v12;
	s17 =	sor.u32 $0x200, s14  }
0x74: {  	s12 =	sor.u32 $0x200, s13;
	s28 =	sor.u32 $0x280, s11;
	s25 =	sor.u32 $0x280, s14;
	v22 =	vor.u32 $0x80, v10;
	v24 =	vor.u32 $0x100, v10;
	v14 =	vor.u32 v13, v14;
	v25 =	vld.idx.msk [tilespmem:v9+s22+$0x0], $0xffff;
	[tilespmem:s4+$0xC800] =	vst v15  }
0x75: {  	s30 =	sor.u32 $0x280, s13;
	s15 =	sor.u32 $0x300, s14;
	v13 =	vor.u32 $0x180, v10;
	v15 =	vor.u32 $0x80, v14;
	v26 =	vor.u32 $0x100, v14;
	s4 =	sor.u32 $0x300, s11;
	[tilespmem:s12+$0xC800] =	vst v18;
	v18 =	vld.idx.msk [tilespmem:v11+s22+$0x0], $0xffff  }
0x76: {  	s14 =	sor.u32 $0x380, s14;
	v12 =	vor.u32 $0x180, v14;
	v9 =	vor.u32 $0x200, v14;
	s11 =	sor.u32 $0x380, s11;
	v11 =	vor.u32 $0x200, v10;
	s12 =	sor.u32 $0x300, s13;
	v27 =	vld.idx.msk [tilespmem:v16+s22+$0x0], $0xffff;
	[tilespmem:s16+$0xC800] =	vst v19  }
0x77: {  	v29 =	vor.u32 $0x300, v2;
	s13 =	sor.u32 $0x380, s13;
	v19 =	vor.u32 $0x280, v14;
	v28 =	vld.idx.msk [tilespmem:v8+s22+$0x0], $0xffff;
	v8 =	vor.u32 $0x280, v10;
	[tilespmem:s21+$0xC800] =	vst v23;
	s21 =	smov.u32 s14  }
0x78: {  	s20 =	sadd.s32 $0x200, s20;
	v32 =	vor.u32 $0x80, v16;
	v30 =	vor.u32 $0x300, v10;
	v31 =	vor.u32 $0x300, v14;
	v23 =	vld.idx.msk [tilespmem:v10+s22+$0x0], $0xffff;
	[tilespmem:s7+$0xC800] =	vst v17;
	s7 =	smov.u32 s13  }
0x79: {  	v33 =	vor.u32 $0x380, v10;
	s13 =	sand.u32 $0x3C00, s20;
	v17 =	vor.u32 $0x80, v1;
	v10 =	vor.u32 $0x380, v14;
	v34 =	vld.idx.msk [tilespmem:v14+s22+$0x0], $0xffff  }
0x7a: {  	s31 =	sadd.s32 $0xC800, s13;
	v35 =	vld.idx.msk [tilespmem:v21+s22+$0x0], $0xffff;
	[tilespmem:s17+$0xC800] =	vst v25;
	s17 =	sor.u32 $0x280, s2  }
0x7b: {  	s13 =	sor.u32 s6, s31;
	s14 =	sor.u32 s5, s31;
	s16 =	sor.u32 s26, s31;
	v14 =	vld.idx.msk [tilespmem:v7+s22+$0x0], $0xffff;
	[tilespmem:s17+$0xC800] =	vst v18;
	v7 =	vmov v19  }
0x7c: {  	s17 =	sor.u32 s29, s31;
	[tilespmem:s16+$0x0] =	vst v27;
	v18 =	vld.idx.msk [tilespmem:v29+s22+$0x0], $0xffff  }
0x7d: {  	[tilespmem:s13+$0x0] =	vst v20;
	v19 =	vld.idx.msk [tilespmem:v32+s22+$0x0], $0xffff  }
0x7e: {  	v20 =	vor.u32 $0x380, v2;
	v2 =	vmov v16;
	v17 =	vld.idx.msk [tilespmem:v17+s22+$0x0], $0xffff;
	[tilespmem:s14+$0x0] =	vst v23  }
0x7f: {  	v21 =	vor.u32 $0x100, v2;
	v16 =	vld.idx.msk [tilespmem:v22+s22+$0x0], $0xffff;
	[tilespmem:s17+$0x0] =	vst v34  }
0x80: {  	v22 =	vor.u32 $0x100, v1;
	v15 =	vld.idx.msk [tilespmem:v15+s22+$0x0], $0xffff;
	[tilespmem:s28+$0xC800] =	vst v28  }
0x81: {  	s5 =	sor.u32 $0x300, s2;
	v23 =	vld.idx.msk [tilespmem:v6+s22+$0x0], $0xffff;
	[tilespmem:s25+$0xC800] =	vst v14;
	v6 =	vmov v30  }
0x82: {  	v14 =	vld.idx.msk [tilespmem:v5+s22+$0x0], $0xffff;
	[tilespmem:s5+$0xC800] =	vst v18;
	v5 =	vmov v31  }
0x83: {  	v25 =	vor.u32 $0x300, v0;
	[tilespmem:s16+$0x80] =	vst v19;
	v27 =	vld.idx.msk [tilespmem:v20+s22+$0x0], $0xffff  }
0x84: {  	[tilespmem:s13+$0x80] =	vst v17;
	v18 =	vld.idx.msk [tilespmem:v21+s22+$0x0], $0xffff  }
.Ltmp0:
0x85: {  	v17 =	vld.idx.msk [tilespmem:v22+s22+$0x0], $0xffff;
	[tilespmem:s14+$0x80] =	vst v16;
	(pc) =	sbr.rel @p2 .LBB2_3-.Ltmp0, $4  }
0x86: {  	v22 =	vor.u32 $0x180, v2;
	v19 =	vld.idx.msk [tilespmem:v24+s22+$0x0], $0xffff;
	[tilespmem:s17+$0x80] =	vst v15  }
0x87: {  	v21 =	vor.u32 $0x180, v1;
	v20 =	vld.idx.msk [tilespmem:v26+s22+$0x0], $0xffff;
	[tilespmem:s30+$0xC800] =	vst v35  }
0x88: {  	s2 =	sor.u32 $0x380, s2;
	v15 =	vld.idx.msk [tilespmem:v25+s22+$0x0], $0xffff;
	[tilespmem:s4+$0xC800] =	vst v23  }
0x89: {  	s10 =	sadd.s32 $0x40, s10;
	v16 =	vld.idx.msk [tilespmem:v4+s22+$0x0], $0xffff;
	[tilespmem:s2+$0xC800] =	vst v27;
	v4 =	vmov v33  }
0x8a: {  	_ =	sdelay $0x2  }
0x8b: {  	[tilespmem:s16+$0x100] =	vst v18  }
0x8c: {  	v18 =	vld.idx.msk [tilespmem:v22+s22+$0x0], $0xffff;
	[tilespmem:s14+$0x100] =	vst v19  }
0x8d: {  	[tilespmem:s13+$0x100] =	vst v17;
	v19 =	vor.u32 $0x200, v2;
	v13 =	vld.idx.msk [tilespmem:v13+s22+$0x0], $0xffff  }
0x8e: {  	v17 =	vld.idx.msk [tilespmem:v21+s22+$0x0], $0xffff;
	[tilespmem:s17+$0x100] =	vst v20  }
0x8f: {  	v20 =	vor.u32 $0x200, v1;
	v12 =	vld.idx.msk [tilespmem:v12+s22+$0x0], $0xffff;
	_ =	sdelay $0x1  }
0x90: {  	p1 =	por !p1, !p1;
	s1 =	simm.s32 $0x1;
	[tilespmem:s16+$0x180] =	vst v18  }
0x91: {  	s1 =	simm.s32 @!p1 $0x0;
	v18 =	vld.idx.msk [tilespmem:v19+s22+$0x0], $0xffff;
	[tilespmem:s14+$0x180] =	vst v13  }
0x92: {  	s1 =	sshll.u32 s1, $0x6;
	[tilespmem:s13+$0x180] =	vst v17;
	v13 =	vor.u32 $0x280, v2;
	v11 =	vld.idx.msk [tilespmem:v11+s22+$0x0], $0xffff  }
0x93: {  	s1 =	sadd.s32 s1, s20;
	[tilespmem:s17+$0x180] =	vst v12;
	v12 =	vld.idx.msk [tilespmem:v20+s22+$0x0], $0xffff  }
0x94: {  	s2 =	sadd.s32 $0x30, s1;
	v17 =	vor.u32 $0x280, v1;
	v9 =	vld.idx.msk [tilespmem:v9+s22+$0x0], $0xffff  }
0x95: {  	s4 =	sadd.s32 $0x10, s1;
	s5 =	sor.u32 $0x200, s2  }
0x96: {  	s9 =	sor.u32 $0x200, s4;
	[tilespmem:s5+$0xC800] =	vst v18  }
0x97: {  	s6 =	sadd.s32 $0x20, s1;
	s25 =	sor.u32 $0x200, s1;
	v13 =	vld.idx.msk [tilespmem:v13+s22+$0x0], $0xffff;
	[tilespmem:s9+$0xC800] =	vst v11  }
0x98: {  	s20 =	sor.u32 $0x200, s6;
	v11 =	vor.u32 $0x300, v2;
	[tilespmem:s25+$0xC800] =	vst v12;
	v8 =	vld.idx.msk [tilespmem:v8+s22+$0x0], $0xffff  }
0x99: {  	[tilespmem:s20+$0xC800] =	vst v9;
	v9 =	vld.idx.msk [tilespmem:v17+s22+$0x0], $0xffff  }
0x9a: {  	v12 =	vor.u32 $0x300, v1;
	v7 =	vld.idx.msk [tilespmem:v7+s22+$0x0], $0xffff  }
0x9b: {  	[tilespmem:s15+$0xC800] =	vst v14;
	s26 =	sor.u32 $0x280, s2  }
0x9c: {  	s28 =	sor.u32 $0x280, s4;
	[tilespmem:s26+$0xC800] =	vst v13  }
0x9d: {  	v0 =	vor.u32 $0x380, v0;
	s30 =	sor.u32 $0x280, s1;
	v11 =	vld.idx.msk [tilespmem:v11+s22+$0x0], $0xffff;
	[tilespmem:s28+$0xC800] =	vst v8  }
0x9e: {  	s29 =	sor.u32 $0x280, s6;
	v2 =	vor.u32 $0x380, v2;
	[tilespmem:s30+$0xC800] =	vst v9;
	v6 =	vld.idx.msk [tilespmem:v6+s22+$0x0], $0xffff  }
0x9f: {  	[tilespmem:s29+$0xC800] =	vst v7;
	v7 =	vld.idx.msk [tilespmem:v12+s22+$0x0], $0xffff  }
0xa0: {  	[tilespmem:s12+$0xC800] =	vst v15;
	v1 =	vor.u32 $0x380, v1;
	v5 =	vld.idx.msk [tilespmem:v5+s22+$0x0], $0xffff  }
0xa1: {  	v3 =	vld.idx.msk [tilespmem:v3+s22+$0x0], $0xffff;
	[tilespmem:s11+$0xC800] =	vst v16;
	s31 =	sor.u32 $0x300, s2  }
0xa2: {  	v0 =	vld.idx.msk [tilespmem:v0+s22+$0x0], $0xffff;
	s0 =	sor.u32 $0x300, s4;
	[tilespmem:s31+$0xC800] =	vst v11  }
0xa3: {  	s11 =	sor.u32 $0x300, s1;
	v2 =	vld.idx.msk [tilespmem:v2+s22+$0x0], $0xffff;
	[tilespmem:s0+$0xC800] =	vst v6  }
0xa4: {  	s10 =	sor.u32 $0x300, s6;
	[tilespmem:s11+$0xC800] =	vst v7;
	v4 =	vld.idx.msk [tilespmem:v4+s22+$0x0], $0xffff  }
0xa5: {  	[tilespmem:s10+$0xC800] =	vst v5;
	v1 =	vld.idx.msk [tilespmem:v1+s22+$0x0], $0xffff  }
0xa6: {  	[tilespmem:s21+$0xC800] =	vst v3;
	v5 =	vld.idx.msk [tilespmem:v10+s22+$0x0], $0xffff  }
0xa7: {  	s2 =	sor.u32 $0x380, s2;
	[tilespmem:s7+$0xC800] =	vst v0  }
0xa8: {  	s4 =	sor.u32 $0x380, s4;
	[tilespmem:s2+$0xC800] =	vst v2  }
0xa9: {  	s1 =	sor.u32 $0x380, s1;
	[tilespmem:s4+$0xC800] =	vst v4  }
0xaa: {  	s12 =	sor.u32 $0x380, s6;
	s13 =	sshll.u32 s18, $0x8;
	s0 =	rddreg [dreg:$0x2];
	[tilespmem:s1+$0xC800] =	vst v1  }
0xab: {  	s15 =	simm.s32 $0x0;
	s16 =	simm.s32 $0xC800;
	s14 =	sadd.s32 s0, s13;
	[tilespmem:s12+$0xC800] =	vst v5  }
0xac: {  	[hbm4b:s14+s15] =	stream.linear.scatter [tilespmem:s16], [sflag:$0x4], $0x4000, $0x38;
	[tilespmem:$0x14800] =	vst v63  }
0xad: {  	s17 =	rddreg [dreg:$0x8]  }
0xae: {  	s18 =	sadd.s32 s8, s17  }
0xaf: {  	s20 =	rddreg [dreg:$0x0];
	s9 =	sshll.u32 s18, $0xB  }
0xb0: {  	s21 =	simm.s32 $0x2;
	s1 =	sadd.s32 s20, s9  }
0xb1: {  	[tilespmem:s22], [sflag:$0x1] =	stream.linear.gather [hbm4b:s1+s15], $0x4000, $0x38;
	[tilespmem:$0x14800] =	vst v63  }
0xb2: {  	_ =	swait.ge [sflag:s21], $0x4000  }
0xb3: {  	[sflag:s21] =	ssyncset.done $0x0  }
0xb4: {  	s25 =	simm.s32 $0x0;
	s1 =	simm.s32 @!p0 $0x5;
	[sflag:s21] =	ssyncadd.s32 $0xFFFFC000  }
0xb5: {  	s26 =	sand.u32 $0x40, s25;
	_ =	swait.ge @!p0 [sflag:s1], $0x4000  }
0xb6: {  	s28 =	sand.u32 $0x780, s25;
	s29 =	sor.u32 $0x30, s26;
	[sflag:s1] =	ssyncset.done @!p0 $0x0  }
0xb7: {  	s30 =	sor.u32 s29, s28;
	[sflag:s1] =	ssyncadd.s32 @!p0 $0xFFFFC000  }
0xb8: {  	v0 =	vld [tilespmem:s30+$0x0]  }
0xb9: {  	s31 =	sor.u32 $0x10, s26;
	v1 =	vld [tilespmem:s25+$0x0]  }
0xba: {  	s10 =	sor.u32 $0x20, s26;
	s0 =	sor.u32 s31, s28  }
0xbb: {  	s5 =	sor.u32 s10, s28;
	v2 =	vld [tilespmem:s0+$0x0]  }
0xbc: {  	v3 =	vld [tilespmem:s5+$0x0]  }
0xbd: {  	v4 =	vshll.u32 v0, $0x3  }
0xbe: {  	v5 =	vshll.u32 v1, $0x3;
	v0 =	vand.u32 $0x7F, v0;
	v4 =	vand.u32 $0xFFFFFC00, v4  }
0xbf: {  	v1 =	vand.u32 $0x7F, v1;
	v6 =	vand.u32 $0xFFFFFC00, v5;
	v5 =	vor.u32 v0, v4  }
0xc0: {  	v0 =	vor.u32 v1, v6;
	v1 =	vshll.u32 v2, $0x3  }
0xc1: {  	v4 =	vshll.u32 v3, $0x3;
	v2 =	vand.u32 $0x7F, v2;
	v1 =	vand.u32 $0xFFFFFC00, v1  }
0xc2: {  	v6 =	vand.u32 $0xFFFFFC00, v4;
	v4 =	vor.u32 v2, v1;
	v1 =	vand.u32 $0x7F, v3  }
0xc3: {  	v3 =	vor.u32 v1, v6  }
0xc4: {  	v1 =	vld.idx.msk [tilespmem:v5+s23+$0x0], $0xffff  }
0xc5: {  	v6 =	vor.u32 $0x80, v5;
	v2 =	vld.idx.msk [tilespmem:v0+s23+$0x0], $0xffff  }
0xc6: {  	s2 =	sand.u32 $0x3C00, s25;
	v7 =	vor.u32 $0x80, v0  }
0xc7: {  	s2 =	sadd.s32 $0x10800, s2;
	v8 =	vld.idx.msk [tilespmem:v4+s23+$0x0], $0xffff  }
0xc8: {  	s5 =	sor.u32 s29, s2;
	v9 =	vor.u32 $0x80, v4;
	v10 =	vld.idx.msk [tilespmem:v3+s23+$0x0], $0xffff  }
0xc9: {  	s1 =	sor.u32 s26, s2;
	v11 =	vor.u32 $0x80, v3;
	[tilespmem:s5+$0x0] =	vst v1  }
0xca: {  	[tilespmem:s1+$0x0] =	vst v2;
	v1 =	vld.idx.msk [tilespmem:v6+s23+$0x0], $0xffff  }
0xcb: {  	s7 =	sor.u32 s31, s2;
	v2 =	vld.idx.msk [tilespmem:v7+s23+$0x0], $0xffff;
	v6 =	vor.u32 $0x100, v5  }
0xcc: {  	s6 =	sor.u32 s10, s2;
	v7 =	vor.u32 $0x100, v0;
	[tilespmem:s7+$0x0] =	vst v8  }
0xcd: {  	v8 =	vld.idx.msk [tilespmem:v9+s23+$0x0], $0xffff;
	[tilespmem:s6+$0x0] =	vst v10  }
0xce: {  	v9 =	vor.u32 $0x100, v4;
	v10 =	vld.idx.msk [tilespmem:v11+s23+$0x0], $0xffff  }
0xcf: {  	v11 =	vor.u32 $0x100, v3;
	[tilespmem:s5+$0x80] =	vst v1  }
0xd0: {  	[tilespmem:s1+$0x80] =	vst v2;
	v1 =	vld.idx.msk [tilespmem:v6+s23+$0x0], $0xffff  }
0xd1: {  	v2 =	vld.idx.msk [tilespmem:v7+s23+$0x0], $0xffff;
	v6 =	vor.u32 $0x180, v5  }
0xd2: {  	v7 =	vor.u32 $0x180, v0;
	[tilespmem:s7+$0x80] =	vst v8  }
0xd3: {  	v8 =	vld.idx.msk [tilespmem:v9+s23+$0x0], $0xffff;
	[tilespmem:s6+$0x80] =	vst v10  }
0xd4: {  	s18 =	simm.s32 $0x40;
	v9 =	vor.u32 $0x180, v4;
	v10 =	vld.idx.msk [tilespmem:v11+s23+$0x0], $0xffff  }
0xd5: {  	s10 =	sand.u32 $0x40, s18;
	v11 =	vld [tilespmem:s18+$0x0];
	[tilespmem:s5+$0x100] =	vst v1  }
0xd6: {  	s17 =	sand.u32 $0x780, s18;
	s20 =	sor.u32 $0x30, s10;
	[tilespmem:s1+$0x100] =	vst v2;
	v1 =	vld.idx.msk [tilespmem:v6+s23+$0x0], $0xffff  }
0xd7: {  	s25 =	sor.u32 s20, s17;
	v2 =	vor.u32 $0x180, v3;
	v6 =	vld.idx.msk [tilespmem:v7+s23+$0x0], $0xffff  }
0xd8: {  	s26 =	sor.u32 $0x10, s10;
	v7 =	vor.u32 $0x200, v5;
	[tilespmem:s7+$0x100] =	vst v8;
	v8 =	vld [tilespmem:s25+$0x0]  }
0xd9: {  	s28 =	sor.u32 $0x20, s10;
	s29 =	sor.u32 s26, s17;
	v9 =	vld.idx.msk [tilespmem:v9+s23+$0x0], $0xffff  }
0xda: {  	s2 =	sor.u32 s28, s17;
	v13 =	vld [tilespmem:s29+$0x0];
	v12 =	vor.u32 $0x200, v4;
	v14 =	vshll.u32 v11, $0x3  }
0xdb: {  	v15 =	vld [tilespmem:s2+$0x0];
	[tilespmem:s6+$0x100] =	vst v10;
	v10 =	vor.u32 $0x200, v0;
	v11 =	vand.u32 $0x7F, v11;
	v14 =	vand.u32 $0xFFFFFC00, v14  }
0xdc: {  	p0 =	por $0x0, $0x0;
	s2 =	simm.s32 $0x1;
	v16 =	vld.idx.msk [tilespmem:v2+s23+$0x0], $0xffff;
	[tilespmem:s5+$0x180] =	vst v1;
	v1 =	vor.u32 v11, v14  }
0xdd: {  	s2 =	simm.s32 @!p0 $0x0;
	v11 =	vor.u32 $0x200, v3;
	v7 =	vld.idx.msk [tilespmem:v7+s23+$0x0], $0xffff;
	v2 =	vshll.u32 v8, $0x3  }
0xde: {  	s2 =	sshll.u32 s2, $0x6;
	v8 =	vand.u32 $0x7F, v8;
	[tilespmem:s7+$0x180] =	vst v9;
	v2 =	vand.u32 $0xFFFFFC00, v2;
	v9 =	vor.u32 $0x280, v5  }
0xdf: {  	s2 =	sadd.s32 $0x0, s2;
	v14 =	vor.u32 $0x280, v4;
	[tilespmem:s1+$0x180] =	vst v6;
	v6 =	vld.idx.msk [tilespmem:v12+s23+$0x0], $0xffff;
	v12 =	vshll.u32 v13, $0x3;
	v2 =	vor.u32 v8, v2  }
0xe0: {  	s1 =	sadd.s32 $0x30, s2;
	v8 =	vld.idx.msk [tilespmem:v10+s23+$0x0], $0xffff;
	v10 =	vshll.u32 v15, $0x3;
	v13 =	vand.u32 $0x7F, v13;
	v12 =	vand.u32 $0xFFFFFC00, v12  }
0xe1: {  	s30 =	sor.u32 $0x200, s1;
	v10 =	vand.u32 $0xFFFFFC00, v10;
	[tilespmem:s6+$0x180] =	vst v16;
	v17 =	vld.idx.msk [tilespmem:v1+s23+$0x0], $0xffff;
	v21 =	vor.u32 v13, v12;
	v12 =	vand.u32 $0x7F, v15  }
0xe2: {  	s31 =	sadd.s32 $0x10, s2;
	v11 =	vld.idx.msk [tilespmem:v11+s23+$0x0], $0xffff;
	v10 =	vor.u32 v12, v10;
	[tilespmem:s30+$0x10800] =	vst v7  }
0xe3: {  	s13 =	sor.u32 $0x200, s31;
	v7 =	vor.u32 $0x280, v0;
	v9 =	vld.idx.msk [tilespmem:v9+s23+$0x0], $0xffff  }
0xe4: {  	s14 =	sor.u32 $0x200, s2;
	s7 =	simm.s32 $0x200;
	v12 =	vor.u32 $0x280, v3;
	v13 =	vld.idx.msk [tilespmem:v2+s23+$0x0], $0xffff;
	[tilespmem:s13+$0x10800] =	vst v6  }
0xe5: {  	s21 =	sadd.s32 $0x20, s2;
	s16 =	sand.u32 $0x3C00, s7;
	[tilespmem:s14+$0x10800] =	vst v8;
	v8 =	vor.u32 $0x80, v1;
	v6 =	vld.idx.msk [tilespmem:v14+s23+$0x0], $0xffff  }
0xe6: {  	s15 =	sor.u32 $0x200, s21;
	s12 =	sadd.s32 $0x10800, s16;
	v14 =	vor.u32 $0x300, v5;
	v15 =	vld.idx.msk [tilespmem:v21+s23+$0x0], $0xffff  }
0xe7: {  	v16 =	vor.u32 $0x80, v2;
	s14 =	sor.u32 s10, s12;
	[tilespmem:s15+$0x10800] =	vst v11;
	v18 =	vld.idx.msk [tilespmem:v10+s23+$0x0], $0xffff  }
0xe8: {  	s17 =	sor.u32 $0x280, s1;
	v19 =	vor.u32 $0x80, v21;
	[tilespmem:s14+$0x0] =	vst v17;
	v7 =	vld.idx.msk [tilespmem:v7+s23+$0x0], $0xffff  }
0xe9: {  	s6 =	sor.u32 s20, s12;
	v11 =	vor.u32 $0x80, v10;
	v12 =	vld.idx.msk [tilespmem:v12+s23+$0x0], $0xffff;
	[tilespmem:s17+$0x10800] =	vst v9  }
0xea: {  	s20 =	sor.u32 $0x280, s31;
	v9 =	vor.u32 $0x300, v4;
	[tilespmem:s6+$0x0] =	vst v13;
	v8 =	vld.idx.msk [tilespmem:v8+s23+$0x0], $0xffff  }
0xeb: {  	s15 =	sor.u32 s26, s12;
	v13 =	vld.idx.msk [tilespmem:v14+s23+$0x0], $0xffff;
	v14 =	vor.u32 $0x300, v3;
	[tilespmem:s20+$0x10800] =	vst v6  }
0xec: {  	s10 =	sor.u32 s28, s12;
	v5 =	vor.u32 $0x380, v5;
	v16 =	vld.idx.msk [tilespmem:v16+s23+$0x0], $0xffff;
	[tilespmem:s15+$0x0] =	vst v15  }
0xed: {  	s25 =	sor.u32 $0x280, s21;
	v17 =	vor.u32 $0x100, v2;
	v15 =	vld.idx.msk [tilespmem:v19+s23+$0x0], $0xffff;
	[tilespmem:s10+$0x0] =	vst v18  }
0xee: {  	v19 =	vor.u32 $0x100, v1;
	[tilespmem:s25+$0x10800] =	vst v12;
	v20 =	vld.idx.msk [tilespmem:v11+s23+$0x0], $0xffff  }
0xef: {  	s26 =	sor.u32 $0x300, s1;
	v6 =	vor.u32 $0x100, v21;
	v22 =	vld.idx.msk [tilespmem:v9+s23+$0x0], $0xffff;
	[tilespmem:s14+$0x80] =	vst v8  }
0xf0: {  	v23 =	vor.u32 $0x100, v10;
	v14 =	vld.idx.msk [tilespmem:v14+s23+$0x0], $0xffff;
	[tilespmem:s26+$0x10800] =	vst v13  }
0xf1: {  	[tilespmem:s6+$0x80] =	vst v16;
	v16 =	vor.u32 $0x300, v0;
	v24 =	vld.idx.msk [tilespmem:v5+s23+$0x0], $0xffff  }
0xf2: {  	v25 =	vor.u32 $0x380, v4;
	v18 =	vld.idx.msk [tilespmem:v17+s23+$0x0], $0xffff;
	[tilespmem:s15+$0x80] =	vst v15  }
0xf3: {  	s30 =	sor.u32 $0x300, s31;
	v4 =	vor.u32 $0x380, v21;
	v17 =	vld.idx.msk [tilespmem:v19+s23+$0x0], $0xffff;
	s28 =	rddreg [dreg:$0x9];
	[tilespmem:s10+$0x80] =	vst v20  }
0xf4: {  	s29 =	sor.u32 $0x280, s2;
	v11 =	vor.u32 $0x200, v21;
	v8 =	vor.u32 $0x280, v21;
	v19 =	vld.idx.msk [tilespmem:v6+s23+$0x0], $0xffff;
	[tilespmem:s30+$0x10800] =	vst v22;
	v22 =	vor.u32 $0x180, v2  }
0xf5: {  	s11 =	simm.s32 $0x80;
	s16 =	sor.u32 $0x300, s21;
	s13 =	sor.u32 $0x300, s2;
	v13 =	vor.u32 $0x180, v21;
	[tilespmem:s29+$0x10800] =	vst v7;
	v6 =	vor.u32 $0x300, v21;
	v21 =	vor.u32 $0x180, v1;
	v20 =	vld.idx.msk [tilespmem:v23+s23+$0x0], $0xffff  }
0xf6: {  	s12 =	sor.u32 $0x380, s31;
	s31 =	sor.u32 $0x380, s1;
	s1 =	sor.u32 $0x380, s21;
	v3 =	vor.u32 $0x380, v3;
	v12 =	vor.u32 $0x180, v10;
	v9 =	vor.u32 $0x200, v10;
	v15 =	vld.idx.msk [tilespmem:v16+s23+$0x0], $0xffff  }
0xf7: {  	s21 =	sor.u32 $0x380, s2;
	s17 =	simm.s32 $0x4;
	v5 =	vor.u32 $0x300, v10;
	v7 =	vor.u32 $0x280, v10;
	v10 =	vor.u32 $0x380, v10;
	s20 =	sadd.s32 s19, s28;
	v16 =	vld.idx.msk [tilespmem:v25+s23+$0x0], $0xffff;
	[tilespmem:s31+$0x10800] =	vst v24  }
.LBB2_5:
0xf8: {  	v23 =	vld [tilespmem:s11+$0x0];
	[tilespmem:s6+$0x100] =	vst v18;
	s18 =	sadd.s32 $0x40, s18  }
0xf9: {  	s17 =	sadd.s32 $0x4, s17;
	s26 =	sand.u32 $0x40, s18;
	[tilespmem:s14+$0x100] =	vst v17;
	v17 =	vld.idx.msk [tilespmem:v22+s23+$0x0], $0xffff  }
0xfa: {  	s4 =	sand.u32 $0x780, s18;
	p1 =	slt.u32 s17, $0x7C;
	s29 =	sor.u32 $0x30, s26;
	v18 =	vld.idx.msk [tilespmem:v21+s23+$0x0], $0xffff;
	[tilespmem:s15+$0x100] =	vst v19  }
0xfb: {  	s2 =	sor.u32 $0x10, s26;
	s5 =	sor.u32 $0x20, s26;
	v19 =	vor.u32 $0x200, v2;
	s25 =	sor.u32 s29, s4;
	v13 =	vld.idx.msk [tilespmem:v13+s23+$0x0], $0xffff;
	[tilespmem:s10+$0x100] =	vst v20  }
0xfc: {  	v21 =	vor.u32 $0x200, v1;
	s28 =	sor.u32 s2, s4;
	s4 =	sor.u32 s5, s4;
	v20 =	vld [tilespmem:s25+$0x0];
	[tilespmem:s16+$0x10800] =	vst v14  }
0xfd: {  	v14 =	vld [tilespmem:s28+$0x0];
	[tilespmem:s13+$0x10800] =	vst v15  }
0xfe: {  	v15 =	vshll.u32 v23, $0x3;
	v22 =	vld [tilespmem:s4+$0x0];
	[tilespmem:s12+$0x10800] =	vst v16  }
0xff: {  	v16 =	vand.u32 $0x7F, v23;
	v15 =	vand.u32 $0xFFFFFC00, v15;
	v12 =	vld.idx.msk [tilespmem:v12+s23+$0x0], $0xffff;
	[tilespmem:s6+$0x180] =	vst v17;
	v17 =	vor.u32 $0x380, v0;
	v0 =	vmovc v1  }
0x100: {  	p0 =	por !p0, !p0;
	s4 =	simm.s32 $0x1;
	v1 =	vor.u32 v16, v15;
	[tilespmem:s14+$0x180] =	vst v18;
	v15 =	vld.idx.msk [tilespmem:v19+s23+$0x0], $0xffff  }
0x101: {  	s4 =	simm.s32 @!p0 $0x0;
	v16 =	vshll.u32 v20, $0x3;
	v18 =	vld.idx.msk [tilespmem:v21+s23+$0x0], $0xffff;
	[tilespmem:s15+$0x180] =	vst v13  }
0x102: {  	s4 =	sshll.u32 s4, $0x6;
	v13 =	vand.u32 $0x7F, v20;
	v16 =	vand.u32 $0xFFFFFC00, v16;
	v19 =	vld.idx.msk [tilespmem:v11+s23+$0x0], $0xffff;
	v11 =	vor.u32 $0x280, v2  }
0x103: {  	s6 =	sadd.s32 s4, s7;
	v20 =	vshll.u32 v14, $0x3;
	v21 =	vshll.u32 v22, $0x3;
	v16 =	vor.u32 v13, v16;
	v23 =	vld.idx.msk [tilespmem:v3+s23+$0x0], $0xffff;
	v3 =	vmovc v10  }
0x104: {  	s12 =	sadd.s32 $0x10, s6;
	s14 =	sadd.s32 $0x20, s6;
	s4 =	sadd.s32 $0x30, s6;
	v10 =	vand.u32 $0x7F, v14;
	v13 =	vand.u32 $0xFFFFFC00, v20;
	v14 =	vand.u32 $0xFFFFFC00, v21;
	v17 =	vld.idx.msk [tilespmem:v17+s23+$0x0], $0xffff  }
0x105: {  	s15 =	sor.u32 $0x200, s12;
	s13 =	sor.u32 $0x200, s4;
	v10 =	vor.u32 v10, v13;
	v13 =	vand.u32 $0x7F, v22;
	v21 =	vor.u32 $0x280, v0;
	v20 =	vld.idx.msk [tilespmem:v1+s23+$0x0], $0xffff;
	[tilespmem:s10+$0x180] =	vst v12;
	s10 =	sor.u32 $0x200, s14  }
0x106: {  	s16 =	sor.u32 $0x200, s6;
	s31 =	sor.u32 $0x280, s12;
	s28 =	sor.u32 $0x280, s14;
	v22 =	vor.u32 $0x80, v10;
	v24 =	vor.u32 $0x100, v10;
	v14 =	vor.u32 v13, v14;
	v25 =	vld.idx.msk [tilespmem:v9+s23+$0x0], $0xffff;
	[tilespmem:s13+$0x10800] =	vst v15  }
0x107: {  	s25 =	sor.u32 $0x280, s6;
	s30 =	sor.u32 $0x300, s12;
	v13 =	vor.u32 $0x180, v10;
	v15 =	vor.u32 $0x80, v14;
	v26 =	vor.u32 $0x100, v14;
	[tilespmem:s16+$0x10800] =	vst v18;
	s16 =	sor.u32 $0x300, s14;
	v18 =	vld.idx.msk [tilespmem:v11+s23+$0x0], $0xffff  }
0x108: {  	s12 =	sor.u32 $0x380, s12;
	v12 =	vor.u32 $0x180, v14;
	v9 =	vor.u32 $0x200, v14;
	s13 =	sor.u32 $0x300, s6;
	v11 =	vor.u32 $0x200, v10;
	s14 =	sor.u32 $0x380, s14;
	v27 =	vld.idx.msk [tilespmem:v16+s23+$0x0], $0xffff;
	[tilespmem:s15+$0x10800] =	vst v19  }
0x109: {  	v29 =	vor.u32 $0x300, v2;
	s6 =	sor.u32 $0x380, s6;
	v19 =	vor.u32 $0x280, v14;
	v28 =	vld.idx.msk [tilespmem:v8+s23+$0x0], $0xffff;
	v8 =	vor.u32 $0x280, v10;
	[tilespmem:s1+$0x10800] =	vst v23;
	s1 =	smov.u32 s14  }
0x10a: {  	s7 =	sadd.s32 $0x200, s7;
	v32 =	vor.u32 $0x80, v16;
	v30 =	vor.u32 $0x300, v10;
	v31 =	vor.u32 $0x300, v14;
	v23 =	vld.idx.msk [tilespmem:v10+s23+$0x0], $0xffff;
	[tilespmem:s21+$0x10800] =	vst v17;
	s21 =	smov.u32 s6  }
0x10b: {  	v33 =	vor.u32 $0x380, v10;
	s6 =	sand.u32 $0x3C00, s7;
	v17 =	vor.u32 $0x80, v1;
	v10 =	vor.u32 $0x380, v14;
	v34 =	vld.idx.msk [tilespmem:v14+s23+$0x0], $0xffff  }
0x10c: {  	s0 =	sadd.s32 $0x10800, s6;
	v35 =	vld.idx.msk [tilespmem:v21+s23+$0x0], $0xffff;
	[tilespmem:s10+$0x10800] =	vst v25;
	s10 =	sor.u32 $0x280, s4  }
0x10d: {  	s14 =	sor.u32 s26, s0;
	s15 =	sor.u32 s2, s0;
	s6 =	sor.u32 s29, s0;
	v14 =	vld.idx.msk [tilespmem:v7+s23+$0x0], $0xffff;
	[tilespmem:s10+$0x10800] =	vst v18;
	v7 =	vmov v19  }
0x10e: {  	s10 =	sor.u32 s5, s0;
	[tilespmem:s6+$0x0] =	vst v27;
	v18 =	vld.idx.msk [tilespmem:v29+s23+$0x0], $0xffff  }
0x10f: {  	[tilespmem:s14+$0x0] =	vst v20;
	v19 =	vld.idx.msk [tilespmem:v32+s23+$0x0], $0xffff  }
0x110: {  	v20 =	vor.u32 $0x380, v2;
	v2 =	vmov v16;
	v17 =	vld.idx.msk [tilespmem:v17+s23+$0x0], $0xffff;
	[tilespmem:s15+$0x0] =	vst v23  }
0x111: {  	v21 =	vor.u32 $0x100, v2;
	v16 =	vld.idx.msk [tilespmem:v22+s23+$0x0], $0xffff;
	[tilespmem:s10+$0x0] =	vst v34  }
0x112: {  	v22 =	vor.u32 $0x100, v1;
	v15 =	vld.idx.msk [tilespmem:v15+s23+$0x0], $0xffff;
	[tilespmem:s31+$0x10800] =	vst v28  }
0x113: {  	s0 =	sor.u32 $0x300, s4;
	v23 =	vld.idx.msk [tilespmem:v6+s23+$0x0], $0xffff;
	[tilespmem:s28+$0x10800] =	vst v14;
	v6 =	vmov v30  }
0x114: {  	v14 =	vld.idx.msk [tilespmem:v5+s23+$0x0], $0xffff;
	[tilespmem:s0+$0x10800] =	vst v18;
	v5 =	vmov v31  }
0x115: {  	v25 =	vor.u32 $0x300, v0;
	[tilespmem:s6+$0x80] =	vst v19;
	v27 =	vld.idx.msk [tilespmem:v20+s23+$0x0], $0xffff  }
0x116: {  	[tilespmem:s14+$0x80] =	vst v17;
	v18 =	vld.idx.msk [tilespmem:v21+s23+$0x0], $0xffff  }
.Ltmp1:
0x117: {  	v17 =	vld.idx.msk [tilespmem:v22+s23+$0x0], $0xffff;
	[tilespmem:s15+$0x80] =	vst v16;
	(pc) =	sbr.rel @p1 .LBB2_5-.Ltmp1, $4  }
0x118: {  	v22 =	vor.u32 $0x180, v2;
	v19 =	vld.idx.msk [tilespmem:v24+s23+$0x0], $0xffff;
	[tilespmem:s10+$0x80] =	vst v15  }
0x119: {  	v21 =	vor.u32 $0x180, v1;
	v20 =	vld.idx.msk [tilespmem:v26+s23+$0x0], $0xffff;
	[tilespmem:s25+$0x10800] =	vst v35  }
0x11a: {  	s0 =	sor.u32 $0x380, s4;
	v15 =	vld.idx.msk [tilespmem:v25+s23+$0x0], $0xffff;
	[tilespmem:s30+$0x10800] =	vst v23  }
0x11b: {  	s11 =	sadd.s32 $0x40, s11;
	v16 =	vld.idx.msk [tilespmem:v4+s23+$0x0], $0xffff;
	[tilespmem:s0+$0x10800] =	vst v27;
	v4 =	vmov v33  }
0x11c: {  	_ =	sdelay $0x2  }
0x11d: {  	[tilespmem:s6+$0x100] =	vst v18  }
0x11e: {  	v18 =	vld.idx.msk [tilespmem:v22+s23+$0x0], $0xffff;
	[tilespmem:s15+$0x100] =	vst v19  }
0x11f: {  	[tilespmem:s14+$0x100] =	vst v17;
	v19 =	vor.u32 $0x200, v2;
	v13 =	vld.idx.msk [tilespmem:v13+s23+$0x0], $0xffff  }
0x120: {  	v17 =	vld.idx.msk [tilespmem:v21+s23+$0x0], $0xffff;
	[tilespmem:s10+$0x100] =	vst v20  }
0x121: {  	v20 =	vor.u32 $0x200, v1;
	v12 =	vld.idx.msk [tilespmem:v12+s23+$0x0], $0xffff;
	_ =	sdelay $0x1  }
0x122: {  	p0 =	por !p0, !p0;
	s0 =	simm.s32 $0x1;
	[tilespmem:s6+$0x180] =	vst v18  }
0x123: {  	s0 =	simm.s32 @!p0 $0x0;
	v18 =	vld.idx.msk [tilespmem:v19+s23+$0x0], $0xffff;
	[tilespmem:s15+$0x180] =	vst v13  }
0x124: {  	s0 =	sshll.u32 s0, $0x6;
	[tilespmem:s14+$0x180] =	vst v17;
	v13 =	vor.u32 $0x280, v2;
	v11 =	vld.idx.msk [tilespmem:v11+s23+$0x0], $0xffff  }
0x125: {  	s0 =	sadd.s32 s0, s7;
	[tilespmem:s10+$0x180] =	vst v12;
	v12 =	vld.idx.msk [tilespmem:v20+s23+$0x0], $0xffff  }
0x126: {  	s2 =	sadd.s32 $0x30, s0;
	v17 =	vor.u32 $0x280, v1;
	v9 =	vld.idx.msk [tilespmem:v9+s23+$0x0], $0xffff  }
0x127: {  	s4 =	sadd.s32 $0x10, s0;
	s5 =	sor.u32 $0x200, s2  }
0x128: {  	s31 =	sor.u32 $0x200, s4;
	[tilespmem:s5+$0x10800] =	vst v18  }
0x129: {  	s11 =	sor.u32 $0x200, s0;
	s6 =	sadd.s32 $0x20, s0;
	v13 =	vld.idx.msk [tilespmem:v13+s23+$0x0], $0xffff;
	[tilespmem:s31+$0x10800] =	vst v11  }
0x12a: {  	s10 =	sor.u32 $0x200, s6;
	v11 =	vor.u32 $0x300, v2;
	[tilespmem:s11+$0x10800] =	vst v12;
	v8 =	vld.idx.msk [tilespmem:v8+s23+$0x0], $0xffff  }
0x12b: {  	[tilespmem:s10+$0x10800] =	vst v9;
	v9 =	vld.idx.msk [tilespmem:v17+s23+$0x0], $0xffff  }
0x12c: {  	v12 =	vor.u32 $0x300, v1;
	v7 =	vld.idx.msk [tilespmem:v7+s23+$0x0], $0xffff  }
0x12d: {  	[tilespmem:s16+$0x10800] =	vst v14;
	s14 =	sor.u32 $0x280, s2  }
0x12e: {  	s15 =	sor.u32 $0x280, s4;
	[tilespmem:s14+$0x10800] =	vst v13  }
0x12f: {  	v0 =	vor.u32 $0x380, v0;
	s17 =	sor.u32 $0x280, s0;
	v11 =	vld.idx.msk [tilespmem:v11+s23+$0x0], $0xffff;
	[tilespmem:s15+$0x10800] =	vst v8  }
0x130: {  	s16 =	sor.u32 $0x280, s6;
	v2 =	vor.u32 $0x380, v2;
	[tilespmem:s17+$0x10800] =	vst v9;
	v6 =	vld.idx.msk [tilespmem:v6+s23+$0x0], $0xffff  }
0x131: {  	[tilespmem:s16+$0x10800] =	vst v7;
	v7 =	vld.idx.msk [tilespmem:v12+s23+$0x0], $0xffff  }
0x132: {  	[tilespmem:s13+$0x10800] =	vst v15;
	v1 =	vor.u32 $0x380, v1;
	v5 =	vld.idx.msk [tilespmem:v5+s23+$0x0], $0xffff  }
0x133: {  	v3 =	vld.idx.msk [tilespmem:v3+s23+$0x0], $0xffff;
	[tilespmem:s12+$0x10800] =	vst v16;
	s18 =	sor.u32 $0x300, s2  }
0x134: {  	v0 =	vld.idx.msk [tilespmem:v0+s23+$0x0], $0xffff;
	s25 =	sor.u32 $0x300, s4;
	[tilespmem:s18+$0x10800] =	vst v11  }
0x135: {  	s28 =	sor.u32 $0x300, s0;
	v2 =	vld.idx.msk [tilespmem:v2+s23+$0x0], $0xffff;
	[tilespmem:s25+$0x10800] =	vst v6  }
0x136: {  	s26 =	sor.u32 $0x300, s6;
	[tilespmem:s28+$0x10800] =	vst v7;
	v4 =	vld.idx.msk [tilespmem:v4+s23+$0x0], $0xffff  }
0x137: {  	[tilespmem:s26+$0x10800] =	vst v5;
	v1 =	vld.idx.msk [tilespmem:v1+s23+$0x0], $0xffff  }
0x138: {  	[tilespmem:s1+$0x10800] =	vst v3;
	v5 =	vld.idx.msk [tilespmem:v10+s23+$0x0], $0xffff  }
0x139: {  	s29 =	sor.u32 $0x380, s2;
	[tilespmem:s21+$0x10800] =	vst v0  }
0x13a: {  	s30 =	sor.u32 $0x380, s4;
	[tilespmem:s29+$0x10800] =	vst v2  }
0x13b: {  	s0 =	sor.u32 $0x380, s0;
	[tilespmem:s30+$0x10800] =	vst v4  }
0x13c: {  	s4 =	sshll.u32 s20, $0x8;
	s5 =	rddreg [dreg:$0x2];
	s31 =	sor.u32 $0x380, s6;
	[tilespmem:s0+$0x10800] =	vst v1  }
0x13d: {  	s6 =	simm.s32 $0x0;
	s10 =	simm.s32 $0x10800;
	s0 =	sadd.s32 s5, s4;
	[tilespmem:s31+$0x10800] =	vst v5  }
0x13e: {  	[hbm4b:s0+s6] =	stream.linear.scatter [tilespmem:s10], [sflag:$0x5], $0x4000, $0x38;
	[tilespmem:$0x14800] =	vst v63  }
0x13f: {  	s11 =	rddreg [dreg:$0xa]  }
0x140: {  	s0 =	sadd.s32 s8, s11  }
0x141: {  	s0 =	sshll.u32 s0, $0xB  }
0x142: {  	s12 =	rddreg [dreg:$0x0];
	s18 =	sand.u32 $0x1FFFF000, s0  }
0x143: {  	s13 =	simm.s32 $0x3;
	s0 =	sadd.s32 s12, s18  }
0x144: {  	[tilespmem:s23], [sflag:$0x2] =	stream.linear.gather [hbm4b:s0+s6], $0x4000, $0x38;
	[tilespmem:$0x14800] =	vst v63  }
0x145: {  	_ =	swait.ge [sflag:s13], $0x4000  }
0x146: {  	[sflag:s13] =	ssyncset.done $0x0  }
0x147: {  	s14 =	simm.s32 $0x4;
	[sflag:s13] =	ssyncadd.s32 $0xFFFFC000  }
0x148: {  	s15 =	sand.u32 $0x40, s6;
	_ =	swait.ge [sflag:s14], $0x4000  }
0x149: {  	s16 =	sand.u32 $0x780, s6;
	s17 =	sor.u32 $0x30, s15;
	[sflag:s14] =	ssyncset.done $0x0  }
0x14a: {  	s20 =	sor.u32 s17, s16;
	[sflag:s14] =	ssyncadd.s32 $0xFFFFC000  }
0x14b: {  	v0 =	vld [tilespmem:s20+$0x0]  }
0x14c: {  	s21 =	sor.u32 $0x10, s15;
	v1 =	vld [tilespmem:s6+$0x0]  }
0x14d: {  	s25 =	sor.u32 $0x20, s15;
	s26 =	sor.u32 s21, s16  }
0x14e: {  	s2 =	sor.u32 s25, s16;
	v2 =	vld [tilespmem:s26+$0x0]  }
0x14f: {  	v3 =	vld [tilespmem:s2+$0x0]  }
0x150: {  	v4 =	vshll.u32 v0, $0x3  }
0x151: {  	v5 =	vshll.u32 v1, $0x3;
	v0 =	vand.u32 $0x7F, v0;
	v4 =	vand.u32 $0xFFFFFC00, v4  }
0x152: {  	v1 =	vand.u32 $0x7F, v1;
	v6 =	vand.u32 $0xFFFFFC00, v5;
	v5 =	vor.u32 v0, v4  }
0x153: {  	v0 =	vor.u32 v1, v6;
	v1 =	vshll.u32 v2, $0x3  }
0x154: {  	v4 =	vshll.u32 v3, $0x3;
	v2 =	vand.u32 $0x7F, v2;
	v1 =	vand.u32 $0xFFFFFC00, v1  }
0x155: {  	v6 =	vand.u32 $0xFFFFFC00, v4;
	v4 =	vor.u32 v2, v1;
	v1 =	vand.u32 $0x7F, v3  }
0x156: {  	v3 =	vor.u32 v1, v6  }
0x157: {  	v1 =	vld.idx.msk [tilespmem:v5+s24+$0x0], $0xffff  }
0x158: {  	v6 =	vor.u32 $0x80, v5;
	v2 =	vld.idx.msk [tilespmem:v0+s24+$0x0], $0xffff  }
0x159: {  	s1 =	sand.u32 $0x3C00, s6;
	v7 =	vor.u32 $0x80, v0  }
0x15a: {  	s28 =	sadd.s32 $0xC800, s1;
	v8 =	vld.idx.msk [tilespmem:v4+s24+$0x0], $0xffff  }
0x15b: {  	s29 =	sor.u32 s17, s28;
	v9 =	vor.u32 $0x80, v4;
	v10 =	vld.idx.msk [tilespmem:v3+s24+$0x0], $0xffff  }
0x15c: {  	s1 =	sor.u32 s15, s28;
	v11 =	vor.u32 $0x80, v3;
	[tilespmem:s29+$0x0] =	vst v1  }
0x15d: {  	[tilespmem:s1+$0x0] =	vst v2;
	v1 =	vld.idx.msk [tilespmem:v6+s24+$0x0], $0xffff  }
0x15e: {  	s30 =	sor.u32 s21, s28;
	v2 =	vld.idx.msk [tilespmem:v7+s24+$0x0], $0xffff;
	v6 =	vor.u32 $0x100, v5  }
0x15f: {  	s31 =	sor.u32 s25, s28;
	v7 =	vor.u32 $0x100, v0;
	[tilespmem:s30+$0x0] =	vst v8  }
0x160: {  	v8 =	vld.idx.msk [tilespmem:v9+s24+$0x0], $0xffff;
	[tilespmem:s31+$0x0] =	vst v10  }
0x161: {  	v9 =	vor.u32 $0x100, v4;
	v10 =	vld.idx.msk [tilespmem:v11+s24+$0x0], $0xffff  }
0x162: {  	v11 =	vor.u32 $0x100, v3;
	[tilespmem:s29+$0x80] =	vst v1  }
0x163: {  	[tilespmem:s1+$0x80] =	vst v2;
	v1 =	vld.idx.msk [tilespmem:v6+s24+$0x0], $0xffff  }
0x164: {  	v2 =	vld.idx.msk [tilespmem:v7+s24+$0x0], $0xffff;
	v6 =	vor.u32 $0x180, v5  }
0x165: {  	v7 =	vor.u32 $0x180, v0;
	[tilespmem:s30+$0x80] =	vst v8  }
0x166: {  	v8 =	vld.idx.msk [tilespmem:v9+s24+$0x0], $0xffff;
	[tilespmem:s31+$0x80] =	vst v10  }
0x167: {  	s20 =	simm.s32 $0x40;
	v9 =	vor.u32 $0x180, v4;
	v10 =	vld.idx.msk [tilespmem:v11+s24+$0x0], $0xffff  }
0x168: {  	s4 =	sand.u32 $0x40, s20;
	v11 =	vld [tilespmem:s20+$0x0];
	[tilespmem:s29+$0x100] =	vst v1  }
0x169: {  	s6 =	sand.u32 $0x780, s20;
	s10 =	sor.u32 $0x30, s4;
	[tilespmem:s1+$0x100] =	vst v2;
	v1 =	vld.idx.msk [tilespmem:v6+s24+$0x0], $0xffff  }
0x16a: {  	s11 =	sor.u32 s10, s6;
	v2 =	vor.u32 $0x180, v3;
	v6 =	vld.idx.msk [tilespmem:v7+s24+$0x0], $0xffff  }
0x16b: {  	s25 =	sor.u32 $0x10, s4;
	v7 =	vor.u32 $0x200, v5;
	[tilespmem:s30+$0x100] =	vst v8;
	v8 =	vld [tilespmem:s11+$0x0]  }
0x16c: {  	s26 =	sor.u32 $0x20, s4;
	s28 =	sor.u32 s25, s6;
	v9 =	vld.idx.msk [tilespmem:v9+s24+$0x0], $0xffff  }
0x16d: {  	s2 =	sor.u32 s26, s6;
	v13 =	vld [tilespmem:s28+$0x0];
	v12 =	vor.u32 $0x200, v4;
	v14 =	vshll.u32 v11, $0x3  }
0x16e: {  	v15 =	vld [tilespmem:s2+$0x0];
	[tilespmem:s31+$0x100] =	vst v10;
	v10 =	vor.u32 $0x200, v0;
	v11 =	vand.u32 $0x7F, v11;
	v14 =	vand.u32 $0xFFFFFC00, v14  }
0x16f: {  	p0 =	por $0x0, $0x0;
	s2 =	simm.s32 $0x1;
	v16 =	vld.idx.msk [tilespmem:v2+s24+$0x0], $0xffff;
	[tilespmem:s29+$0x180] =	vst v1;
	v1 =	vor.u32 v11, v14  }
0x170: {  	s2 =	simm.s32 @!p0 $0x0;
	v11 =	vor.u32 $0x200, v3;
	v7 =	vld.idx.msk [tilespmem:v7+s24+$0x0], $0xffff;
	v2 =	vshll.u32 v8, $0x3  }
0x171: {  	s29 =	sshll.u32 s2, $0x6;
	v8 =	vand.u32 $0x7F, v8;
	[tilespmem:s30+$0x180] =	vst v9;
	v2 =	vand.u32 $0xFFFFFC00, v2;
	v9 =	vor.u32 $0x280, v5  }
0x172: {  	v14 =	vor.u32 $0x280, v4;
	[tilespmem:s1+$0x180] =	vst v6;
	s2 =	sadd.s32 $0x0, s29;
	v6 =	vld.idx.msk [tilespmem:v12+s24+$0x0], $0xffff;
	v12 =	vshll.u32 v13, $0x3;
	v2 =	vor.u32 v8, v2  }
0x173: {  	s1 =	sadd.s32 $0x30, s2;
	v8 =	vld.idx.msk [tilespmem:v10+s24+$0x0], $0xffff;
	v10 =	vshll.u32 v15, $0x3;
	v13 =	vand.u32 $0x7F, v13;
	v12 =	vand.u32 $0xFFFFFC00, v12  }
0x174: {  	s30 =	sor.u32 $0x200, s1;
	v10 =	vand.u32 $0xFFFFFC00, v10;
	[tilespmem:s31+$0x180] =	vst v16;
	v17 =	vld.idx.msk [tilespmem:v1+s24+$0x0], $0xffff;
	v21 =	vor.u32 v13, v12;
	v12 =	vand.u32 $0x7F, v15  }
0x175: {  	s31 =	sadd.s32 $0x10, s2;
	v11 =	vld.idx.msk [tilespmem:v11+s24+$0x0], $0xffff;
	v10 =	vor.u32 v12, v10;
	[tilespmem:s30+$0xC800] =	vst v7  }
0x176: {  	s13 =	sor.u32 $0x200, s31;
	v7 =	vor.u32 $0x280, v0;
	v9 =	vld.idx.msk [tilespmem:v9+s24+$0x0], $0xffff  }
0x177: {  	s7 =	simm.s32 $0x200;
	s14 =	sor.u32 $0x200, s2;
	v12 =	vor.u32 $0x280, v3;
	v13 =	vld.idx.msk [tilespmem:v2+s24+$0x0], $0xffff;
	[tilespmem:s13+$0xC800] =	vst v6  }
0x178: {  	s16 =	sand.u32 $0x3C00, s7;
	s21 =	sadd.s32 $0x20, s2;
	[tilespmem:s14+$0xC800] =	vst v8;
	v8 =	vor.u32 $0x80, v1;
	v6 =	vld.idx.msk [tilespmem:v14+s24+$0x0], $0xffff  }
0x179: {  	s0 =	sadd.s32 $0xC800, s16;
	s15 =	sor.u32 $0x200, s21;
	v14 =	vor.u32 $0x300, v5;
	v15 =	vld.idx.msk [tilespmem:v21+s24+$0x0], $0xffff  }
0x17a: {  	v16 =	vor.u32 $0x80, v2;
	s14 =	sor.u32 s4, s0;
	[tilespmem:s15+$0xC800] =	vst v11;
	v18 =	vld.idx.msk [tilespmem:v10+s24+$0x0], $0xffff  }
0x17b: {  	s17 =	sor.u32 $0x280, s1;
	v19 =	vor.u32 $0x80, v21;
	[tilespmem:s14+$0x0] =	vst v17;
	v7 =	vld.idx.msk [tilespmem:v7+s24+$0x0], $0xffff  }
0x17c: {  	s6 =	sor.u32 s10, s0;
	v11 =	vor.u32 $0x80, v10;
	v12 =	vld.idx.msk [tilespmem:v12+s24+$0x0], $0xffff;
	[tilespmem:s17+$0xC800] =	vst v9  }
0x17d: {  	s16 =	sor.u32 s25, s0;
	s25 =	sor.u32 $0x280, s31;
	v9 =	vor.u32 $0x300, v4;
	[tilespmem:s6+$0x0] =	vst v13;
	v8 =	vld.idx.msk [tilespmem:v8+s24+$0x0], $0xffff  }
0x17e: {  	v13 =	vld.idx.msk [tilespmem:v14+s24+$0x0], $0xffff;
	v14 =	vor.u32 $0x300, v3;
	[tilespmem:s25+$0xC800] =	vst v6  }
0x17f: {  	s10 =	sor.u32 s26, s0;
	v5 =	vor.u32 $0x380, v5;
	v16 =	vld.idx.msk [tilespmem:v16+s24+$0x0], $0xffff;
	[tilespmem:s16+$0x0] =	vst v15  }
0x180: {  	s26 =	sor.u32 $0x280, s21;
	v17 =	vor.u32 $0x100, v2;
	v15 =	vld.idx.msk [tilespmem:v19+s24+$0x0], $0xffff;
	[tilespmem:s10+$0x0] =	vst v18  }
0x181: {  	v18 =	vor.u32 $0x100, v1;
	[tilespmem:s26+$0xC800] =	vst v12;
	v20 =	vld.idx.msk [tilespmem:v11+s24+$0x0], $0xffff  }
0x182: {  	s28 =	sor.u32 $0x300, s1;
	v6 =	vor.u32 $0x100, v21;
	v22 =	vld.idx.msk [tilespmem:v9+s24+$0x0], $0xffff;
	[tilespmem:s14+$0x80] =	vst v8  }
0x183: {  	v23 =	vor.u32 $0x100, v10;
	v14 =	vld.idx.msk [tilespmem:v14+s24+$0x0], $0xffff;
	[tilespmem:s28+$0xC800] =	vst v13  }
0x184: {  	[tilespmem:s6+$0x80] =	vst v16;
	v16 =	vor.u32 $0x300, v0;
	v24 =	vld.idx.msk [tilespmem:v5+s24+$0x0], $0xffff  }
0x185: {  	v25 =	vor.u32 $0x380, v4;
	v19 =	vld.idx.msk [tilespmem:v17+s24+$0x0], $0xffff;
	[tilespmem:s16+$0x80] =	vst v15  }
0x186: {  	s30 =	sor.u32 $0x300, s31;
	v4 =	vor.u32 $0x380, v21;
	v17 =	vld.idx.msk [tilespmem:v18+s24+$0x0], $0xffff;
	[tilespmem:s10+$0x80] =	vst v20  }
0x187: {  	s29 =	sor.u32 $0x280, s2;
	v11 =	vor.u32 $0x200, v21;
	v8 =	vor.u32 $0x280, v21;
	v18 =	vld.idx.msk [tilespmem:v6+s24+$0x0], $0xffff;
	[tilespmem:s30+$0xC800] =	vst v22;
	v22 =	vor.u32 $0x180, v2  }
0x188: {  	s11 =	simm.s32 $0x80;
	s12 =	sor.u32 $0x380, s31;
	[tilespmem:s29+$0xC800] =	vst v7;
	v13 =	vor.u32 $0x180, v21;
	v6 =	vor.u32 $0x300, v21;
	v21 =	vor.u32 $0x180, v1;
	v20 =	vld.idx.msk [tilespmem:v23+s24+$0x0], $0xffff  }
0x189: {  	s31 =	sor.u32 $0x380, s1;
	s1 =	sor.u32 $0x380, s21;
	s13 =	sor.u32 $0x300, s2;
	v3 =	vor.u32 $0x380, v3;
	v12 =	vor.u32 $0x180, v10;
	v7 =	vor.u32 $0x280, v10;
	v15 =	vld.idx.msk [tilespmem:v16+s24+$0x0], $0xffff  }
0x18a: {  	s15 =	sor.u32 $0x300, s21;
	s21 =	sor.u32 $0x380, s2;
	s17 =	simm.s32 $0x4;
	v9 =	vor.u32 $0x200, v10;
	v5 =	vor.u32 $0x300, v10;
	v10 =	vor.u32 $0x380, v10;
	v16 =	vld.idx.msk [tilespmem:v25+s24+$0x0], $0xffff;
	[tilespmem:s31+$0xC800] =	vst v24  }
.LBB2_7:
0x18b: {  	v23 =	vld [tilespmem:s11+$0x0];
	[tilespmem:s6+$0x100] =	vst v19;
	s20 =	sadd.s32 $0x40, s20  }
0x18c: {  	s17 =	sadd.s32 $0x4, s17;
	s26 =	sand.u32 $0x40, s20;
	[tilespmem:s14+$0x100] =	vst v17;
	v17 =	vld.idx.msk [tilespmem:v22+s24+$0x0], $0xffff  }
0x18d: {  	s0 =	sand.u32 $0x780, s20;
	p1 =	slt.u32 s17, $0x7C;
	s29 =	sor.u32 $0x30, s26;
	v19 =	vld.idx.msk [tilespmem:v21+s24+$0x0], $0xffff;
	[tilespmem:s16+$0x100] =	vst v18  }
0x18e: {  	s2 =	sor.u32 $0x10, s26;
	s5 =	sor.u32 $0x20, s26;
	v18 =	vor.u32 $0x200, v2;
	s4 =	sor.u32 s29, s0;
	v13 =	vld.idx.msk [tilespmem:v13+s24+$0x0], $0xffff;
	[tilespmem:s10+$0x100] =	vst v20  }
0x18f: {  	v21 =	vor.u32 $0x200, v1;
	s25 =	sor.u32 s2, s0;
	s0 =	sor.u32 s5, s0;
	v20 =	vld [tilespmem:s4+$0x0];
	[tilespmem:s15+$0xC800] =	vst v14  }
0x190: {  	v14 =	vld [tilespmem:s25+$0x0];
	[tilespmem:s13+$0xC800] =	vst v15  }
0x191: {  	v15 =	vshll.u32 v23, $0x3;
	v22 =	vld [tilespmem:s0+$0x0];
	[tilespmem:s12+$0xC800] =	vst v16  }
0x192: {  	v16 =	vand.u32 $0x7F, v23;
	v15 =	vand.u32 $0xFFFFFC00, v15;
	v12 =	vld.idx.msk [tilespmem:v12+s24+$0x0], $0xffff;
	[tilespmem:s6+$0x180] =	vst v17;
	v17 =	vor.u32 $0x380, v0;
	v0 =	vmovc v1  }
0x193: {  	p0 =	por !p0, !p0;
	s0 =	simm.s32 $0x1;
	v1 =	vor.u32 v16, v15;
	[tilespmem:s14+$0x180] =	vst v19;
	v15 =	vld.idx.msk [tilespmem:v18+s24+$0x0], $0xffff  }
0x194: {  	s0 =	simm.s32 @!p0 $0x0;
	v16 =	vshll.u32 v20, $0x3;
	v18 =	vld.idx.msk [tilespmem:v21+s24+$0x0], $0xffff;
	[tilespmem:s16+$0x180] =	vst v13  }
0x195: {  	s0 =	sshll.u32 s0, $0x6;
	v13 =	vand.u32 $0x7F, v20;
	v16 =	vand.u32 $0xFFFFFC00, v16;
	v19 =	vld.idx.msk [tilespmem:v11+s24+$0x0], $0xffff;
	v11 =	vor.u32 $0x280, v2  }
0x196: {  	s0 =	sadd.s32 s0, s7;
	v20 =	vshll.u32 v14, $0x3;
	v21 =	vshll.u32 v22, $0x3;
	v16 =	vor.u32 v13, v16;
	v23 =	vld.idx.msk [tilespmem:v3+s24+$0x0], $0xffff;
	v3 =	vmovc v10  }
0x197: {  	s6 =	sadd.s32 $0x10, s0;
	s14 =	sadd.s32 $0x20, s0;
	s4 =	sadd.s32 $0x30, s0;
	v10 =	vand.u32 $0x7F, v14;
	v13 =	vand.u32 $0xFFFFFC00, v20;
	v14 =	vand.u32 $0xFFFFFC00, v21;
	v17 =	vld.idx.msk [tilespmem:v17+s24+$0x0], $0xffff  }
0x198: {  	s12 =	sor.u32 $0x200, s6;
	s13 =	sor.u32 $0x200, s4;
	v10 =	vor.u32 v10, v13;
	v13 =	vand.u32 $0x7F, v22;
	v21 =	vor.u32 $0x280, v0;
	v20 =	vld.idx.msk [tilespmem:v1+s24+$0x0], $0xffff;
	[tilespmem:s10+$0x180] =	vst v12;
	s10 =	sor.u32 $0x200, s14  }
0x199: {  	s15 =	sor.u32 $0x200, s0;
	s31 =	sor.u32 $0x280, s6;
	s28 =	sor.u32 $0x280, s14;
	v22 =	vor.u32 $0x80, v10;
	v24 =	vor.u32 $0x100, v10;
	v14 =	vor.u32 v13, v14;
	v25 =	vld.idx.msk [tilespmem:v9+s24+$0x0], $0xffff;
	[tilespmem:s13+$0xC800] =	vst v15  }
0x19a: {  	s25 =	sor.u32 $0x280, s0;
	s30 =	sor.u32 $0x300, s6;
	v13 =	vor.u32 $0x180, v10;
	v15 =	vor.u32 $0x80, v14;
	v26 =	vor.u32 $0x100, v14;
	[tilespmem:s15+$0xC800] =	vst v18;
	s15 =	sor.u32 $0x300, s14;
	v18 =	vld.idx.msk [tilespmem:v11+s24+$0x0], $0xffff  }
0x19b: {  	v12 =	vor.u32 $0x180, v14;
	v9 =	vor.u32 $0x200, v14;
	s13 =	sor.u32 $0x300, s0;
	v11 =	vor.u32 $0x200, v10;
	v27 =	vld.idx.msk [tilespmem:v16+s24+$0x0], $0xffff;
	[tilespmem:s12+$0xC800] =	vst v19;
	s12 =	sor.u32 $0x380, s6;
	s6 =	sor.u32 $0x380, s14  }
0x19c: {  	v29 =	vor.u32 $0x300, v2;
	s0 =	sor.u32 $0x380, s0;
	v19 =	vor.u32 $0x280, v14;
	v28 =	vld.idx.msk [tilespmem:v8+s24+$0x0], $0xffff;
	v8 =	vor.u32 $0x280, v10;
	[tilespmem:s1+$0xC800] =	vst v23;
	s1 =	smov.u32 s6  }
0x19d: {  	s7 =	sadd.s32 $0x200, s7;
	v32 =	vor.u32 $0x80, v16;
	v30 =	vor.u32 $0x300, v10;
	v31 =	vor.u32 $0x300, v14;
	v23 =	vld.idx.msk [tilespmem:v10+s24+$0x0], $0xffff;
	[tilespmem:s21+$0xC800] =	vst v17;
	s21 =	smov.u32 s0  }
0x19e: {  	v33 =	vor.u32 $0x380, v10;
	s0 =	sand.u32 $0x3C00, s7;
	v17 =	vor.u32 $0x80, v1;
	v10 =	vor.u32 $0x380, v14;
	v34 =	vld.idx.msk [tilespmem:v14+s24+$0x0], $0xffff  }
0x19f: {  	s0 =	sadd.s32 $0xC800, s0;
	v35 =	vld.idx.msk [tilespmem:v21+s24+$0x0], $0xffff;
	[tilespmem:s10+$0xC800] =	vst v25;
	s10 =	sor.u32 $0x280, s4  }
0x1a0: {  	s14 =	sor.u32 s26, s0;
	s16 =	sor.u32 s2, s0;
	s6 =	sor.u32 s29, s0;
	v14 =	vld.idx.msk [tilespmem:v7+s24+$0x0], $0xffff;
	[tilespmem:s10+$0xC800] =	vst v18;
	v7 =	vmov v19  }
0x1a1: {  	s10 =	sor.u32 s5, s0;
	[tilespmem:s6+$0x0] =	vst v27;
	v18 =	vld.idx.msk [tilespmem:v29+s24+$0x0], $0xffff  }
0x1a2: {  	[tilespmem:s14+$0x0] =	vst v20;
	v19 =	vld.idx.msk [tilespmem:v32+s24+$0x0], $0xffff  }
0x1a3: {  	v20 =	vor.u32 $0x380, v2;
	v2 =	vmov v16;
	v17 =	vld.idx.msk [tilespmem:v17+s24+$0x0], $0xffff;
	[tilespmem:s16+$0x0] =	vst v23  }
0x1a4: {  	v21 =	vor.u32 $0x100, v2;
	v16 =	vld.idx.msk [tilespmem:v22+s24+$0x0], $0xffff;
	[tilespmem:s10+$0x0] =	vst v34  }
0x1a5: {  	v22 =	vor.u32 $0x100, v1;
	v15 =	vld.idx.msk [tilespmem:v15+s24+$0x0], $0xffff;
	[tilespmem:s31+$0xC800] =	vst v28  }
0x1a6: {  	s0 =	sor.u32 $0x300, s4;
	v23 =	vld.idx.msk [tilespmem:v6+s24+$0x0], $0xffff;
	[tilespmem:s28+$0xC800] =	vst v14;
	v6 =	vmov v30  }
0x1a7: {  	v14 =	vld.idx.msk [tilespmem:v5+s24+$0x0], $0xffff;
	[tilespmem:s0+$0xC800] =	vst v18;
	v5 =	vmov v31  }
0x1a8: {  	v25 =	vor.u32 $0x300, v0;
	[tilespmem:s6+$0x80] =	vst v19;
	v27 =	vld.idx.msk [tilespmem:v20+s24+$0x0], $0xffff  }
0x1a9: {  	[tilespmem:s14+$0x80] =	vst v17;
	v19 =	vld.idx.msk [tilespmem:v21+s24+$0x0], $0xffff  }
.Ltmp2:
0x1aa: {  	v17 =	vld.idx.msk [tilespmem:v22+s24+$0x0], $0xffff;
	[tilespmem:s16+$0x80] =	vst v16;
	(pc) =	sbr.rel @p1 .LBB2_7-.Ltmp2, $4  }
0x1ab: {  	v22 =	vor.u32 $0x180, v2;
	v18 =	vld.idx.msk [tilespmem:v24+s24+$0x0], $0xffff;
	[tilespmem:s10+$0x80] =	vst v15  }
0x1ac: {  	v21 =	vor.u32 $0x180, v1;
	v20 =	vld.idx.msk [tilespmem:v26+s24+$0x0], $0xffff;
	[tilespmem:s25+$0xC800] =	vst v35  }
0x1ad: {  	s0 =	sor.u32 $0x380, s4;
	v15 =	vld.idx.msk [tilespmem:v25+s24+$0x0], $0xffff;
	[tilespmem:s30+$0xC800] =	vst v23  }
0x1ae: {  	s11 =	sadd.s32 $0x40, s11;
	v16 =	vld.idx.msk [tilespmem:v4+s24+$0x0], $0xffff;
	[tilespmem:s0+$0xC800] =	vst v27;
	v4 =	vmov v33  }
0x1af: {  	_ =	sdelay $0x2  }
0x1b0: {  	[tilespmem:s6+$0x100] =	vst v19  }
0x1b1: {  	v19 =	vld.idx.msk [tilespmem:v22+s24+$0x0], $0xffff;
	[tilespmem:s16+$0x100] =	vst v18  }
0x1b2: {  	v18 =	vor.u32 $0x200, v2;
	v13 =	vld.idx.msk [tilespmem:v13+s24+$0x0], $0xffff  }
0x1b3: {  	[tilespmem:s10+$0x100] =	vst v20  }
0x1b4: {  	[tilespmem:s14+$0x100] =	vst v17;
	v12 =	vld.idx.msk [tilespmem:v12+s24+$0x0], $0xffff  }
0x1b5: {  	v17 =	vld.idx.msk [tilespmem:v21+s24+$0x0], $0xffff  }
0x1b6: {  	p0 =	por !p0, !p0;
	s0 =	simm.s32 $0x1;
	v20 =	vor.u32 $0x200, v1;
	[tilespmem:s6+$0x180] =	vst v19  }
0x1b7: {  	s0 =	simm.s32 @!p0 $0x0;
	v18 =	vld.idx.msk [tilespmem:v18+s24+$0x0], $0xffff;
	[tilespmem:s16+$0x180] =	vst v13  }
0x1b8: {  	s0 =	sshll.u32 s0, $0x6;
	v13 =	vor.u32 $0x280, v2;
	v11 =	vld.idx.msk [tilespmem:v11+s24+$0x0], $0xffff  }
0x1b9: {  	s0 =	sadd.s32 s0, s7;
	[tilespmem:s10+$0x180] =	vst v12  }
0x1ba: {  	s2 =	sadd.s32 $0x30, s0;
	[tilespmem:s14+$0x180] =	vst v17;
	v9 =	vld.idx.msk [tilespmem:v9+s24+$0x0], $0xffff  }
0x1bb: {  	s4 =	sadd.s32 $0x10, s0;
	s5 =	sor.u32 $0x200, s2;
	v12 =	vld.idx.msk [tilespmem:v20+s24+$0x0], $0xffff  }
0x1bc: {  	s31 =	sor.u32 $0x200, s4;
	v17 =	vor.u32 $0x280, v1;
	[tilespmem:s5+$0xC800] =	vst v18  }
0x1bd: {  	s6 =	sadd.s32 $0x20, s0;
	v13 =	vld.idx.msk [tilespmem:v13+s24+$0x0], $0xffff;
	[tilespmem:s31+$0xC800] =	vst v11  }
0x1be: {  	s10 =	sor.u32 $0x200, s6;
	v11 =	vor.u32 $0x300, v2;
	v8 =	vld.idx.msk [tilespmem:v8+s24+$0x0], $0xffff  }
0x1bf: {  	s11 =	sor.u32 $0x200, s0;
	[tilespmem:s10+$0xC800] =	vst v9  }
0x1c0: {  	[tilespmem:s11+$0xC800] =	vst v12;
	v7 =	vld.idx.msk [tilespmem:v7+s24+$0x0], $0xffff  }
0x1c1: {  	[tilespmem:s15+$0xC800] =	vst v14;
	s14 =	sor.u32 $0x280, s2;
	v9 =	vld.idx.msk [tilespmem:v17+s24+$0x0], $0xffff  }
0x1c2: {  	s15 =	sor.u32 $0x280, s4;
	v12 =	vor.u32 $0x300, v1;
	[tilespmem:s14+$0xC800] =	vst v13  }
0x1c3: {  	v0 =	vor.u32 $0x380, v0;
	v11 =	vld.idx.msk [tilespmem:v11+s24+$0x0], $0xffff;
	[tilespmem:s15+$0xC800] =	vst v8  }
0x1c4: {  	[tilespmem:s13+$0xC800] =	vst v15;
	s16 =	sor.u32 $0x280, s6;
	v2 =	vor.u32 $0x380, v2;
	v6 =	vld.idx.msk [tilespmem:v6+s24+$0x0], $0xffff  }
0x1c5: {  	v3 =	vld.idx.msk [tilespmem:v3+s24+$0x0], $0xffff;
	s17 =	sor.u32 $0x280, s0;
	[tilespmem:s16+$0xC800] =	vst v7  }
0x1c6: {  	[tilespmem:s17+$0xC800] =	vst v9;
	v5 =	vld.idx.msk [tilespmem:v5+s24+$0x0], $0xffff  }
0x1c7: {  	[tilespmem:s12+$0xC800] =	vst v16;
	s20 =	sor.u32 $0x300, s2;
	v7 =	vld.idx.msk [tilespmem:v12+s24+$0x0], $0xffff  }
0x1c8: {  	v0 =	vld.idx.msk [tilespmem:v0+s24+$0x0], $0xffff;
	s25 =	sor.u32 $0x300, s4;
	v1 =	vor.u32 $0x380, v1;
	[tilespmem:s20+$0xC800] =	vst v11  }
0x1c9: {  	v2 =	vld.idx.msk [tilespmem:v2+s24+$0x0], $0xffff;
	[tilespmem:s25+$0xC800] =	vst v6  }
0x1ca: {  	[tilespmem:s1+$0xC800] =	vst v3;
	s26 =	sor.u32 $0x300, s6;
	v4 =	vld.idx.msk [tilespmem:v4+s24+$0x0], $0xffff  }
0x1cb: {  	s28 =	sor.u32 $0x300, s0;
	[tilespmem:s26+$0xC800] =	vst v5  }
0x1cc: {  	[tilespmem:s28+$0xC800] =	vst v7;
	v5 =	vld.idx.msk [tilespmem:v10+s24+$0x0], $0xffff  }
0x1cd: {  	s29 =	sor.u32 $0x380, s2;
	[tilespmem:s21+$0xC800] =	vst v0;
	v1 =	vld.idx.msk [tilespmem:v1+s24+$0x0], $0xffff  }
0x1ce: {  	s30 =	sor.u32 $0x380, s4;
	[tilespmem:s29+$0xC800] =	vst v2  }
0x1cf: {  	[tilespmem:s30+$0xC800] =	vst v4  }
0x1d0: {  	s31 =	sor.u32 $0x380, s6;
	s2 =	rddreg [dreg:$0xb]  }
0x1d1: {  	s0 =	sor.u32 $0x380, s0;
	[tilespmem:s31+$0xC800] =	vst v5;
	s2 =	sadd.s32 s19, s2  }
0x1d2: {  	s5 =	rddreg [dreg:$0x2];
	s6 =	simm.s32 $0x0;
	[tilespmem:s0+$0xC800] =	vst v1;
	s4 =	sshll.u32 s2, $0x8  }
0x1d3: {  	s10 =	simm.s32 $0xC800;
	s11 =	rddreg [dreg:$0xc];
	s0 =	sadd.s32 s5, s4  }
0x1d4: {  	[hbm4b:s0+s6] =	stream.linear.scatter [tilespmem:s10], [sflag:$0x4], $0x4000, $0x38;
	[tilespmem:$0x14800] =	vst v63  }
0x1d5: {  	s0 =	sadd.s32 s8, s11  }
0x1d6: {  	s12 =	rddreg [dreg:$0x0];
	s19 =	sshll.u32 s0, $0xB  }
0x1d7: {  	s13 =	simm.s32 $0x1;
	s0 =	sadd.s32 s12, s19  }
0x1d8: {  	[tilespmem:s24], [sflag:$0x3] =	stream.linear.gather [hbm4b:s0+s6], $0x4000, $0x38;
	[tilespmem:$0x14800] =	vst v63  }
0x1d9: {  	_ =	swait.ge [sflag:s13], $0x4000  }
0x1da: {  	[sflag:s13] =	ssyncset.done $0x0  }
0x1db: {  	s14 =	simm.s32 $0x5;
	[sflag:s13] =	ssyncadd.s32 $0xFFFFC000  }
0x1dc: {  	s15 =	sand.u32 $0x40, s6;
	_ =	swait.ge [sflag:s14], $0x4000  }
0x1dd: {  	s16 =	sand.u32 $0x780, s6;
	s17 =	sor.u32 $0x30, s15;
	[sflag:s14] =	ssyncset.done $0x0  }
0x1de: {  	s20 =	sor.u32 s17, s16;
	[sflag:s14] =	ssyncadd.s32 $0xFFFFC000  }
0x1df: {  	v0 =	vld [tilespmem:s20+$0x0]  }
0x1e0: {  	s21 =	sor.u32 $0x10, s15;
	v1 =	vld [tilespmem:s6+$0x0]  }
0x1e1: {  	s25 =	sor.u32 $0x20, s15;
	s26 =	sor.u32 s21, s16  }
0x1e2: {  	s2 =	sor.u32 s25, s16;
	v2 =	vld [tilespmem:s26+$0x0]  }
0x1e3: {  	v3 =	vld [tilespmem:s2+$0x0]  }
0x1e4: {  	v4 =	vshll.u32 v0, $0x3  }
0x1e5: {  	v5 =	vshll.u32 v1, $0x3;
	v0 =	vand.u32 $0x7F, v0;
	v4 =	vand.u32 $0xFFFFFC00, v4  }
0x1e6: {  	v1 =	vand.u32 $0x7F, v1;
	v6 =	vand.u32 $0xFFFFFC00, v5;
	v5 =	vor.u32 v0, v4  }
0x1e7: {  	v0 =	vor.u32 v1, v6;
	v1 =	vshll.u32 v2, $0x3  }
0x1e8: {  	v4 =	vshll.u32 v3, $0x3;
	v2 =	vand.u32 $0x7F, v2;
	v1 =	vand.u32 $0xFFFFFC00, v1  }
0x1e9: {  	v6 =	vand.u32 $0xFFFFFC00, v4;
	v4 =	vor.u32 v2, v1;
	v1 =	vand.u32 $0x7F, v3  }
0x1ea: {  	v3 =	vor.u32 v1, v6  }
0x1eb: {  	v1 =	vld.idx.msk [tilespmem:v5+s22+$0x0], $0xffff  }
0x1ec: {  	v6 =	vor.u32 $0x80, v5;
	v2 =	vld.idx.msk [tilespmem:v0+s22+$0x0], $0xffff  }
0x1ed: {  	s1 =	sand.u32 $0x3C00, s6;
	v7 =	vor.u32 $0x80, v0  }
0x1ee: {  	s28 =	sadd.s32 $0x10800, s1;
	v8 =	vld.idx.msk [tilespmem:v4+s22+$0x0], $0xffff  }
0x1ef: {  	s29 =	sor.u32 s17, s28;
	v9 =	vor.u32 $0x80, v4;
	v10 =	vld.idx.msk [tilespmem:v3+s22+$0x0], $0xffff  }
0x1f0: {  	s1 =	sor.u32 s15, s28;
	v11 =	vor.u32 $0x80, v3;
	[tilespmem:s29+$0x0] =	vst v1  }
0x1f1: {  	[tilespmem:s1+$0x0] =	vst v2;
	v1 =	vld.idx.msk [tilespmem:v6+s22+$0x0], $0xffff  }
0x1f2: {  	s30 =	sor.u32 s21, s28;
	v2 =	vld.idx.msk [tilespmem:v7+s22+$0x0], $0xffff;
	v6 =	vor.u32 $0x100, v5  }
0x1f3: {  	s31 =	sor.u32 s25, s28;
	v7 =	vor.u32 $0x100, v0;
	[tilespmem:s30+$0x0] =	vst v8  }
0x1f4: {  	v8 =	vld.idx.msk [tilespmem:v9+s22+$0x0], $0xffff;
	[tilespmem:s31+$0x0] =	vst v10  }
0x1f5: {  	v9 =	vor.u32 $0x100, v4;
	v10 =	vld.idx.msk [tilespmem:v11+s22+$0x0], $0xffff  }
0x1f6: {  	v11 =	vor.u32 $0x100, v3;
	[tilespmem:s29+$0x80] =	vst v1  }
0x1f7: {  	[tilespmem:s1+$0x80] =	vst v2;
	v1 =	vld.idx.msk [tilespmem:v6+s22+$0x0], $0xffff  }
0x1f8: {  	v2 =	vld.idx.msk [tilespmem:v7+s22+$0x0], $0xffff;
	v6 =	vor.u32 $0x180, v5  }
0x1f9: {  	v7 =	vor.u32 $0x180, v0;
	[tilespmem:s30+$0x80] =	vst v8  }
0x1fa: {  	v8 =	vld.idx.msk [tilespmem:v9+s22+$0x0], $0xffff;
	[tilespmem:s31+$0x80] =	vst v10  }
0x1fb: {  	s20 =	simm.s32 $0x40;
	v9 =	vor.u32 $0x180, v4;
	v10 =	vld.idx.msk [tilespmem:v11+s22+$0x0], $0xffff  }
0x1fc: {  	s4 =	sand.u32 $0x40, s20;
	v11 =	vld [tilespmem:s20+$0x0];
	[tilespmem:s29+$0x100] =	vst v1  }
0x1fd: {  	s6 =	sand.u32 $0x780, s20;
	s10 =	sor.u32 $0x30, s4;
	[tilespmem:s1+$0x100] =	vst v2;
	v1 =	vld.idx.msk [tilespmem:v6+s22+$0x0], $0xffff  }
0x1fe: {  	s11 =	sor.u32 s10, s6;
	v2 =	vor.u32 $0x180, v3;
	v6 =	vld.idx.msk [tilespmem:v7+s22+$0x0], $0xffff  }
0x1ff: {  	s25 =	sor.u32 $0x10, s4;
	v7 =	vor.u32 $0x200, v5;
	[tilespmem:s30+$0x100] =	vst v8;
	v8 =	vld [tilespmem:s11+$0x0]  }
0x200: {  	s26 =	sor.u32 $0x20, s4;
	s28 =	sor.u32 s25, s6;
	v9 =	vld.idx.msk [tilespmem:v9+s22+$0x0], $0xffff  }
0x201: {  	s2 =	sor.u32 s26, s6;
	v13 =	vld [tilespmem:s28+$0x0];
	v12 =	vor.u32 $0x200, v4;
	v14 =	vshll.u32 v11, $0x3  }
0x202: {  	v15 =	vld [tilespmem:s2+$0x0];
	[tilespmem:s31+$0x100] =	vst v10;
	v10 =	vor.u32 $0x200, v0;
	v11 =	vand.u32 $0x7F, v11;
	v14 =	vand.u32 $0xFFFFFC00, v14  }
0x203: {  	p0 =	por $0x0, $0x0;
	s2 =	simm.s32 $0x1;
	v16 =	vld.idx.msk [tilespmem:v2+s22+$0x0], $0xffff;
	[tilespmem:s29+$0x180] =	vst v1;
	v1 =	vor.u32 v11, v14  }
0x204: {  	s2 =	simm.s32 @!p0 $0x0;
	v11 =	vor.u32 $0x200, v3;
	v7 =	vld.idx.msk [tilespmem:v7+s22+$0x0], $0xffff;
	v2 =	vshll.u32 v8, $0x3  }
0x205: {  	s29 =	sshll.u32 s2, $0x6;
	v8 =	vand.u32 $0x7F, v8;
	[tilespmem:s30+$0x180] =	vst v9;
	v2 =	vand.u32 $0xFFFFFC00, v2;
	v9 =	vor.u32 $0x280, v5  }
0x206: {  	v14 =	vor.u32 $0x280, v4;
	[tilespmem:s1+$0x180] =	vst v6;
	s2 =	sadd.s32 $0x0, s29;
	v6 =	vld.idx.msk [tilespmem:v12+s22+$0x0], $0xffff;
	v12 =	vshll.u32 v13, $0x3;
	v2 =	vor.u32 v8, v2  }
0x207: {  	s1 =	sadd.s32 $0x30, s2;
	v8 =	vld.idx.msk [tilespmem:v10+s22+$0x0], $0xffff;
	v10 =	vshll.u32 v15, $0x3;
	v13 =	vand.u32 $0x7F, v13;
	v12 =	vand.u32 $0xFFFFFC00, v12  }
0x208: {  	s30 =	sor.u32 $0x200, s1;
	v10 =	vand.u32 $0xFFFFFC00, v10;
	[tilespmem:s31+$0x180] =	vst v16;
	v17 =	vld.idx.msk [tilespmem:v1+s22+$0x0], $0xffff;
	v21 =	vor.u32 v13, v12;
	v12 =	vand.u32 $0x7F, v15  }
0x209: {  	s31 =	sadd.s32 $0x10, s2;
	v11 =	vld.idx.msk [tilespmem:v11+s22+$0x0], $0xffff;
	v10 =	vor.u32 v12, v10;
	[tilespmem:s30+$0x10800] =	vst v7  }
0x20a: {  	s13 =	sor.u32 $0x200, s31;
	v7 =	vor.u32 $0x280, v0;
	v9 =	vld.idx.msk [tilespmem:v9+s22+$0x0], $0xffff  }
0x20b: {  	s7 =	simm.s32 $0x200;
	s14 =	sor.u32 $0x200, s2;
	v12 =	vor.u32 $0x280, v3;
	v13 =	vld.idx.msk [tilespmem:v2+s22+$0x0], $0xffff;
	[tilespmem:s13+$0x10800] =	vst v6  }
0x20c: {  	s16 =	sand.u32 $0x3C00, s7;
	s21 =	sadd.s32 $0x20, s2;
	[tilespmem:s14+$0x10800] =	vst v8;
	v8 =	vor.u32 $0x80, v1;
	v6 =	vld.idx.msk [tilespmem:v14+s22+$0x0], $0xffff  }
0x20d: {  	s0 =	sadd.s32 $0x10800, s16;
	s15 =	sor.u32 $0x200, s21;
	v14 =	vor.u32 $0x300, v5;
	v15 =	vld.idx.msk [tilespmem:v21+s22+$0x0], $0xffff  }
0x20e: {  	v16 =	vor.u32 $0x80, v2;
	s14 =	sor.u32 s4, s0;
	[tilespmem:s15+$0x10800] =	vst v11;
	v18 =	vld.idx.msk [tilespmem:v10+s22+$0x0], $0xffff  }
0x20f: {  	s17 =	sor.u32 $0x280, s1;
	v19 =	vor.u32 $0x80, v21;
	[tilespmem:s14+$0x0] =	vst v17;
	v7 =	vld.idx.msk [tilespmem:v7+s22+$0x0], $0xffff  }
0x210: {  	s6 =	sor.u32 s10, s0;
	v11 =	vor.u32 $0x80, v10;
	v12 =	vld.idx.msk [tilespmem:v12+s22+$0x0], $0xffff;
	[tilespmem:s17+$0x10800] =	vst v9  }
0x211: {  	s16 =	sor.u32 s25, s0;
	s25 =	sor.u32 $0x280, s31;
	v9 =	vor.u32 $0x300, v4;
	[tilespmem:s6+$0x0] =	vst v13;
	v8 =	vld.idx.msk [tilespmem:v8+s22+$0x0], $0xffff  }
0x212: {  	v13 =	vld.idx.msk [tilespmem:v14+s22+$0x0], $0xffff;
	v14 =	vor.u32 $0x300, v3;
	[tilespmem:s25+$0x10800] =	vst v6  }
0x213: {  	s10 =	sor.u32 s26, s0;
	v5 =	vor.u32 $0x380, v5;
	v16 =	vld.idx.msk [tilespmem:v16+s22+$0x0], $0xffff;
	[tilespmem:s16+$0x0] =	vst v15  }
0x214: {  	s26 =	sor.u32 $0x280, s21;
	v17 =	vor.u32 $0x100, v2;
	v15 =	vld.idx.msk [tilespmem:v19+s22+$0x0], $0xffff;
	[tilespmem:s10+$0x0] =	vst v18  }
0x215: {  	v18 =	vor.u32 $0x100, v1;
	[tilespmem:s26+$0x10800] =	vst v12;
	v20 =	vld.idx.msk [tilespmem:v11+s22+$0x0], $0xffff  }
0x216: {  	s28 =	sor.u32 $0x300, s1;
	v6 =	vor.u32 $0x100, v21;
	v22 =	vld.idx.msk [tilespmem:v9+s22+$0x0], $0xffff;
	[tilespmem:s14+$0x80] =	vst v8  }
0x217: {  	v23 =	vor.u32 $0x100, v10;
	v14 =	vld.idx.msk [tilespmem:v14+s22+$0x0], $0xffff;
	[tilespmem:s28+$0x10800] =	vst v13  }
0x218: {  	[tilespmem:s6+$0x80] =	vst v16;
	v16 =	vor.u32 $0x300, v0;
	v24 =	vld.idx.msk [tilespmem:v5+s22+$0x0], $0xffff  }
0x219: {  	v25 =	vor.u32 $0x380, v4;
	v19 =	vld.idx.msk [tilespmem:v17+s22+$0x0], $0xffff;
	[tilespmem:s16+$0x80] =	vst v15  }
0x21a: {  	s30 =	sor.u32 $0x300, s31;
	v4 =	vor.u32 $0x380, v21;
	v17 =	vld.idx.msk [tilespmem:v18+s22+$0x0], $0xffff;
	[tilespmem:s10+$0x80] =	vst v20  }
0x21b: {  	s29 =	sor.u32 $0x280, s2;
	v11 =	vor.u32 $0x200, v21;
	v8 =	vor.u32 $0x280, v21;
	v18 =	vld.idx.msk [tilespmem:v6+s22+$0x0], $0xffff;
	[tilespmem:s30+$0x10800] =	vst v22;
	v22 =	vor.u32 $0x180, v2  }
0x21c: {  	s11 =	simm.s32 $0x80;
	s12 =	sor.u32 $0x380, s31;
	[tilespmem:s29+$0x10800] =	vst v7;
	v13 =	vor.u32 $0x180, v21;
	v6 =	vor.u32 $0x300, v21;
	v21 =	vor.u32 $0x180, v1;
	v20 =	vld.idx.msk [tilespmem:v23+s22+$0x0], $0xffff  }
0x21d: {  	s31 =	sor.u32 $0x380, s1;
	s1 =	sor.u32 $0x380, s21;
	s13 =	sor.u32 $0x300, s2;
	v3 =	vor.u32 $0x380, v3;
	v12 =	vor.u32 $0x180, v10;
	v7 =	vor.u32 $0x280, v10;
	v15 =	vld.idx.msk [tilespmem:v16+s22+$0x0], $0xffff  }
0x21e: {  	s15 =	sor.u32 $0x300, s21;
	s21 =	sor.u32 $0x380, s2;
	s17 =	simm.s32 $0x4;
	v9 =	vor.u32 $0x200, v10;
	v5 =	vor.u32 $0x300, v10;
	v10 =	vor.u32 $0x380, v10;
	v16 =	vld.idx.msk [tilespmem:v25+s22+$0x0], $0xffff;
	[tilespmem:s31+$0x10800] =	vst v24  }
.LBB2_9:
0x21f: {  	v23 =	vld [tilespmem:s11+$0x0];
	[tilespmem:s6+$0x100] =	vst v19;
	s20 =	sadd.s32 $0x40, s20  }
0x220: {  	s17 =	sadd.s32 $0x4, s17;
	s26 =	sand.u32 $0x40, s20;
	[tilespmem:s14+$0x100] =	vst v17;
	v17 =	vld.idx.msk [tilespmem:v22+s22+$0x0], $0xffff  }
0x221: {  	s0 =	sand.u32 $0x780, s20;
	p1 =	slt.u32 s17, $0x7C;
	s29 =	sor.u32 $0x30, s26;
	v19 =	vld.idx.msk [tilespmem:v21+s22+$0x0], $0xffff;
	[tilespmem:s16+$0x100] =	vst v18  }
0x222: {  	s2 =	sor.u32 $0x10, s26;
	s5 =	sor.u32 $0x20, s26;
	v18 =	vor.u32 $0x200, v2;
	s4 =	sor.u32 s29, s0;
	v13 =	vld.idx.msk [tilespmem:v13+s22+$0x0], $0xffff;
	[tilespmem:s10+$0x100] =	vst v20  }
0x223: {  	v21 =	vor.u32 $0x200, v1;
	s25 =	sor.u32 s2, s0;
	s0 =	sor.u32 s5, s0;
	v20 =	vld [tilespmem:s4+$0x0];
	[tilespmem:s15+$0x10800] =	vst v14  }
0x224: {  	v14 =	vld [tilespmem:s25+$0x0];
	[tilespmem:s13+$0x10800] =	vst v15  }
0x225: {  	v15 =	vshll.u32 v23, $0x3;
	v22 =	vld [tilespmem:s0+$0x0];
	[tilespmem:s12+$0x10800] =	vst v16  }
0x226: {  	v16 =	vand.u32 $0x7F, v23;
	v15 =	vand.u32 $0xFFFFFC00, v15;
	v12 =	vld.idx.msk [tilespmem:v12+s22+$0x0], $0xffff;
	[tilespmem:s6+$0x180] =	vst v17;
	v17 =	vor.u32 $0x380, v0;
	v0 =	vmovc v1  }
0x227: {  	p0 =	por !p0, !p0;
	s0 =	simm.s32 $0x1;
	v1 =	vor.u32 v16, v15;
	[tilespmem:s14+$0x180] =	vst v19;
	v15 =	vld.idx.msk [tilespmem:v18+s22+$0x0], $0xffff  }
0x228: {  	s0 =	simm.s32 @!p0 $0x0;
	v16 =	vshll.u32 v20, $0x3;
	v18 =	vld.idx.msk [tilespmem:v21+s22+$0x0], $0xffff;
	[tilespmem:s16+$0x180] =	vst v13  }
0x229: {  	s0 =	sshll.u32 s0, $0x6;
	v13 =	vand.u32 $0x7F, v20;
	v16 =	vand.u32 $0xFFFFFC00, v16;
	v19 =	vld.idx.msk [tilespmem:v11+s22+$0x0], $0xffff;
	v11 =	vor.u32 $0x280, v2  }
0x22a: {  	s0 =	sadd.s32 s0, s7;
	v20 =	vshll.u32 v14, $0x3;
	v21 =	vshll.u32 v22, $0x3;
	v16 =	vor.u32 v13, v16;
	v23 =	vld.idx.msk [tilespmem:v3+s22+$0x0], $0xffff;
	v3 =	vmovc v10  }
0x22b: {  	s6 =	sadd.s32 $0x10, s0;
	s14 =	sadd.s32 $0x20, s0;
	s4 =	sadd.s32 $0x30, s0;
	v10 =	vand.u32 $0x7F, v14;
	v13 =	vand.u32 $0xFFFFFC00, v20;
	v14 =	vand.u32 $0xFFFFFC00, v21;
	v17 =	vld.idx.msk [tilespmem:v17+s22+$0x0], $0xffff  }
0x22c: {  	s12 =	sor.u32 $0x200, s6;
	s13 =	sor.u32 $0x200, s4;
	v10 =	vor.u32 v10, v13;
	v13 =	vand.u32 $0x7F, v22;
	v21 =	vor.u32 $0x280, v0;
	v20 =	vld.idx.msk [tilespmem:v1+s22+$0x0], $0xffff;
	[tilespmem:s10+$0x180] =	vst v12;
	s10 =	sor.u32 $0x200, s14  }
0x22d: {  	s15 =	sor.u32 $0x200, s0;
	s31 =	sor.u32 $0x280, s6;
	s28 =	sor.u32 $0x280, s14;
	v22 =	vor.u32 $0x80, v10;
	v24 =	vor.u32 $0x100, v10;
	v14 =	vor.u32 v13, v14;
	v25 =	vld.idx.msk [tilespmem:v9+s22+$0x0], $0xffff;
	[tilespmem:s13+$0x10800] =	vst v15  }
0x22e: {  	s25 =	sor.u32 $0x280, s0;
	s30 =	sor.u32 $0x300, s6;
	v13 =	vor.u32 $0x180, v10;
	v15 =	vor.u32 $0x80, v14;
	v26 =	vor.u32 $0x100, v14;
	[tilespmem:s15+$0x10800] =	vst v18;
	s15 =	sor.u32 $0x300, s14;
	v18 =	vld.idx.msk [tilespmem:v11+s22+$0x0], $0xffff  }
0x22f: {  	v12 =	vor.u32 $0x180, v14;
	v9 =	vor.u32 $0x200, v14;
	s13 =	sor.u32 $0x300, s0;
	v11 =	vor.u32 $0x200, v10;
	v27 =	vld.idx.msk [tilespmem:v16+s22+$0x0], $0xffff;
	[tilespmem:s12+$0x10800] =	vst v19;
	s12 =	sor.u32 $0x380, s6;
	s6 =	sor.u32 $0x380, s14  }
0x230: {  	v29 =	vor.u32 $0x300, v2;
	s0 =	sor.u32 $0x380, s0;
	v19 =	vor.u32 $0x280, v14;
	v28 =	vld.idx.msk [tilespmem:v8+s22+$0x0], $0xffff;
	v8 =	vor.u32 $0x280, v10;
	[tilespmem:s1+$0x10800] =	vst v23;
	s1 =	smov.u32 s6  }
0x231: {  	s7 =	sadd.s32 $0x200, s7;
	v32 =	vor.u32 $0x80, v16;
	v30 =	vor.u32 $0x300, v10;
	v31 =	vor.u32 $0x300, v14;
	v23 =	vld.idx.msk [tilespmem:v10+s22+$0x0], $0xffff;
	[tilespmem:s21+$0x10800] =	vst v17;
	s21 =	smov.u32 s0  }
0x232: {  	v33 =	vor.u32 $0x380, v10;
	s0 =	sand.u32 $0x3C00, s7;
	v17 =	vor.u32 $0x80, v1;
	v10 =	vor.u32 $0x380, v14;
	v34 =	vld.idx.msk [tilespmem:v14+s22+$0x0], $0xffff  }
0x233: {  	s0 =	sadd.s32 $0x10800, s0;
	v35 =	vld.idx.msk [tilespmem:v21+s22+$0x0], $0xffff;
	[tilespmem:s10+$0x10800] =	vst v25;
	s10 =	sor.u32 $0x280, s4  }
0x234: {  	s14 =	sor.u32 s26, s0;
	s16 =	sor.u32 s2, s0;
	s6 =	sor.u32 s29, s0;
	v14 =	vld.idx.msk [tilespmem:v7+s22+$0x0], $0xffff;
	[tilespmem:s10+$0x10800] =	vst v18;
	v7 =	vmov v19  }
0x235: {  	s10 =	sor.u32 s5, s0;
	[tilespmem:s6+$0x0] =	vst v27;
	v18 =	vld.idx.msk [tilespmem:v29+s22+$0x0], $0xffff  }
0x236: {  	[tilespmem:s14+$0x0] =	vst v20;
	v19 =	vld.idx.msk [tilespmem:v32+s22+$0x0], $0xffff  }
0x237: {  	v20 =	vor.u32 $0x380, v2;
	v2 =	vmov v16;
	v17 =	vld.idx.msk [tilespmem:v17+s22+$0x0], $0xffff;
	[tilespmem:s16+$0x0] =	vst v23  }
0x238: {  	v21 =	vor.u32 $0x100, v2;
	v16 =	vld.idx.msk [tilespmem:v22+s22+$0x0], $0xffff;
	[tilespmem:s10+$0x0] =	vst v34  }
0x239: {  	v22 =	vor.u32 $0x100, v1;
	v15 =	vld.idx.msk [tilespmem:v15+s22+$0x0], $0xffff;
	[tilespmem:s31+$0x10800] =	vst v28  }
0x23a: {  	s0 =	sor.u32 $0x300, s4;
	v23 =	vld.idx.msk [tilespmem:v6+s22+$0x0], $0xffff;
	[tilespmem:s28+$0x10800] =	vst v14;
	v6 =	vmov v30  }
0x23b: {  	v14 =	vld.idx.msk [tilespmem:v5+s22+$0x0], $0xffff;
	[tilespmem:s0+$0x10800] =	vst v18;
	v5 =	vmov v31  }
0x23c: {  	v25 =	vor.u32 $0x300, v0;
	[tilespmem:s6+$0x80] =	vst v19;
	v27 =	vld.idx.msk [tilespmem:v20+s22+$0x0], $0xffff  }
0x23d: {  	[tilespmem:s14+$0x80] =	vst v17;
	v19 =	vld.idx.msk [tilespmem:v21+s22+$0x0], $0xffff  }
.Ltmp3:
0x23e: {  	v17 =	vld.idx.msk [tilespmem:v22+s22+$0x0], $0xffff;
	[tilespmem:s16+$0x80] =	vst v16;
	(pc) =	sbr.rel @p1 .LBB2_9-.Ltmp3, $4  }
0x23f: {  	v22 =	vor.u32 $0x180, v2;
	v18 =	vld.idx.msk [tilespmem:v24+s22+$0x0], $0xffff;
	[tilespmem:s10+$0x80] =	vst v15  }
0x240: {  	v21 =	vor.u32 $0x180, v1;
	v20 =	vld.idx.msk [tilespmem:v26+s22+$0x0], $0xffff;
	[tilespmem:s25+$0x10800] =	vst v35  }
0x241: {  	s0 =	sor.u32 $0x380, s4;
	v15 =	vld.idx.msk [tilespmem:v25+s22+$0x0], $0xffff;
	[tilespmem:s30+$0x10800] =	vst v23  }
0x242: {  	s11 =	sadd.s32 $0x40, s11;
	v16 =	vld.idx.msk [tilespmem:v4+s22+$0x0], $0xffff;
	[tilespmem:s0+$0x10800] =	vst v27;
	v4 =	vmov v33  }
0x243: {  	_ =	sdelay $0x2  }
0x244: {  	[tilespmem:s6+$0x100] =	vst v19  }
0x245: {  	v19 =	vld.idx.msk [tilespmem:v22+s22+$0x0], $0xffff;
	[tilespmem:s16+$0x100] =	vst v18  }
0x246: {  	[tilespmem:s14+$0x100] =	vst v17;
	v18 =	vor.u32 $0x200, v2;
	v13 =	vld.idx.msk [tilespmem:v13+s22+$0x0], $0xffff  }
0x247: {  	v17 =	vld.idx.msk [tilespmem:v21+s22+$0x0], $0xffff;
	[tilespmem:s10+$0x100] =	vst v20  }
0x248: {  	v20 =	vor.u32 $0x200, v1;
	v12 =	vld.idx.msk [tilespmem:v12+s22+$0x0], $0xffff;
	_ =	sdelay $0x1  }
0x249: {  	p0 =	por !p0, !p0;
	s0 =	simm.s32 $0x1;
	[tilespmem:s6+$0x180] =	vst v19  }
0x24a: {  	s0 =	simm.s32 @!p0 $0x0;
	v18 =	vld.idx.msk [tilespmem:v18+s22+$0x0], $0xffff;
	[tilespmem:s16+$0x180] =	vst v13  }
0x24b: {  	s0 =	sshll.u32 s0, $0x6;
	[tilespmem:s14+$0x180] =	vst v17;
	v13 =	vor.u32 $0x280, v2;
	v11 =	vld.idx.msk [tilespmem:v11+s22+$0x0], $0xffff  }
0x24c: {  	s0 =	sadd.s32 s0, s7;
	[tilespmem:s10+$0x180] =	vst v12;
	v12 =	vld.idx.msk [tilespmem:v20+s22+$0x0], $0xffff  }
0x24d: {  	s2 =	sadd.s32 $0x30, s0;
	v17 =	vor.u32 $0x280, v1;
	v9 =	vld.idx.msk [tilespmem:v9+s22+$0x0], $0xffff  }
0x24e: {  	s4 =	sadd.s32 $0x10, s0;
	s5 =	sor.u32 $0x200, s2  }
0x24f: {  	s11 =	sor.u32 $0x200, s4;
	[tilespmem:s5+$0x10800] =	vst v18  }
0x250: {  	s16 =	sor.u32 $0x200, s0;
	s10 =	sadd.s32 $0x20, s0;
	v13 =	vld.idx.msk [tilespmem:v13+s22+$0x0], $0xffff;
	[tilespmem:s11+$0x10800] =	vst v11  }
0x251: {  	s14 =	sor.u32 $0x200, s10;
	v11 =	vor.u32 $0x300, v2;
	[tilespmem:s16+$0x10800] =	vst v12;
	v8 =	vld.idx.msk [tilespmem:v8+s22+$0x0], $0xffff  }
0x252: {  	[tilespmem:s14+$0x10800] =	vst v9;
	v9 =	vld.idx.msk [tilespmem:v17+s22+$0x0], $0xffff  }
0x253: {  	v12 =	vor.u32 $0x300, v1;
	v7 =	vld.idx.msk [tilespmem:v7+s22+$0x0], $0xffff  }
0x254: {  	[tilespmem:s15+$0x10800] =	vst v14;
	s17 =	sor.u32 $0x280, s2  }
0x255: {  	s20 =	sor.u32 $0x280, s4;
	[tilespmem:s17+$0x10800] =	vst v13  }
0x256: {  	v0 =	vor.u32 $0x380, v0;
	s26 =	sor.u32 $0x280, s0;
	v11 =	vld.idx.msk [tilespmem:v11+s22+$0x0], $0xffff;
	[tilespmem:s20+$0x10800] =	vst v8  }
0x257: {  	s25 =	sor.u32 $0x280, s10;
	v2 =	vor.u32 $0x380, v2;
	[tilespmem:s26+$0x10800] =	vst v9;
	v6 =	vld.idx.msk [tilespmem:v6+s22+$0x0], $0xffff  }
0x258: {  	[tilespmem:s25+$0x10800] =	vst v7;
	v7 =	vld.idx.msk [tilespmem:v12+s22+$0x0], $0xffff  }
0x259: {  	[tilespmem:s13+$0x10800] =	vst v15;
	v1 =	vor.u32 $0x380, v1;
	v5 =	vld.idx.msk [tilespmem:v5+s22+$0x0], $0xffff  }
0x25a: {  	v3 =	vld.idx.msk [tilespmem:v3+s22+$0x0], $0xffff;
	[tilespmem:s12+$0x10800] =	vst v16;
	s28 =	sor.u32 $0x300, s2  }
0x25b: {  	v0 =	vld.idx.msk [tilespmem:v0+s22+$0x0], $0xffff;
	s29 =	sor.u32 $0x300, s4;
	[tilespmem:s28+$0x10800] =	vst v11  }
0x25c: {  	s31 =	sor.u32 $0x300, s0;
	v2 =	vld.idx.msk [tilespmem:v2+s22+$0x0], $0xffff;
	[tilespmem:s29+$0x10800] =	vst v6  }
0x25d: {  	s30 =	sor.u32 $0x300, s10;
	[tilespmem:s31+$0x10800] =	vst v7;
	v4 =	vld.idx.msk [tilespmem:v4+s22+$0x0], $0xffff  }
0x25e: {  	[tilespmem:s30+$0x10800] =	vst v5;
	v1 =	vld.idx.msk [tilespmem:v1+s22+$0x0], $0xffff  }
0x25f: {  	[tilespmem:s1+$0x10800] =	vst v3;
	v5 =	vld.idx.msk [tilespmem:v10+s22+$0x0], $0xffff  }
0x260: {  	[tilespmem:s21+$0x10800] =	vst v0;
	s5 =	sor.u32 $0x380, s2  }
0x261: {  	s7 =	sor.u32 $0x380, s4;
	[tilespmem:s5+$0x10800] =	vst v2  }
0x262: {  	s0 =	sor.u32 $0x380, s0;
	[tilespmem:s7+$0x10800] =	vst v4  }
0x263: {  	s10 =	sor.u32 $0x380, s10;
	s11 =	rddreg [dreg:$0x2];
	[tilespmem:s0+$0x10800] =	vst v1  }
0x264: {  	s13 =	simm.s32 $0x10800;
	s12 =	simm.s32 $0x0;
	s0 =	sadd.s32 s11, s9;
	[tilespmem:s10+$0x10800] =	vst v5  }
0x265: {  	[hbm4b:s0+s12] =	stream.linear.scatter [tilespmem:s13], [sflag:$0x5], $0x4000, $0x38;
	[tilespmem:$0x14800] =	vst v63  }
0x266: {  	s14 =	rddreg [dreg:$0xd]  }
0x267: {  	s0 =	sadd.s32 s8, s14  }
0x268: {  	s0 =	sshll.u32 s0, $0xB  }
0x269: {  	s15 =	rddreg [dreg:$0x0];
	s0 =	sand.u32 $0x1FFFF000, s0  }
0x26a: {  	s16 =	simm.s32 $0x2;
	s0 =	sadd.s32 s15, s0  }
0x26b: {  	[tilespmem:s22], [sflag:$0x1] =	stream.linear.gather [hbm4b:s0+s12], $0x4000, $0x38;
	[tilespmem:$0x14800] =	vst v63  }
0x26c: {  	_ =	swait.ge [sflag:s16], $0x4000  }
0x26d: {  	[sflag:s16] =	ssyncset.done $0x0  }
0x26e: {  	s17 =	simm.s32 $0x4;
	[sflag:s16] =	ssyncadd.s32 $0xFFFFC000  }
0x26f: {  	s20 =	sand.u32 $0x40, s12;
	_ =	swait.ge [sflag:s17], $0x4000  }
0x270: {  	s21 =	sand.u32 $0x780, s12;
	s25 =	sor.u32 $0x30, s20;
	[sflag:s17] =	ssyncset.done $0x0  }
0x271: {  	s26 =	sor.u32 s25, s21;
	[sflag:s17] =	ssyncadd.s32 $0xFFFFC000  }
0x272: {  	v0 =	vld [tilespmem:s26+$0x0]  }
0x273: {  	s28 =	sor.u32 $0x10, s20;
	v1 =	vld [tilespmem:s12+$0x0]  }
0x274: {  	s29 =	sor.u32 $0x20, s20;
	s30 =	sor.u32 s28, s21  }
0x275: {  	s2 =	sor.u32 s29, s21;
	v2 =	vld [tilespmem:s30+$0x0]  }
0x276: {  	v3 =	vld [tilespmem:s2+$0x0]  }
0x277: {  	v4 =	vshll.u32 v0, $0x3  }
0x278: {  	v5 =	vshll.u32 v1, $0x3;
	v0 =	vand.u32 $0x7F, v0;
	v4 =	vand.u32 $0xFFFFFC00, v4  }
0x279: {  	v1 =	vand.u32 $0x7F, v1;
	v6 =	vand.u32 $0xFFFFFC00, v5;
	v5 =	vor.u32 v0, v4  }
0x27a: {  	v0 =	vor.u32 v1, v6;
	v1 =	vshll.u32 v2, $0x3  }
0x27b: {  	v4 =	vshll.u32 v3, $0x3;
	v2 =	vand.u32 $0x7F, v2;
	v1 =	vand.u32 $0xFFFFFC00, v1  }
0x27c: {  	v6 =	vand.u32 $0xFFFFFC00, v4;
	v4 =	vor.u32 v2, v1;
	v1 =	vand.u32 $0x7F, v3  }
0x27d: {  	v3 =	vor.u32 v1, v6  }
0x27e: {  	v1 =	vld.idx.msk [tilespmem:v5+s23+$0x0], $0xffff  }
0x27f: {  	v6 =	vor.u32 $0x80, v5;
	v2 =	vld.idx.msk [tilespmem:v0+s23+$0x0], $0xffff  }
0x280: {  	s1 =	sand.u32 $0x3C00, s12;
	v7 =	vor.u32 $0x80, v0  }
0x281: {  	s31 =	sadd.s32 $0xC800, s1;
	v8 =	vld.idx.msk [tilespmem:v4+s23+$0x0], $0xffff  }
0x282: {  	s4 =	sor.u32 s25, s31;
	v9 =	vor.u32 $0x80, v4;
	v10 =	vld.idx.msk [tilespmem:v3+s23+$0x0], $0xffff  }
0x283: {  	s1 =	sor.u32 s20, s31;
	v11 =	vor.u32 $0x80, v3;
	[tilespmem:s4+$0x0] =	vst v1  }
0x284: {  	[tilespmem:s1+$0x0] =	vst v2;
	v1 =	vld.idx.msk [tilespmem:v6+s23+$0x0], $0xffff  }
0x285: {  	s5 =	sor.u32 s28, s31;
	v2 =	vld.idx.msk [tilespmem:v7+s23+$0x0], $0xffff;
	v6 =	vor.u32 $0x100, v5  }
0x286: {  	s6 =	sor.u32 s29, s31;
	v7 =	vor.u32 $0x100, v0;
	[tilespmem:s5+$0x0] =	vst v8  }
0x287: {  	v8 =	vld.idx.msk [tilespmem:v9+s23+$0x0], $0xffff;
	[tilespmem:s6+$0x0] =	vst v10  }
0x288: {  	v9 =	vor.u32 $0x100, v4;
	v10 =	vld.idx.msk [tilespmem:v11+s23+$0x0], $0xffff  }
0x289: {  	v11 =	vor.u32 $0x100, v3;
	[tilespmem:s4+$0x80] =	vst v1  }
0x28a: {  	[tilespmem:s1+$0x80] =	vst v2;
	v1 =	vld.idx.msk [tilespmem:v6+s23+$0x0], $0xffff  }
0x28b: {  	v2 =	vld.idx.msk [tilespmem:v7+s23+$0x0], $0xffff;
	v6 =	vor.u32 $0x180, v5  }
0x28c: {  	v7 =	vor.u32 $0x180, v0;
	[tilespmem:s5+$0x80] =	vst v8  }
0x28d: {  	v8 =	vld.idx.msk [tilespmem:v9+s23+$0x0], $0xffff;
	[tilespmem:s6+$0x80] =	vst v10  }
0x28e: {  	s9 =	simm.s32 $0x40;
	v9 =	vor.u32 $0x180, v4;
	v10 =	vld.idx.msk [tilespmem:v11+s23+$0x0], $0xffff  }
0x28f: {  	s10 =	sand.u32 $0x40, s9;
	v11 =	vld [tilespmem:s9+$0x0];
	[tilespmem:s4+$0x100] =	vst v1  }
0x290: {  	s13 =	sor.u32 $0x30, s10;
	s12 =	sand.u32 $0x780, s9;
	[tilespmem:s1+$0x100] =	vst v2;
	v1 =	vld.idx.msk [tilespmem:v6+s23+$0x0], $0xffff  }
0x291: {  	s11 =	sor.u32 s13, s12;
	v2 =	vor.u32 $0x180, v3;
	v6 =	vld.idx.msk [tilespmem:v7+s23+$0x0], $0xffff  }
0x292: {  	s25 =	sor.u32 $0x10, s10;
	v7 =	vor.u32 $0x200, v5;
	[tilespmem:s5+$0x100] =	vst v8;
	v8 =	vld [tilespmem:s11+$0x0]  }
0x293: {  	s26 =	sor.u32 $0x20, s10;
	s28 =	sor.u32 s25, s12;
	v9 =	vld.idx.msk [tilespmem:v9+s23+$0x0], $0xffff  }
0x294: {  	s2 =	sor.u32 s26, s12;
	v13 =	vld [tilespmem:s28+$0x0];
	v12 =	vor.u32 $0x200, v4;
	v14 =	vshll.u32 v11, $0x3  }
0x295: {  	v15 =	vld [tilespmem:s2+$0x0];
	[tilespmem:s6+$0x100] =	vst v10;
	v10 =	vor.u32 $0x200, v0;
	v11 =	vand.u32 $0x7F, v11;
	v14 =	vand.u32 $0xFFFFFC00, v14  }
0x296: {  	p0 =	por $0x0, $0x0;
	s2 =	simm.s32 $0x1;
	v16 =	vld.idx.msk [tilespmem:v2+s23+$0x0], $0xffff;
	[tilespmem:s4+$0x180] =	vst v1;
	v1 =	vor.u32 v11, v14  }
0x297: {  	s2 =	simm.s32 @!p0 $0x0;
	v11 =	vor.u32 $0x200, v3;
	v7 =	vld.idx.msk [tilespmem:v7+s23+$0x0], $0xffff;
	v2 =	vshll.u32 v8, $0x3  }
0x298: {  	s29 =	sshll.u32 s2, $0x6;
	v8 =	vand.u32 $0x7F, v8;
	[tilespmem:s5+$0x180] =	vst v9;
	v2 =	vand.u32 $0xFFFFFC00, v2;
	v9 =	vor.u32 $0x280, v5  }
0x299: {  	s2 =	sadd.s32 $0x0, s29;
	v14 =	vor.u32 $0x280, v4;
	[tilespmem:s1+$0x180] =	vst v6;
	v6 =	vld.idx.msk [tilespmem:v12+s23+$0x0], $0xffff;
	v12 =	vshll.u32 v13, $0x3;
	v2 =	vor.u32 v8, v2  }
0x29a: {  	s1 =	sadd.s32 $0x30, s2;
	v8 =	vld.idx.msk [tilespmem:v10+s23+$0x0], $0xffff;
	v10 =	vshll.u32 v15, $0x3;
	v13 =	vand.u32 $0x7F, v13;
	v12 =	vand.u32 $0xFFFFFC00, v12  }
0x29b: {  	s30 =	sor.u32 $0x200, s1;
	v10 =	vand.u32 $0xFFFFFC00, v10;
	[tilespmem:s6+$0x180] =	vst v16;
	v17 =	vld.idx.msk [tilespmem:v1+s23+$0x0], $0xffff;
	v21 =	vor.u32 v13, v12;
	v12 =	vand.u32 $0x7F, v15  }
0x29c: {  	s31 =	sadd.s32 $0x10, s2;
	v11 =	vld.idx.msk [tilespmem:v11+s23+$0x0], $0xffff;
	v10 =	vor.u32 v12, v10;
	[tilespmem:s30+$0xC800] =	vst v7  }
0x29d: {  	s14 =	sor.u32 $0x200, s31;
	v7 =	vor.u32 $0x280, v0;
	v9 =	vld.idx.msk [tilespmem:v9+s23+$0x0], $0xffff  }
0x29e: {  	s7 =	simm.s32 $0x200;
	s15 =	sor.u32 $0x200, s2;
	v12 =	vor.u32 $0x280, v3;
	v13 =	vld.idx.msk [tilespmem:v2+s23+$0x0], $0xffff;
	[tilespmem:s14+$0xC800] =	vst v6  }
0x29f: {  	s17 =	sand.u32 $0x3C00, s7;
	s20 =	sadd.s32 $0x20, s2;
	[tilespmem:s15+$0xC800] =	vst v8;
	v8 =	vor.u32 $0x80, v1;
	v6 =	vld.idx.msk [tilespmem:v14+s23+$0x0], $0xffff  }
0x2a0: {  	s0 =	sadd.s32 $0xC800, s17;
	s16 =	sor.u32 $0x200, s20;
	v14 =	vor.u32 $0x300, v5;
	v15 =	vld.idx.msk [tilespmem:v21+s23+$0x0], $0xffff  }
0x2a1: {  	v16 =	vor.u32 $0x80, v2;
	s14 =	sor.u32 s10, s0;
	[tilespmem:s16+$0xC800] =	vst v11;
	v18 =	vld.idx.msk [tilespmem:v10+s23+$0x0], $0xffff  }
0x2a2: {  	s21 =	sor.u32 $0x280, s1;
	v19 =	vor.u32 $0x80, v21;
	[tilespmem:s14+$0x0] =	vst v17;
	v7 =	vld.idx.msk [tilespmem:v7+s23+$0x0], $0xffff  }
0x2a3: {  	s6 =	sor.u32 s13, s0;
	v11 =	vor.u32 $0x80, v10;
	v12 =	vld.idx.msk [tilespmem:v12+s23+$0x0], $0xffff;
	[tilespmem:s21+$0xC800] =	vst v9  }
0x2a4: {  	s16 =	sor.u32 s25, s0;
	s25 =	sor.u32 $0x280, s31;
	v9 =	vor.u32 $0x300, v4;
	[tilespmem:s6+$0x0] =	vst v13;
	v8 =	vld.idx.msk [tilespmem:v8+s23+$0x0], $0xffff  }
0x2a5: {  	v13 =	vld.idx.msk [tilespmem:v14+s23+$0x0], $0xffff;
	v14 =	vor.u32 $0x300, v3;
	[tilespmem:s25+$0xC800] =	vst v6  }
0x2a6: {  	s10 =	sor.u32 s26, s0;
	v5 =	vor.u32 $0x380, v5;
	v16 =	vld.idx.msk [tilespmem:v16+s23+$0x0], $0xffff;
	[tilespmem:s16+$0x0] =	vst v15  }
0x2a7: {  	s26 =	sor.u32 $0x280, s20;
	v17 =	vor.u32 $0x100, v2;
	v15 =	vld.idx.msk [tilespmem:v19+s23+$0x0], $0xffff;
	[tilespmem:s10+$0x0] =	vst v18  }
0x2a8: {  	v18 =	vor.u32 $0x100, v1;
	[tilespmem:s26+$0xC800] =	vst v12;
	v20 =	vld.idx.msk [tilespmem:v11+s23+$0x0], $0xffff  }
0x2a9: {  	s28 =	sor.u32 $0x300, s1;
	v6 =	vor.u32 $0x100, v21;
	v22 =	vld.idx.msk [tilespmem:v9+s23+$0x0], $0xffff;
	[tilespmem:s14+$0x80] =	vst v8  }
0x2aa: {  	v23 =	vor.u32 $0x100, v10;
	v14 =	vld.idx.msk [tilespmem:v14+s23+$0x0], $0xffff;
	[tilespmem:s28+$0xC800] =	vst v13  }
0x2ab: {  	[tilespmem:s6+$0x80] =	vst v16;
	v16 =	vor.u32 $0x300, v0;
	v24 =	vld.idx.msk [tilespmem:v5+s23+$0x0], $0xffff  }
0x2ac: {  	v25 =	vor.u32 $0x380, v4;
	v19 =	vld.idx.msk [tilespmem:v17+s23+$0x0], $0xffff;
	[tilespmem:s16+$0x80] =	vst v15  }
0x2ad: {  	s30 =	sor.u32 $0x300, s31;
	v4 =	vor.u32 $0x380, v21;
	v17 =	vld.idx.msk [tilespmem:v18+s23+$0x0], $0xffff;
	[tilespmem:s10+$0x80] =	vst v20  }
0x2ae: {  	s29 =	sor.u32 $0x280, s2;
	v11 =	vor.u32 $0x200, v21;
	v8 =	vor.u32 $0x280, v21;
	v18 =	vld.idx.msk [tilespmem:v6+s23+$0x0], $0xffff;
	[tilespmem:s30+$0xC800] =	vst v22;
	v22 =	vor.u32 $0x180, v2  }
0x2af: {  	s17 =	simm.s32 $0x4;
	s12 =	sor.u32 $0x380, s31;
	[tilespmem:s29+$0xC800] =	vst v7;
	v13 =	vor.u32 $0x180, v21;
	v6 =	vor.u32 $0x300, v21;
	v21 =	vor.u32 $0x180, v1;
	v20 =	vld.idx.msk [tilespmem:v23+s23+$0x0], $0xffff  }
0x2b0: {  	s11 =	simm.s32 $0x80;
	s13 =	sor.u32 $0x300, s2;
	s31 =	sor.u32 $0x380, s1;
	v3 =	vor.u32 $0x380, v3;
	v12 =	vor.u32 $0x180, v10;
	v7 =	vor.u32 $0x280, v10;
	v15 =	vld.idx.msk [tilespmem:v16+s23+$0x0], $0xffff  }
0x2b1: {  	s15 =	sor.u32 $0x300, s20;
	s1 =	sor.u32 $0x380, s20;
	s20 =	sor.u32 $0x380, s2;
	v9 =	vor.u32 $0x200, v10;
	v5 =	vor.u32 $0x300, v10;
	v10 =	vor.u32 $0x380, v10;
	v16 =	vld.idx.msk [tilespmem:v25+s23+$0x0], $0xffff;
	[tilespmem:s31+$0xC800] =	vst v24  }
.LBB2_11:
0x2b2: {  	v23 =	vld [tilespmem:s11+$0x0];
	[tilespmem:s6+$0x100] =	vst v19;
	s9 =	sadd.s32 $0x40, s9  }
0x2b3: {  	s17 =	sadd.s32 $0x4, s17;
	s21 =	sand.u32 $0x40, s9;
	[tilespmem:s14+$0x100] =	vst v17;
	v17 =	vld.idx.msk [tilespmem:v22+s23+$0x0], $0xffff  }
0x2b4: {  	s0 =	sand.u32 $0x780, s9;
	p1 =	slt.u32 s17, $0x7C;
	s26 =	sor.u32 $0x30, s21;
	v19 =	vld.idx.msk [tilespmem:v21+s23+$0x0], $0xffff;
	[tilespmem:s16+$0x100] =	vst v18  }
0x2b5: {  	s2 =	sor.u32 $0x10, s21;
	s5 =	sor.u32 $0x20, s21;
	v18 =	vor.u32 $0x200, v2;
	s4 =	sor.u32 s26, s0;
	v13 =	vld.idx.msk [tilespmem:v13+s23+$0x0], $0xffff;
	[tilespmem:s10+$0x100] =	vst v20  }
0x2b6: {  	v21 =	vor.u32 $0x200, v1;
	s25 =	sor.u32 s2, s0;
	s0 =	sor.u32 s5, s0;
	v20 =	vld [tilespmem:s4+$0x0];
	[tilespmem:s15+$0xC800] =	vst v14  }
0x2b7: {  	v14 =	vld [tilespmem:s25+$0x0];
	[tilespmem:s13+$0xC800] =	vst v15  }
0x2b8: {  	v15 =	vshll.u32 v23, $0x3;
	v22 =	vld [tilespmem:s0+$0x0];
	[tilespmem:s12+$0xC800] =	vst v16  }
0x2b9: {  	v16 =	vand.u32 $0x7F, v23;
	v15 =	vand.u32 $0xFFFFFC00, v15;
	v12 =	vld.idx.msk [tilespmem:v12+s23+$0x0], $0xffff;
	[tilespmem:s6+$0x180] =	vst v17;
	v17 =	vor.u32 $0x380, v0;
	v0 =	vmovc v1  }
0x2ba: {  	p0 =	por !p0, !p0;
	s0 =	simm.s32 $0x1;
	v1 =	vor.u32 v16, v15;
	[tilespmem:s14+$0x180] =	vst v19;
	v15 =	vld.idx.msk [tilespmem:v18+s23+$0x0], $0xffff  }
0x2bb: {  	s0 =	simm.s32 @!p0 $0x0;
	v16 =	vshll.u32 v20, $0x3;
	v18 =	vld.idx.msk [tilespmem:v21+s23+$0x0], $0xffff;
	[tilespmem:s16+$0x180] =	vst v13  }
0x2bc: {  	s0 =	sshll.u32 s0, $0x6;
	v13 =	vand.u32 $0x7F, v20;
	v16 =	vand.u32 $0xFFFFFC00, v16;
	v19 =	vld.idx.msk [tilespmem:v11+s23+$0x0], $0xffff;
	v11 =	vor.u32 $0x280, v2  }
0x2bd: {  	s0 =	sadd.s32 s0, s7;
	v20 =	vshll.u32 v14, $0x3;
	v21 =	vshll.u32 v22, $0x3;
	v16 =	vor.u32 v13, v16;
	v23 =	vld.idx.msk [tilespmem:v3+s23+$0x0], $0xffff;
	v3 =	vmovc v10  }
0x2be: {  	s6 =	sadd.s32 $0x10, s0;
	s14 =	sadd.s32 $0x20, s0;
	s4 =	sadd.s32 $0x30, s0;
	v10 =	vand.u32 $0x7F, v14;
	v13 =	vand.u32 $0xFFFFFC00, v20;
	v14 =	vand.u32 $0xFFFFFC00, v21;
	v17 =	vld.idx.msk [tilespmem:v17+s23+$0x0], $0xffff  }
0x2bf: {  	s12 =	sor.u32 $0x200, s6;
	s13 =	sor.u32 $0x200, s4;
	v10 =	vor.u32 v10, v13;
	v13 =	vand.u32 $0x7F, v22;
	v21 =	vor.u32 $0x280, v0;
	v20 =	vld.idx.msk [tilespmem:v1+s23+$0x0], $0xffff;
	[tilespmem:s10+$0x180] =	vst v12;
	s10 =	sor.u32 $0x200, s14  }
0x2c0: {  	s15 =	sor.u32 $0x200, s0;
	s30 =	sor.u32 $0x280, s6;
	s28 =	sor.u32 $0x280, s14;
	v22 =	vor.u32 $0x80, v10;
	v24 =	vor.u32 $0x100, v10;
	v14 =	vor.u32 v13, v14;
	v25 =	vld.idx.msk [tilespmem:v9+s23+$0x0], $0xffff;
	[tilespmem:s13+$0xC800] =	vst v15  }
0x2c1: {  	s25 =	sor.u32 $0x280, s0;
	s29 =	sor.u32 $0x300, s6;
	v13 =	vor.u32 $0x180, v10;
	v15 =	vor.u32 $0x80, v14;
	v26 =	vor.u32 $0x100, v14;
	[tilespmem:s15+$0xC800] =	vst v18;
	s15 =	sor.u32 $0x300, s14;
	v18 =	vld.idx.msk [tilespmem:v11+s23+$0x0], $0xffff  }
0x2c2: {  	v12 =	vor.u32 $0x180, v14;
	v9 =	vor.u32 $0x200, v14;
	s13 =	sor.u32 $0x300, s0;
	v11 =	vor.u32 $0x200, v10;
	v27 =	vld.idx.msk [tilespmem:v16+s23+$0x0], $0xffff;
	[tilespmem:s12+$0xC800] =	vst v19;
	s12 =	sor.u32 $0x380, s6;
	s6 =	sor.u32 $0x380, s14  }
0x2c3: {  	v29 =	vor.u32 $0x300, v2;
	s0 =	sor.u32 $0x380, s0;
	v19 =	vor.u32 $0x280, v14;
	v28 =	vld.idx.msk [tilespmem:v8+s23+$0x0], $0xffff;
	v8 =	vor.u32 $0x280, v10;
	[tilespmem:s1+$0xC800] =	vst v23;
	s1 =	smov.u32 s6  }
0x2c4: {  	s7 =	sadd.s32 $0x200, s7;
	v32 =	vor.u32 $0x80, v16;
	v30 =	vor.u32 $0x300, v10;
	v31 =	vor.u32 $0x300, v14;
	v23 =	vld.idx.msk [tilespmem:v10+s23+$0x0], $0xffff;
	[tilespmem:s20+$0xC800] =	vst v17;
	s20 =	smov.u32 s0  }
0x2c5: {  	v33 =	vor.u32 $0x380, v10;
	s0 =	sand.u32 $0x3C00, s7;
	v17 =	vor.u32 $0x80, v1;
	v10 =	vor.u32 $0x380, v14;
	v34 =	vld.idx.msk [tilespmem:v14+s23+$0x0], $0xffff  }
0x2c6: {  	s0 =	sadd.s32 $0xC800, s0;
	v35 =	vld.idx.msk [tilespmem:v21+s23+$0x0], $0xffff;
	[tilespmem:s10+$0xC800] =	vst v25;
	s10 =	sor.u32 $0x280, s4  }
0x2c7: {  	s14 =	sor.u32 s21, s0;
	s16 =	sor.u32 s2, s0;
	s6 =	sor.u32 s26, s0;
	v14 =	vld.idx.msk [tilespmem:v7+s23+$0x0], $0xffff;
	[tilespmem:s10+$0xC800] =	vst v18;
	v7 =	vmov v19  }
0x2c8: {  	s10 =	sor.u32 s5, s0;
	[tilespmem:s6+$0x0] =	vst v27;
	v18 =	vld.idx.msk [tilespmem:v29+s23+$0x0], $0xffff  }
0x2c9: {  	[tilespmem:s14+$0x0] =	vst v20;
	v19 =	vld.idx.msk [tilespmem:v32+s23+$0x0], $0xffff  }
0x2ca: {  	v20 =	vor.u32 $0x380, v2;
	v2 =	vmov v16;
	v17 =	vld.idx.msk [tilespmem:v17+s23+$0x0], $0xffff;
	[tilespmem:s16+$0x0] =	vst v23  }
0x2cb: {  	v21 =	vor.u32 $0x100, v2;
	v16 =	vld.idx.msk [tilespmem:v22+s23+$0x0], $0xffff;
	[tilespmem:s10+$0x0] =	vst v34  }
0x2cc: {  	v22 =	vor.u32 $0x100, v1;
	v15 =	vld.idx.msk [tilespmem:v15+s23+$0x0], $0xffff;
	[tilespmem:s30+$0xC800] =	vst v28  }
0x2cd: {  	s0 =	sor.u32 $0x300, s4;
	v23 =	vld.idx.msk [tilespmem:v6+s23+$0x0], $0xffff;
	[tilespmem:s28+$0xC800] =	vst v14;
	v6 =	vmov v30  }
0x2ce: {  	v14 =	vld.idx.msk [tilespmem:v5+s23+$0x0], $0xffff;
	[tilespmem:s0+$0xC800] =	vst v18;
	v5 =	vmov v31  }
0x2cf: {  	v25 =	vor.u32 $0x300, v0;
	[tilespmem:s6+$0x80] =	vst v19;
	v27 =	vld.idx.msk [tilespmem:v20+s23+$0x0], $0xffff  }
0x2d0: {  	[tilespmem:s14+$0x80] =	vst v17;
	v19 =	vld.idx.msk [tilespmem:v21+s23+$0x0], $0xffff  }
.Ltmp4:
0x2d1: {  	v17 =	vld.idx.msk [tilespmem:v22+s23+$0x0], $0xffff;
	[tilespmem:s16+$0x80] =	vst v16;
	(pc) =	sbr.rel @p1 .LBB2_11-.Ltmp4, $4  }
0x2d2: {  	v22 =	vor.u32 $0x180, v2;
	v18 =	vld.idx.msk [tilespmem:v24+s23+$0x0], $0xffff;
	[tilespmem:s10+$0x80] =	vst v15  }
0x2d3: {  	v21 =	vor.u32 $0x180, v1;
	v20 =	vld.idx.msk [tilespmem:v26+s23+$0x0], $0xffff;
	[tilespmem:s25+$0xC800] =	vst v35  }
0x2d4: {  	s0 =	sor.u32 $0x380, s4;
	v15 =	vld.idx.msk [tilespmem:v25+s23+$0x0], $0xffff;
	[tilespmem:s29+$0xC800] =	vst v23  }
0x2d5: {  	s11 =	sadd.s32 $0x40, s11;
	v16 =	vld.idx.msk [tilespmem:v4+s23+$0x0], $0xffff;
	[tilespmem:s0+$0xC800] =	vst v27;
	v4 =	vmov v33  }
0x2d6: {  	_ =	sdelay $0x2  }
0x2d7: {  	[tilespmem:s6+$0x100] =	vst v19  }
0x2d8: {  	v19 =	vld.idx.msk [tilespmem:v22+s23+$0x0], $0xffff;
	[tilespmem:s16+$0x100] =	vst v18  }
0x2d9: {  	[tilespmem:s14+$0x100] =	vst v17;
	v18 =	vor.u32 $0x200, v2;
	v13 =	vld.idx.msk [tilespmem:v13+s23+$0x0], $0xffff  }
0x2da: {  	v17 =	vld.idx.msk [tilespmem:v21+s23+$0x0], $0xffff;
	[tilespmem:s10+$0x100] =	vst v20  }
0x2db: {  	v20 =	vor.u32 $0x200, v1;
	v12 =	vld.idx.msk [tilespmem:v12+s23+$0x0], $0xffff;
	_ =	sdelay $0x1  }
0x2dc: {  	p0 =	por !p0, !p0;
	s0 =	simm.s32 $0x1;
	[tilespmem:s6+$0x180] =	vst v19  }
0x2dd: {  	s0 =	simm.s32 @!p0 $0x0;
	v18 =	vld.idx.msk [tilespmem:v18+s23+$0x0], $0xffff;
	[tilespmem:s16+$0x180] =	vst v13  }
0x2de: {  	s0 =	sshll.u32 s0, $0x6;
	[tilespmem:s14+$0x180] =	vst v17;
	v13 =	vor.u32 $0x280, v2;
	v11 =	vld.idx.msk [tilespmem:v11+s23+$0x0], $0xffff  }
0x2df: {  	s0 =	sadd.s32 s0, s7;
	[tilespmem:s10+$0x180] =	vst v12;
	v12 =	vld.idx.msk [tilespmem:v20+s23+$0x0], $0xffff  }
0x2e0: {  	s2 =	sadd.s32 $0x30, s0;
	v17 =	vor.u32 $0x280, v1;
	v9 =	vld.idx.msk [tilespmem:v9+s23+$0x0], $0xffff  }
0x2e1: {  	s4 =	sadd.s32 $0x10, s0;
	s5 =	sor.u32 $0x200, s2  }
0x2e2: {  	s11 =	sor.u32 $0x200, s4;
	[tilespmem:s5+$0xC800] =	vst v18  }
0x2e3: {  	s6 =	sadd.s32 $0x20, s0;
	s16 =	sor.u32 $0x200, s0;
	v13 =	vld.idx.msk [tilespmem:v13+s23+$0x0], $0xffff;
	[tilespmem:s11+$0xC800] =	vst v11  }
0x2e4: {  	s14 =	sor.u32 $0x200, s6;
	v11 =	vor.u32 $0x300, v2;
	[tilespmem:s16+$0xC800] =	vst v12;
	v8 =	vld.idx.msk [tilespmem:v8+s23+$0x0], $0xffff  }
0x2e5: {  	[tilespmem:s14+$0xC800] =	vst v9;
	v9 =	vld.idx.msk [tilespmem:v17+s23+$0x0], $0xffff  }
0x2e6: {  	v12 =	vor.u32 $0x300, v1;
	v7 =	vld.idx.msk [tilespmem:v7+s23+$0x0], $0xffff  }
0x2e7: {  	[tilespmem:s15+$0xC800] =	vst v14;
	s17 =	sor.u32 $0x280, s2  }
0x2e8: {  	s21 =	sor.u32 $0x280, s4;
	[tilespmem:s17+$0xC800] =	vst v13  }
0x2e9: {  	v0 =	vor.u32 $0x380, v0;
	s26 =	sor.u32 $0x280, s0;
	v11 =	vld.idx.msk [tilespmem:v11+s23+$0x0], $0xffff;
	[tilespmem:s21+$0xC800] =	vst v8  }
0x2ea: {  	s25 =	sor.u32 $0x280, s6;
	v2 =	vor.u32 $0x380, v2;
	[tilespmem:s26+$0xC800] =	vst v9;
	v6 =	vld.idx.msk [tilespmem:v6+s23+$0x0], $0xffff  }
0x2eb: {  	[tilespmem:s25+$0xC800] =	vst v7;
	v7 =	vld.idx.msk [tilespmem:v12+s23+$0x0], $0xffff  }
0x2ec: {  	[tilespmem:s13+$0xC800] =	vst v15;
	v1 =	vor.u32 $0x380, v1;
	v5 =	vld.idx.msk [tilespmem:v5+s23+$0x0], $0xffff  }
0x2ed: {  	v3 =	vld.idx.msk [tilespmem:v3+s23+$0x0], $0xffff;
	[tilespmem:s12+$0xC800] =	vst v16;
	s28 =	sor.u32 $0x300, s2  }
0x2ee: {  	v0 =	vld.idx.msk [tilespmem:v0+s23+$0x0], $0xffff;
	s29 =	sor.u32 $0x300, s4;
	[tilespmem:s28+$0xC800] =	vst v11  }
0x2ef: {  	s31 =	sor.u32 $0x300, s0;
	v2 =	vld.idx.msk [tilespmem:v2+s23+$0x0], $0xffff;
	[tilespmem:s29+$0xC800] =	vst v6  }
0x2f0: {  	s30 =	sor.u32 $0x300, s6;
	[tilespmem:s31+$0xC800] =	vst v7;
	v4 =	vld.idx.msk [tilespmem:v4+s23+$0x0], $0xffff  }
0x2f1: {  	[tilespmem:s30+$0xC800] =	vst v5;
	v1 =	vld.idx.msk [tilespmem:v1+s23+$0x0], $0xffff  }
0x2f2: {  	[tilespmem:s1+$0xC800] =	vst v3;
	v5 =	vld.idx.msk [tilespmem:v10+s23+$0x0], $0xffff  }
0x2f3: {  	s9 =	sor.u32 $0x380, s2;
	[tilespmem:s20+$0xC800] =	vst v0  }
0x2f4: {  	s10 =	sor.u32 $0x380, s4;
	[tilespmem:s9+$0xC800] =	vst v2  }
0x2f5: {  	s0 =	sor.u32 $0x380, s0;
	[tilespmem:s10+$0xC800] =	vst v4  }
0x2f6: {  	s12 =	rddreg [dreg:$0x2];
	s11 =	sor.u32 $0x380, s6;
	[tilespmem:s0+$0xC800] =	vst v1  }
0x2f7: {  	s13 =	simm.s32 $0x0;
	s14 =	simm.s32 $0xC800;
	s0 =	sadd.s32 s12, s18;
	[tilespmem:s11+$0xC800] =	vst v5  }
0x2f8: {  	[hbm4b:s0+s13] =	stream.linear.scatter [tilespmem:s14], [sflag:$0x4], $0x4000, $0x38;
	[tilespmem:$0x14800] =	vst v63  }
0x2f9: {  	s15 =	rddreg [dreg:$0xe]  }
0x2fa: {  	s0 =	sadd.s32 s8, s15  }
0x2fb: {  	s16 =	rddreg [dreg:$0x0];
	s0 =	sshll.u32 s0, $0xB  }
0x2fc: {  	s17 =	simm.s32 $0x3;
	s0 =	sadd.s32 s16, s0  }
0x2fd: {  	[tilespmem:s23], [sflag:$0x2] =	stream.linear.gather [hbm4b:s0+s13], $0x4000, $0x38;
	[tilespmem:$0x14800] =	vst v63  }
0x2fe: {  	_ =	swait.ge [sflag:s17], $0x4000  }
0x2ff: {  	[sflag:s17] =	ssyncset.done $0x0  }
0x300: {  	s18 =	simm.s32 $0x5;
	[sflag:s17] =	ssyncadd.s32 $0xFFFFC000  }
0x301: {  	s20 =	sand.u32 $0x40, s13;
	_ =	swait.ge [sflag:s18], $0x4000  }
0x302: {  	s21 =	sand.u32 $0x780, s13;
	s25 =	sor.u32 $0x30, s20;
	[sflag:s18] =	ssyncset.done $0x0  }
0x303: {  	s26 =	sor.u32 s25, s21;
	[sflag:s18] =	ssyncadd.s32 $0xFFFFC000  }
0x304: {  	v0 =	vld [tilespmem:s26+$0x0]  }
0x305: {  	s28 =	sor.u32 $0x10, s20;
	v1 =	vld [tilespmem:s13+$0x0]  }
0x306: {  	s29 =	sor.u32 $0x20, s20;
	s30 =	sor.u32 s28, s21  }
0x307: {  	s2 =	sor.u32 s29, s21;
	v2 =	vld [tilespmem:s30+$0x0]  }
0x308: {  	v3 =	vld [tilespmem:s2+$0x0]  }
0x309: {  	v4 =	vshll.u32 v0, $0x3  }
0x30a: {  	v5 =	vshll.u32 v1, $0x3;
	v0 =	vand.u32 $0x7F, v0;
	v4 =	vand.u32 $0xFFFFFC00, v4  }
0x30b: {  	v1 =	vand.u32 $0x7F, v1;
	v6 =	vand.u32 $0xFFFFFC00, v5;
	v5 =	vor.u32 v0, v4  }
0x30c: {  	v0 =	vor.u32 v1, v6;
	v1 =	vshll.u32 v2, $0x3  }
0x30d: {  	v4 =	vshll.u32 v3, $0x3;
	v2 =	vand.u32 $0x7F, v2;
	v1 =	vand.u32 $0xFFFFFC00, v1  }
0x30e: {  	v6 =	vand.u32 $0xFFFFFC00, v4;
	v4 =	vor.u32 v2, v1;
	v1 =	vand.u32 $0x7F, v3  }
0x30f: {  	v3 =	vor.u32 v1, v6  }
0x310: {  	v1 =	vld.idx.msk [tilespmem:v5+s24+$0x0], $0xffff  }
0x311: {  	v6 =	vor.u32 $0x80, v5;
	v2 =	vld.idx.msk [tilespmem:v0+s24+$0x0], $0xffff  }
0x312: {  	s1 =	sand.u32 $0x3C00, s13;
	v7 =	vor.u32 $0x80, v0  }
0x313: {  	s31 =	sadd.s32 $0x10800, s1;
	v8 =	vld.idx.msk [tilespmem:v4+s24+$0x0], $0xffff  }
0x314: {  	s4 =	sor.u32 s25, s31;
	v9 =	vor.u32 $0x80, v4;
	v10 =	vld.idx.msk [tilespmem:v3+s24+$0x0], $0xffff  }
0x315: {  	s1 =	sor.u32 s20, s31;
	v11 =	vor.u32 $0x80, v3;
	[tilespmem:s4+$0x0] =	vst v1  }
0x316: {  	[tilespmem:s1+$0x0] =	vst v2;
	v1 =	vld.idx.msk [tilespmem:v6+s24+$0x0], $0xffff  }
0x317: {  	s5 =	sor.u32 s28, s31;
	v2 =	vld.idx.msk [tilespmem:v7+s24+$0x0], $0xffff;
	v6 =	vor.u32 $0x100, v5  }
0x318: {  	s6 =	sor.u32 s29, s31;
	v7 =	vor.u32 $0x100, v0;
	[tilespmem:s5+$0x0] =	vst v8  }
0x319: {  	v8 =	vld.idx.msk [tilespmem:v9+s24+$0x0], $0xffff;
	[tilespmem:s6+$0x0] =	vst v10  }
0x31a: {  	v9 =	vor.u32 $0x100, v4;
	v10 =	vld.idx.msk [tilespmem:v11+s24+$0x0], $0xffff  }
0x31b: {  	v11 =	vor.u32 $0x100, v3;
	[tilespmem:s4+$0x80] =	vst v1  }
0x31c: {  	[tilespmem:s1+$0x80] =	vst v2;
	v1 =	vld.idx.msk [tilespmem:v6+s24+$0x0], $0xffff  }
0x31d: {  	v2 =	vld.idx.msk [tilespmem:v7+s24+$0x0], $0xffff;
	v6 =	vor.u32 $0x180, v5  }
0x31e: {  	v7 =	vor.u32 $0x180, v0;
	[tilespmem:s5+$0x80] =	vst v8  }
0x31f: {  	v8 =	vld.idx.msk [tilespmem:v9+s24+$0x0], $0xffff;
	[tilespmem:s6+$0x80] =	vst v10  }
0x320: {  	s9 =	simm.s32 $0x40;
	v9 =	vor.u32 $0x180, v4;
	v10 =	vld.idx.msk [tilespmem:v11+s24+$0x0], $0xffff  }
0x321: {  	s10 =	sand.u32 $0x40, s9;
	v11 =	vld [tilespmem:s9+$0x0];
	[tilespmem:s4+$0x100] =	vst v1  }
0x322: {  	s14 =	sor.u32 $0x30, s10;
	s13 =	sand.u32 $0x780, s9;
	[tilespmem:s1+$0x100] =	vst v2;
	v1 =	vld.idx.msk [tilespmem:v6+s24+$0x0], $0xffff  }
0x323: {  	s11 =	sor.u32 s14, s13;
	v2 =	vor.u32 $0x180, v3;
	v6 =	vld.idx.msk [tilespmem:v7+s24+$0x0], $0xffff  }
0x324: {  	s25 =	sor.u32 $0x10, s10;
	v7 =	vor.u32 $0x200, v5;
	[tilespmem:s5+$0x100] =	vst v8;
	v8 =	vld [tilespmem:s11+$0x0]  }
0x325: {  	s26 =	sor.u32 $0x20, s10;
	s28 =	sor.u32 s25, s13;
	v9 =	vld.idx.msk [tilespmem:v9+s24+$0x0], $0xffff  }
0x326: {  	s2 =	sor.u32 s26, s13;
	v13 =	vld [tilespmem:s28+$0x0];
	v12 =	vor.u32 $0x200, v4;
	v14 =	vshll.u32 v11, $0x3  }
0x327: {  	v15 =	vld [tilespmem:s2+$0x0];
	[tilespmem:s6+$0x100] =	vst v10;
	v10 =	vor.u32 $0x200, v0;
	v11 =	vand.u32 $0x7F, v11;
	v14 =	vand.u32 $0xFFFFFC00, v14  }
0x328: {  	p0 =	por $0x0, $0x0;
	s2 =	simm.s32 $0x1;
	v16 =	vld.idx.msk [tilespmem:v2+s24+$0x0], $0xffff;
	[tilespmem:s4+$0x180] =	vst v1;
	v1 =	vor.u32 v11, v14  }
0x329: {  	s2 =	simm.s32 @!p0 $0x0;
	v11 =	vor.u32 $0x200, v3;
	v7 =	vld.idx.msk [tilespmem:v7+s24+$0x0], $0xffff;
	v2 =	vshll.u32 v8, $0x3  }
0x32a: {  	s29 =	sshll.u32 s2, $0x6;
	v8 =	vand.u32 $0x7F, v8;
	[tilespmem:s5+$0x180] =	vst v9;
	v2 =	vand.u32 $0xFFFFFC00, v2;
	v9 =	vor.u32 $0x280, v5  }
0x32b: {  	s2 =	sadd.s32 $0x0, s29;
	v14 =	vor.u32 $0x280, v4;
	[tilespmem:s1+$0x180] =	vst v6;
	v6 =	vld.idx.msk [tilespmem:v12+s24+$0x0], $0xffff;
	v12 =	vshll.u32 v13, $0x3;
	v2 =	vor.u32 v8, v2  }
0x32c: {  	s1 =	sadd.s32 $0x30, s2;
	v8 =	vld.idx.msk [tilespmem:v10+s24+$0x0], $0xffff;
	v10 =	vshll.u32 v15, $0x3;
	v13 =	vand.u32 $0x7F, v13;
	v12 =	vand.u32 $0xFFFFFC00, v12  }
0x32d: {  	s30 =	sor.u32 $0x200, s1;
	v10 =	vand.u32 $0xFFFFFC00, v10;
	[tilespmem:s6+$0x180] =	vst v16;
	v17 =	vld.idx.msk [tilespmem:v1+s24+$0x0], $0xffff;
	v21 =	vor.u32 v13, v12;
	v12 =	vand.u32 $0x7F, v15  }
0x32e: {  	s31 =	sadd.s32 $0x10, s2;
	v11 =	vld.idx.msk [tilespmem:v11+s24+$0x0], $0xffff;
	v10 =	vor.u32 v12, v10;
	[tilespmem:s30+$0x10800] =	vst v7  }
0x32f: {  	s15 =	sor.u32 $0x200, s31;
	v7 =	vor.u32 $0x280, v0;
	v9 =	vld.idx.msk [tilespmem:v9+s24+$0x0], $0xffff  }
0x330: {  	s7 =	simm.s32 $0x200;
	s16 =	sor.u32 $0x200, s2;
	v12 =	vor.u32 $0x280, v3;
	v13 =	vld.idx.msk [tilespmem:v2+s24+$0x0], $0xffff;
	[tilespmem:s15+$0x10800] =	vst v6  }
0x331: {  	s20 =	sand.u32 $0x3C00, s7;
	s18 =	sadd.s32 $0x20, s2;
	[tilespmem:s16+$0x10800] =	vst v8;
	v8 =	vor.u32 $0x80, v1;
	v6 =	vld.idx.msk [tilespmem:v14+s24+$0x0], $0xffff  }
0x332: {  	s0 =	sadd.s32 $0x10800, s20;
	s17 =	sor.u32 $0x200, s18;
	v14 =	vor.u32 $0x300, v5;
	v15 =	vld.idx.msk [tilespmem:v21+s24+$0x0], $0xffff  }
0x333: {  	v16 =	vor.u32 $0x80, v2;
	s6 =	sor.u32 s14, s0;
	s14 =	sor.u32 s10, s0;
	[tilespmem:s17+$0x10800] =	vst v11;
	v18 =	vld.idx.msk [tilespmem:v10+s24+$0x0], $0xffff  }
0x334: {  	s21 =	sor.u32 $0x280, s1;
	v19 =	vor.u32 $0x80, v21;
	[tilespmem:s14+$0x0] =	vst v17;
	v7 =	vld.idx.msk [tilespmem:v7+s24+$0x0], $0xffff  }
0x335: {  	v11 =	vor.u32 $0x80, v10;
	v12 =	vld.idx.msk [tilespmem:v12+s24+$0x0], $0xffff;
	[tilespmem:s21+$0x10800] =	vst v9  }
0x336: {  	s16 =	sor.u32 s25, s0;
	s25 =	sor.u32 $0x280, s31;
	v9 =	vor.u32 $0x300, v4;
	[tilespmem:s6+$0x0] =	vst v13;
	v8 =	vld.idx.msk [tilespmem:v8+s24+$0x0], $0xffff  }
0x337: {  	v13 =	vld.idx.msk [tilespmem:v14+s24+$0x0], $0xffff;
	v14 =	vor.u32 $0x300, v3;
	[tilespmem:s25+$0x10800] =	vst v6  }
0x338: {  	s10 =	sor.u32 s26, s0;
	v5 =	vor.u32 $0x380, v5;
	v16 =	vld.idx.msk [tilespmem:v16+s24+$0x0], $0xffff;
	[tilespmem:s16+$0x0] =	vst v15  }
0x339: {  	s26 =	sor.u32 $0x280, s18;
	v17 =	vor.u32 $0x100, v2;
	v15 =	vld.idx.msk [tilespmem:v19+s24+$0x0], $0xffff;
	[tilespmem:s10+$0x0] =	vst v18  }
0x33a: {  	v18 =	vor.u32 $0x100, v1;
	[tilespmem:s26+$0x10800] =	vst v12;
	v20 =	vld.idx.msk [tilespmem:v11+s24+$0x0], $0xffff  }
0x33b: {  	s28 =	sor.u32 $0x300, s1;
	v6 =	vor.u32 $0x100, v21;
	v22 =	vld.idx.msk [tilespmem:v9+s24+$0x0], $0xffff;
	[tilespmem:s14+$0x80] =	vst v8  }
0x33c: {  	v23 =	vor.u32 $0x100, v10;
	v14 =	vld.idx.msk [tilespmem:v14+s24+$0x0], $0xffff;
	[tilespmem:s28+$0x10800] =	vst v13  }
0x33d: {  	[tilespmem:s6+$0x80] =	vst v16;
	v16 =	vor.u32 $0x300, v0;
	v24 =	vld.idx.msk [tilespmem:v5+s24+$0x0], $0xffff  }
0x33e: {  	v25 =	vor.u32 $0x380, v4;
	v19 =	vld.idx.msk [tilespmem:v17+s24+$0x0], $0xffff;
	[tilespmem:s16+$0x80] =	vst v15  }
0x33f: {  	s30 =	sor.u32 $0x300, s31;
	v4 =	vor.u32 $0x380, v21;
	v17 =	vld.idx.msk [tilespmem:v18+s24+$0x0], $0xffff;
	[tilespmem:s10+$0x80] =	vst v20  }
0x340: {  	s29 =	sor.u32 $0x280, s2;
	v11 =	vor.u32 $0x200, v21;
	v8 =	vor.u32 $0x280, v21;
	v18 =	vld.idx.msk [tilespmem:v6+s24+$0x0], $0xffff;
	[tilespmem:s30+$0x10800] =	vst v22;
	v22 =	vor.u32 $0x180, v2  }
0x341: {  	s13 =	sor.u32 $0x300, s2;
	s12 =	sor.u32 $0x380, s31;
	[tilespmem:s29+$0x10800] =	vst v7;
	v13 =	vor.u32 $0x180, v21;
	v6 =	vor.u32 $0x300, v21;
	v21 =	vor.u32 $0x180, v1;
	v20 =	vld.idx.msk [tilespmem:v23+s24+$0x0], $0xffff  }
0x342: {  	s11 =	simm.s32 $0x80;
	s15 =	sor.u32 $0x300, s18;
	s31 =	sor.u32 $0x380, s1;
	v3 =	vor.u32 $0x380, v3;
	v12 =	vor.u32 $0x180, v10;
	v7 =	vor.u32 $0x280, v10;
	v15 =	vld.idx.msk [tilespmem:v16+s24+$0x0], $0xffff  }
0x343: {  	s1 =	sor.u32 $0x380, s18;
	s18 =	sor.u32 $0x380, s2;
	s17 =	simm.s32 $0x4;
	v9 =	vor.u32 $0x200, v10;
	v5 =	vor.u32 $0x300, v10;
	v10 =	vor.u32 $0x380, v10;
	v16 =	vld.idx.msk [tilespmem:v25+s24+$0x0], $0xffff;
	[tilespmem:s31+$0x10800] =	vst v24  }
.LBB2_13:
0x344: {  	v23 =	vld [tilespmem:s11+$0x0];
	[tilespmem:s6+$0x100] =	vst v19;
	s9 =	sadd.s32 $0x40, s9  }
0x345: {  	s17 =	sadd.s32 $0x4, s17;
	s20 =	sand.u32 $0x40, s9;
	[tilespmem:s14+$0x100] =	vst v17;
	v17 =	vld.idx.msk [tilespmem:v22+s24+$0x0], $0xffff  }
0x346: {  	s0 =	sand.u32 $0x780, s9;
	p1 =	slt.u32 s17, $0x7C;
	s21 =	sor.u32 $0x30, s20;
	v19 =	vld.idx.msk [tilespmem:v21+s24+$0x0], $0xffff;
	[tilespmem:s16+$0x100] =	vst v18  }
0x347: {  	s2 =	sor.u32 $0x10, s20;
	s5 =	sor.u32 $0x20, s20;
	v18 =	vor.u32 $0x200, v2;
	s4 =	sor.u32 s21, s0;
	v13 =	vld.idx.msk [tilespmem:v13+s24+$0x0], $0xffff;
	[tilespmem:s10+$0x100] =	vst v20  }
0x348: {  	v21 =	vor.u32 $0x200, v1;
	s25 =	sor.u32 s2, s0;
	s0 =	sor.u32 s5, s0;
	v20 =	vld [tilespmem:s4+$0x0];
	[tilespmem:s15+$0x10800] =	vst v14  }
0x349: {  	v14 =	vld [tilespmem:s25+$0x0];
	[tilespmem:s13+$0x10800] =	vst v15  }
0x34a: {  	v15 =	vshll.u32 v23, $0x3;
	v22 =	vld [tilespmem:s0+$0x0];
	[tilespmem:s12+$0x10800] =	vst v16  }
0x34b: {  	v16 =	vand.u32 $0x7F, v23;
	v15 =	vand.u32 $0xFFFFFC00, v15;
	v12 =	vld.idx.msk [tilespmem:v12+s24+$0x0], $0xffff;
	[tilespmem:s6+$0x180] =	vst v17;
	v17 =	vor.u32 $0x380, v0;
	v0 =	vmovc v1  }
0x34c: {  	p0 =	por !p0, !p0;
	s0 =	simm.s32 $0x1;
	v1 =	vor.u32 v16, v15;
	[tilespmem:s14+$0x180] =	vst v19;
	v15 =	vld.idx.msk [tilespmem:v18+s24+$0x0], $0xffff  }
0x34d: {  	s0 =	simm.s32 @!p0 $0x0;
	v16 =	vshll.u32 v20, $0x3;
	v18 =	vld.idx.msk [tilespmem:v21+s24+$0x0], $0xffff;
	[tilespmem:s16+$0x180] =	vst v13  }
0x34e: {  	s0 =	sshll.u32 s0, $0x6;
	v13 =	vand.u32 $0x7F, v20;
	v16 =	vand.u32 $0xFFFFFC00, v16;
	v19 =	vld.idx.msk [tilespmem:v11+s24+$0x0], $0xffff;
	v11 =	vor.u32 $0x280, v2  }
0x34f: {  	s0 =	sadd.s32 s0, s7;
	v20 =	vshll.u32 v14, $0x3;
	v21 =	vshll.u32 v22, $0x3;
	v16 =	vor.u32 v13, v16;
	v23 =	vld.idx.msk [tilespmem:v3+s24+$0x0], $0xffff;
	v3 =	vmovc v10  }
0x350: {  	s6 =	sadd.s32 $0x10, s0;
	s14 =	sadd.s32 $0x20, s0;
	s4 =	sadd.s32 $0x30, s0;
	v10 =	vand.u32 $0x7F, v14;
	v13 =	vand.u32 $0xFFFFFC00, v20;
	v14 =	vand.u32 $0xFFFFFC00, v21;
	v17 =	vld.idx.msk [tilespmem:v17+s24+$0x0], $0xffff  }
0x351: {  	s12 =	sor.u32 $0x200, s6;
	s13 =	sor.u32 $0x200, s4;
	v10 =	vor.u32 v10, v13;
	v13 =	vand.u32 $0x7F, v22;
	v21 =	vor.u32 $0x280, v0;
	v20 =	vld.idx.msk [tilespmem:v1+s24+$0x0], $0xffff;
	[tilespmem:s10+$0x180] =	vst v12;
	s10 =	sor.u32 $0x200, s14  }
0x352: {  	s15 =	sor.u32 $0x200, s0;
	s29 =	sor.u32 $0x280, s6;
	s28 =	sor.u32 $0x280, s14;
	v22 =	vor.u32 $0x80, v10;
	v24 =	vor.u32 $0x100, v10;
	v14 =	vor.u32 v13, v14;
	v25 =	vld.idx.msk [tilespmem:v9+s24+$0x0], $0xffff;
	[tilespmem:s13+$0x10800] =	vst v15  }
0x353: {  	s25 =	sor.u32 $0x280, s0;
	s26 =	sor.u32 $0x300, s6;
	v13 =	vor.u32 $0x180, v10;
	v15 =	vor.u32 $0x80, v14;
	v26 =	vor.u32 $0x100, v14;
	[tilespmem:s15+$0x10800] =	vst v18;
	s15 =	sor.u32 $0x300, s14;
	v18 =	vld.idx.msk [tilespmem:v11+s24+$0x0], $0xffff  }
0x354: {  	v12 =	vor.u32 $0x180, v14;
	v9 =	vor.u32 $0x200, v14;
	s13 =	sor.u32 $0x300, s0;
	v11 =	vor.u32 $0x200, v10;
	v27 =	vld.idx.msk [tilespmem:v16+s24+$0x0], $0xffff;
	[tilespmem:s12+$0x10800] =	vst v19;
	s12 =	sor.u32 $0x380, s6;
	s6 =	sor.u32 $0x380, s14  }
0x355: {  	v29 =	vor.u32 $0x300, v2;
	s0 =	sor.u32 $0x380, s0;
	v19 =	vor.u32 $0x280, v14;
	v28 =	vld.idx.msk [tilespmem:v8+s24+$0x0], $0xffff;
	v8 =	vor.u32 $0x280, v10;
	[tilespmem:s1+$0x10800] =	vst v23;
	s1 =	smov.u32 s6  }
0x356: {  	s7 =	sadd.s32 $0x200, s7;
	v32 =	vor.u32 $0x80, v16;
	v30 =	vor.u32 $0x300, v10;
	v31 =	vor.u32 $0x300, v14;
	v23 =	vld.idx.msk [tilespmem:v10+s24+$0x0], $0xffff;
	[tilespmem:s18+$0x10800] =	vst v17;
	s18 =	smov.u32 s0  }
0x357: {  	v33 =	vor.u32 $0x380, v10;
	s0 =	sand.u32 $0x3C00, s7;
	v17 =	vor.u32 $0x80, v1;
	v10 =	vor.u32 $0x380, v14;
	v34 =	vld.idx.msk [tilespmem:v14+s24+$0x0], $0xffff  }
0x358: {  	s0 =	sadd.s32 $0x10800, s0;
	v35 =	vld.idx.msk [tilespmem:v21+s24+$0x0], $0xffff;
	[tilespmem:s10+$0x10800] =	vst v25;
	s10 =	sor.u32 $0x280, s4  }
0x359: {  	s14 =	sor.u32 s20, s0;
	s16 =	sor.u32 s2, s0;
	s6 =	sor.u32 s21, s0;
	v14 =	vld.idx.msk [tilespmem:v7+s24+$0x0], $0xffff;
	[tilespmem:s10+$0x10800] =	vst v18;
	v7 =	vmov v19  }
0x35a: {  	s10 =	sor.u32 s5, s0;
	[tilespmem:s6+$0x0] =	vst v27;
	v18 =	vld.idx.msk [tilespmem:v29+s24+$0x0], $0xffff  }
0x35b: {  	[tilespmem:s14+$0x0] =	vst v20;
	v19 =	vld.idx.msk [tilespmem:v32+s24+$0x0], $0xffff  }
0x35c: {  	v20 =	vor.u32 $0x380, v2;
	v2 =	vmov v16;
	v17 =	vld.idx.msk [tilespmem:v17+s24+$0x0], $0xffff;
	[tilespmem:s16+$0x0] =	vst v23  }
0x35d: {  	v21 =	vor.u32 $0x100, v2;
	v16 =	vld.idx.msk [tilespmem:v22+s24+$0x0], $0xffff;
	[tilespmem:s10+$0x0] =	vst v34  }
0x35e: {  	v22 =	vor.u32 $0x100, v1;
	v15 =	vld.idx.msk [tilespmem:v15+s24+$0x0], $0xffff;
	[tilespmem:s29+$0x10800] =	vst v28  }
0x35f: {  	s0 =	sor.u32 $0x300, s4;
	v23 =	vld.idx.msk [tilespmem:v6+s24+$0x0], $0xffff;
	[tilespmem:s28+$0x10800] =	vst v14;
	v6 =	vmov v30  }
0x360: {  	v14 =	vld.idx.msk [tilespmem:v5+s24+$0x0], $0xffff;
	[tilespmem:s0+$0x10800] =	vst v18;
	v5 =	vmov v31  }
0x361: {  	v25 =	vor.u32 $0x300, v0;
	[tilespmem:s6+$0x80] =	vst v19;
	v27 =	vld.idx.msk [tilespmem:v20+s24+$0x0], $0xffff  }
0x362: {  	[tilespmem:s14+$0x80] =	vst v17;
	v19 =	vld.idx.msk [tilespmem:v21+s24+$0x0], $0xffff  }
.Ltmp5:
0x363: {  	v17 =	vld.idx.msk [tilespmem:v22+s24+$0x0], $0xffff;
	[tilespmem:s16+$0x80] =	vst v16;
	(pc) =	sbr.rel @p1 .LBB2_13-.Ltmp5, $4  }
0x364: {  	v22 =	vor.u32 $0x180, v2;
	v18 =	vld.idx.msk [tilespmem:v24+s24+$0x0], $0xffff;
	[tilespmem:s10+$0x80] =	vst v15  }
0x365: {  	v21 =	vor.u32 $0x180, v1;
	v20 =	vld.idx.msk [tilespmem:v26+s24+$0x0], $0xffff;
	[tilespmem:s25+$0x10800] =	vst v35  }
0x366: {  	s0 =	sor.u32 $0x380, s4;
	v15 =	vld.idx.msk [tilespmem:v25+s24+$0x0], $0xffff;
	[tilespmem:s26+$0x10800] =	vst v23  }
0x367: {  	s11 =	sadd.s32 $0x40, s11;
	v16 =	vld.idx.msk [tilespmem:v4+s24+$0x0], $0xffff;
	[tilespmem:s0+$0x10800] =	vst v27;
	v4 =	vmov v33  }
0x368: {  	_ =	sdelay $0x2  }
0x369: {  	[tilespmem:s6+$0x100] =	vst v19  }
0x36a: {  	[tilespmem:s14+$0x100] =	vst v17;
	v19 =	vld.idx.msk [tilespmem:v22+s24+$0x0], $0xffff  }
0x36b: {  	v53 =	vor.u32 $0x200, v2;
	[tilespmem:s16+$0x100] =	vst v18;
	v17 =	vld.idx.msk [tilespmem:v21+s24+$0x0], $0xffff  }
0x36c: {  	v54 =	vor.u32 $0x200, v1;
	v13 =	vld.idx.msk [tilespmem:v13+s24+$0x0], $0xffff;
	[tilespmem:s10+$0x100] =	vst v20  }
0x36d: {  	v12 =	vld.idx.msk [tilespmem:v12+s24+$0x0], $0xffff;
	_ =	sdelay $0x1  }
0x36e: {  	p0 =	por !p0, !p0;
	s0 =	simm.s32 $0x1;
	[tilespmem:s6+$0x180] =	vst v19  }
0x36f: {  	s0 =	simm.s32 @!p0 $0x0;
	[tilespmem:s14+$0x180] =	vst v17;
	v18 =	vld.idx.msk [tilespmem:v53+s24+$0x0], $0xffff  }
0x370: {  	v55 =	vor.u32 $0x280, v2;
	s0 =	sshll.u32 s0, $0x6;
	[tilespmem:s16+$0x180] =	vst v13;
	v56 =	vld.idx.msk [tilespmem:v54+s24+$0x0], $0xffff  }
0x371: {  	v57 =	vor.u32 $0x280, v1;
	s0 =	sadd.s32 s0, s7;
	v11 =	vld.idx.msk [tilespmem:v11+s24+$0x0], $0xffff;
	[tilespmem:s10+$0x180] =	vst v12  }
0x372: {  	s2 =	sadd.s32 $0x30, s0;
	v9 =	vld.idx.msk [tilespmem:v9+s24+$0x0], $0xffff  }
0x373: {  	s5 =	sor.u32 $0x200, s2  }
0x374: {  	s4 =	sadd.s32 $0x10, s0;
	s10 =	sor.u32 $0x200, s0;
	[tilespmem:s5+$0x10800] =	vst v18  }
0x375: {  	s30 =	sadd.s32 $0x20, s0;
	s31 =	sor.u32 $0x200, s4;
	[tilespmem:s10+$0x10800] =	vst v56;
	v13 =	vld.idx.msk [tilespmem:v55+s24+$0x0], $0xffff  }
0x376: {  	v58 =	vor.u32 $0x300, v2;
	s9 =	sor.u32 $0x200, s30;
	[tilespmem:s31+$0x10800] =	vst v11;
	v59 =	vld.idx.msk [tilespmem:v57+s24+$0x0], $0xffff  }
0x377: {  	v60 =	vor.u32 $0x300, v1;
	v8 =	vld.idx.msk [tilespmem:v8+s24+$0x0], $0xffff;
	[tilespmem:s9+$0x10800] =	vst v9  }
0x378: {  	v7 =	vld.idx.msk [tilespmem:v7+s24+$0x0], $0xffff  }
0x379: {  	[tilespmem:s15+$0x10800] =	vst v14;
	s11 =	sor.u32 $0x280, s2  }
0x37a: {  	s16 =	sor.u32 $0x280, s0;
	[tilespmem:s11+$0x10800] =	vst v13  }
0x37b: {  	v0 =	vor.u32 $0x380, v0;
	s14 =	sor.u32 $0x280, s4;
	[tilespmem:s16+$0x10800] =	vst v59;
	v11 =	vld.idx.msk [tilespmem:v58+s24+$0x0], $0xffff  }
0x37c: {  	v61 =	vor.u32 $0x380, v2;
	s15 =	sor.u32 $0x280, s30;
	[tilespmem:s14+$0x10800] =	vst v8;
	v62 =	vld.idx.msk [tilespmem:v60+s24+$0x0], $0xffff  }
0x37d: {  	v63 =	vor.u32 $0x380, v1;
	v6 =	vld.idx.msk [tilespmem:v6+s24+$0x0], $0xffff;
	[tilespmem:s15+$0x10800] =	vst v7  }
0x37e: {  	[tilespmem:s13+$0x10800] =	vst v15;
	v5 =	vld.idx.msk [tilespmem:v5+s24+$0x0], $0xffff  }
0x37f: {  	v3 =	vld.idx.msk [tilespmem:v3+s24+$0x0], $0xffff;
	[tilespmem:s12+$0x10800] =	vst v16;
	s17 =	sor.u32 $0x300, s2  }
0x380: {  	s25 =	sor.u32 $0x300, s0;
	v0 =	vld.idx.msk [tilespmem:v0+s24+$0x0], $0xffff;
	[tilespmem:s17+$0x10800] =	vst v11  }
0x381: {  	s20 =	sor.u32 $0x300, s4;
	[tilespmem:s25+$0x10800] =	vst v62;
	v2 =	vld.idx.msk [tilespmem:v61+s24+$0x0], $0xffff  }
0x382: {  	s21 =	sor.u32 $0x300, s30;
	[tilespmem:s20+$0x10800] =	vst v6;
	v1 =	vld.idx.msk [tilespmem:v63+s24+$0x0], $0xffff  }
0x383: {  	v4 =	vld.idx.msk [tilespmem:v4+s24+$0x0], $0xffff;
	[tilespmem:s21+$0x10800] =	vst v5  }
0x384: {  	[tilespmem:s1+$0x10800] =	vst v3;
	v5 =	vld.idx.msk [tilespmem:v10+s24+$0x0], $0xffff  }
0x385: {  	p0 =	seq.s32 s3, $0x4;
	s26 =	sor.u32 $0x380, s2;
	[tilespmem:s18+$0x10800] =	vst v0  }
.Ltmp6:
0x386: {  	s0 =	sor.u32 $0x380, s0;
	[tilespmem:s26+$0x10800] =	vst v2;
	(pc) =	sbr.rel @p0 .LBB2_16-.Ltmp6, $4  }
0x387: {  	s28 =	sor.u32 $0x380, s4;
	[tilespmem:s0+$0x10800] =	vst v1  }
0x388: {  	s29 =	sor.u32 $0x380, s30;
	s30 =	rddreg [dreg:$0x2];
	[tilespmem:s28+$0x10800] =	vst v4  }
0x389: {  	s31 =	simm.s32 $0x10800;
	s0 =	sadd.s32 s30, s19;
	s26 =	simm.s32 $0x0;
	[tilespmem:s29+$0x10800] =	vst v5  }
0x38a: {  	[hbm4b:s0+s26] =	stream.linear.scatter [tilespmem:s31], [sflag:$0x5], $0x4000, $0x38;
	[tilespmem:$0x14800] =	vst v63  }
0x38b: {  	s0 =	rddreg [dreg:$0xf]  }
.Ltmp7:
0x38c: {  	s0 =	sadd.s32 s8, s0;
	(pc) =	sbr.rel .LBB2_2-.Ltmp7, $4  }
0x38d: {  	s0 =	sshll.u32 s0, $0xB  }
0x38e: {  	s1 =	rddreg [dreg:$0x0];
	s0 =	sand.u32 $0x1FFFF000, s0  }
0x38f: {  	s3 =	sadd.s32 $0x1, s3;
	s0 =	sadd.s32 s1, s0  }
0x390: {  	[tilespmem:s24], [sflag:$0x3] =	stream.linear.gather [hbm4b:s0+s26], $0x4000, $0x38;
	[tilespmem:$0x14800] =	vst v63  }
.LBB2_16:
0x391: {  	s0 =	simm.s32 $0x1  }
0x392: {  	_ =	swait.ge [sflag:s0], $0x4000  }
0x393: {  	[sflag:s0] =	ssyncset.done $0x0  }
0x394: {  	s17 =	simm.s32 $0x0;
	s4 =	simm.s32 $0x4;
	[sflag:s0] =	ssyncadd.s32 $0xFFFFC000  }
0x395: {  	s1 =	sand.u32 $0x40, s17;
	_ =	swait.ge [sflag:s4], $0x4000  }
0x396: {  	s2 =	sand.u32 $0x780, s17;
	s3 =	sor.u32 $0x30, s1;
	[sflag:s4] =	ssyncset.done $0x0  }
0x397: {  	s18 =	sor.u32 s3, s2;
	[sflag:s4] =	ssyncadd.s32 $0xFFFFC000  }
0x398: {  	v0 =	vld [tilespmem:s18+$0x0]  }
0x399: {  	s19 =	sor.u32 $0x10, s1;
	v1 =	vld [tilespmem:s17+$0x0]  }
0x39a: {  	s5 =	sor.u32 $0x20, s1;
	s6 =	sor.u32 s19, s2  }
0x39b: {  	s2 =	sor.u32 s5, s2;
	v2 =	vld [tilespmem:s6+$0x0]  }
0x39c: {  	v3 =	vld [tilespmem:s2+$0x0]  }
0x39d: {  	v4 =	vshll.u32 v0, $0x3  }
0x39e: {  	v5 =	vshll.u32 v1, $0x3;
	v0 =	vand.u32 $0x7F, v0;
	v4 =	vand.u32 $0xFFFFFC00, v4  }
0x39f: {  	v1 =	vand.u32 $0x7F, v1;
	v6 =	vand.u32 $0xFFFFFC00, v5;
	v5 =	vor.u32 v0, v4  }
0x3a0: {  	v0 =	vor.u32 v1, v6;
	v1 =	vshll.u32 v2, $0x3  }
0x3a1: {  	v4 =	vshll.u32 v3, $0x3;
	v2 =	vand.u32 $0x7F, v2;
	v1 =	vand.u32 $0xFFFFFC00, v1  }
0x3a2: {  	v6 =	vand.u32 $0xFFFFFC00, v4;
	v4 =	vor.u32 v2, v1;
	v1 =	vand.u32 $0x7F, v3  }
0x3a3: {  	v3 =	vor.u32 v1, v6  }
0x3a4: {  	v1 =	vld.idx.msk [tilespmem:v5+s22+$0x0], $0xffff  }
0x3a5: {  	v6 =	vor.u32 $0x80, v5;
	v2 =	vld.idx.msk [tilespmem:v0+s22+$0x0], $0xffff  }
0x3a6: {  	s0 =	sand.u32 $0x3C00, s17;
	v7 =	vor.u32 $0x80, v0  }
0x3a7: {  	s0 =	sadd.s32 $0xC800, s0;
	v8 =	vld.idx.msk [tilespmem:v4+s22+$0x0], $0xffff  }
0x3a8: {  	s20 =	sor.u32 s3, s0;
	v9 =	vor.u32 $0x80, v4;
	v10 =	vld.idx.msk [tilespmem:v3+s22+$0x0], $0xffff  }
0x3a9: {  	s1 =	sor.u32 s1, s0;
	v11 =	vor.u32 $0x80, v3;
	[tilespmem:s20+$0x0] =	vst v1  }
0x3aa: {  	[tilespmem:s1+$0x0] =	vst v2;
	v1 =	vld.idx.msk [tilespmem:v6+s22+$0x0], $0xffff  }
0x3ab: {  	s9 =	sor.u32 s19, s0;
	v2 =	vld.idx.msk [tilespmem:v7+s22+$0x0], $0xffff;
	v6 =	vor.u32 $0x100, v5  }
0x3ac: {  	s7 =	sor.u32 s5, s0;
	v7 =	vor.u32 $0x100, v0;
	[tilespmem:s9+$0x0] =	vst v8  }
0x3ad: {  	v8 =	vld.idx.msk [tilespmem:v9+s22+$0x0], $0xffff;
	[tilespmem:s7+$0x0] =	vst v10  }
0x3ae: {  	v9 =	vor.u32 $0x100, v4;
	v10 =	vld.idx.msk [tilespmem:v11+s22+$0x0], $0xffff  }
0x3af: {  	v11 =	vor.u32 $0x100, v3;
	[tilespmem:s20+$0x80] =	vst v1  }
0x3b0: {  	[tilespmem:s1+$0x80] =	vst v2;
	v1 =	vld.idx.msk [tilespmem:v6+s22+$0x0], $0xffff  }
0x3b1: {  	v2 =	vld.idx.msk [tilespmem:v7+s22+$0x0], $0xffff;
	v6 =	vor.u32 $0x180, v5  }
0x3b2: {  	v7 =	vor.u32 $0x180, v0;
	[tilespmem:s9+$0x80] =	vst v8  }
0x3b3: {  	v8 =	vld.idx.msk [tilespmem:v9+s22+$0x0], $0xffff;
	[tilespmem:s7+$0x80] =	vst v10  }
0x3b4: {  	s3 =	simm.s32 $0x40;
	v9 =	vor.u32 $0x180, v4;
	v10 =	vld.idx.msk [tilespmem:v11+s22+$0x0], $0xffff  }
0x3b5: {  	s21 =	sand.u32 $0x40, s3;
	v11 =	vld [tilespmem:s3+$0x0];
	[tilespmem:s20+$0x100] =	vst v1  }
0x3b6: {  	s25 =	sand.u32 $0x780, s3;
	s28 =	sor.u32 $0x30, s21;
	[tilespmem:s1+$0x100] =	vst v2;
	v1 =	vld.idx.msk [tilespmem:v6+s22+$0x0], $0xffff  }
0x3b7: {  	s8 =	sor.u32 s28, s25;
	v2 =	vor.u32 $0x180, v3;
	v6 =	vld.idx.msk [tilespmem:v7+s22+$0x0], $0xffff  }
0x3b8: {  	s29 =	sor.u32 $0x10, s21;
	v7 =	vor.u32 $0x200, v5;
	[tilespmem:s9+$0x100] =	vst v8;
	v8 =	vld [tilespmem:s8+$0x0]  }
0x3b9: {  	s30 =	sor.u32 $0x20, s21;
	s10 =	sor.u32 s29, s25;
	v9 =	vld.idx.msk [tilespmem:v9+s22+$0x0], $0xffff  }
0x3ba: {  	s0 =	sor.u32 s30, s25;
	v13 =	vld [tilespmem:s10+$0x0];
	v12 =	vor.u32 $0x200, v4;
	v14 =	vshll.u32 v11, $0x3  }
0x3bb: {  	v15 =	vld [tilespmem:s0+$0x0];
	[tilespmem:s7+$0x100] =	vst v10;
	v10 =	vor.u32 $0x200, v0;
	v11 =	vand.u32 $0x7F, v11;
	v14 =	vand.u32 $0xFFFFFC00, v14  }
0x3bc: {  	p0 =	por $0x0, $0x0;
	s0 =	simm.s32 $0x1;
	v16 =	vld.idx.msk [tilespmem:v2+s22+$0x0], $0xffff;
	[tilespmem:s20+$0x180] =	vst v1;
	v1 =	vor.u32 v11, v14  }
0x3bd: {  	s0 =	simm.s32 @!p0 $0x0;
	v11 =	vor.u32 $0x200, v3;
	v7 =	vld.idx.msk [tilespmem:v7+s22+$0x0], $0xffff;
	v2 =	vshll.u32 v8, $0x3  }
0x3be: {  	s0 =	sshll.u32 s0, $0x6;
	v8 =	vand.u32 $0x7F, v8;
	[tilespmem:s9+$0x180] =	vst v9;
	v2 =	vand.u32 $0xFFFFFC00, v2;
	v9 =	vor.u32 $0x280, v5  }
0x3bf: {  	s2 =	sadd.s32 $0x0, s0;
	v14 =	vor.u32 $0x280, v4;
	[tilespmem:s1+$0x180] =	vst v6;
	v6 =	vld.idx.msk [tilespmem:v12+s22+$0x0], $0xffff;
	v12 =	vshll.u32 v13, $0x3;
	v2 =	vor.u32 v8, v2  }
0x3c0: {  	s31 =	sadd.s32 $0x30, s2;
	v8 =	vld.idx.msk [tilespmem:v10+s22+$0x0], $0xffff;
	v10 =	vshll.u32 v15, $0x3;
	v13 =	vand.u32 $0x7F, v13;
	v12 =	vand.u32 $0xFFFFFC00, v12  }
0x3c1: {  	s15 =	sor.u32 $0x200, s31;
	v10 =	vand.u32 $0xFFFFFC00, v10;
	[tilespmem:s7+$0x180] =	vst v16;
	v17 =	vld.idx.msk [tilespmem:v1+s22+$0x0], $0xffff;
	v21 =	vor.u32 v13, v12;
	v12 =	vand.u32 $0x7F, v15  }
0x3c2: {  	s11 =	sadd.s32 $0x10, s2;
	v11 =	vld.idx.msk [tilespmem:v11+s22+$0x0], $0xffff;
	v10 =	vor.u32 v12, v10;
	[tilespmem:s15+$0xC800] =	vst v7  }
0x3c3: {  	s16 =	sor.u32 $0x200, s11;
	v7 =	vor.u32 $0x280, v0;
	v9 =	vld.idx.msk [tilespmem:v9+s22+$0x0], $0xffff  }
0x3c4: {  	s17 =	sor.u32 $0x200, s2;
	s7 =	simm.s32 $0x200;
	v12 =	vor.u32 $0x280, v3;
	v13 =	vld.idx.msk [tilespmem:v2+s22+$0x0], $0xffff;
	[tilespmem:s16+$0xC800] =	vst v6  }
0x3c5: {  	s19 =	sand.u32 $0x3C00, s7;
	s16 =	sadd.s32 $0x20, s2;
	[tilespmem:s17+$0xC800] =	vst v8;
	v8 =	vor.u32 $0x80, v1;
	v6 =	vld.idx.msk [tilespmem:v14+s22+$0x0], $0xffff  }
0x3c6: {  	s0 =	sadd.s32 $0xC800, s19;
	v14 =	vor.u32 $0x300, v5;
	s18 =	sor.u32 $0x200, s16;
	v15 =	vld.idx.msk [tilespmem:v21+s22+$0x0], $0xffff  }
0x3c7: {  	v16 =	vor.u32 $0x80, v2;
	s13 =	sor.u32 s21, s0;
	[tilespmem:s18+$0xC800] =	vst v11;
	v18 =	vld.idx.msk [tilespmem:v10+s22+$0x0], $0xffff  }
0x3c8: {  	s20 =	sor.u32 $0x280, s31;
	v19 =	vor.u32 $0x80, v21;
	[tilespmem:s13+$0x0] =	vst v17;
	v22 =	vld.idx.msk [tilespmem:v7+s22+$0x0], $0xffff  }
0x3c9: {  	s6 =	sor.u32 s28, s0;
	v7 =	vor.u32 $0x80, v10;
	v11 =	vld.idx.msk [tilespmem:v12+s22+$0x0], $0xffff;
	[tilespmem:s20+$0xC800] =	vst v9  }
0x3ca: {  	s21 =	sor.u32 $0x280, s11;
	v9 =	vor.u32 $0x300, v4;
	[tilespmem:s6+$0x0] =	vst v13;
	v8 =	vld.idx.msk [tilespmem:v8+s22+$0x0], $0xffff  }
0x3cb: {  	s15 =	sor.u32 s29, s0;
	v13 =	vor.u32 $0x300, v3;
	v12 =	vld.idx.msk [tilespmem:v14+s22+$0x0], $0xffff;
	[tilespmem:s21+$0xC800] =	vst v6  }
0x3cc: {  	s10 =	sor.u32 s30, s0;
	v5 =	vor.u32 $0x380, v5;
	v16 =	vld.idx.msk [tilespmem:v16+s22+$0x0], $0xffff;
	[tilespmem:s15+$0x0] =	vst v15  }
0x3cd: {  	s25 =	sor.u32 $0x280, s16;
	v17 =	vor.u32 $0x100, v2;
	v15 =	vld.idx.msk [tilespmem:v19+s22+$0x0], $0xffff;
	[tilespmem:s10+$0x0] =	vst v18  }
0x3ce: {  	s29 =	sor.u32 $0x280, s2;
	v18 =	vor.u32 $0x100, v1;
	[tilespmem:s25+$0xC800] =	vst v11;
	v7 =	vld.idx.msk [tilespmem:v7+s22+$0x0], $0xffff  }
0x3cf: {  	s28 =	sor.u32 $0x300, s31;
	v6 =	vor.u32 $0x100, v21;
	[tilespmem:s29+$0xC800] =	vst v22;
	v23 =	vld.idx.msk [tilespmem:v9+s22+$0x0], $0xffff  }
0x3d0: {  	v20 =	vor.u32 $0x100, v10;
	v14 =	vld.idx.msk [tilespmem:v13+s22+$0x0], $0xffff;
	[tilespmem:s28+$0xC800] =	vst v12  }
0x3d1: {  	[tilespmem:s6+$0x80] =	vst v16;
	v16 =	vor.u32 $0x300, v0;
	v24 =	vld.idx.msk [tilespmem:v5+s22+$0x0], $0xffff  }
0x3d2: {  	v25 =	vor.u32 $0x380, v4;
	[tilespmem:s13+$0x80] =	vst v8;
	v19 =	vld.idx.msk [tilespmem:v17+s22+$0x0], $0xffff  }
0x3d3: {  	v4 =	vor.u32 $0x380, v21;
	v17 =	vld.idx.msk [tilespmem:v18+s22+$0x0], $0xffff;
	[tilespmem:s15+$0x80] =	vst v15  }
0x3d4: {  	v11 =	vor.u32 $0x200, v21;
	v22 =	vor.u32 $0x180, v2;
	v13 =	vor.u32 $0x180, v21;
	v18 =	vld.idx.msk [tilespmem:v6+s22+$0x0], $0xffff;
	[tilespmem:s10+$0x80] =	vst v7  }
0x3d5: {  	s12 =	sor.u32 $0x300, s2;
	s8 =	sor.u32 $0x380, s2;
	s30 =	sor.u32 $0x300, s11;
	v8 =	vor.u32 $0x280, v21;
	v6 =	vor.u32 $0x300, v21;
	v21 =	vor.u32 $0x180, v1;
	v20 =	vld.idx.msk [tilespmem:v20+s22+$0x0], $0xffff  }
0x3d6: {  	s9 =	simm.s32 $0x4;
	s11 =	sor.u32 $0x380, s11;
	s31 =	sor.u32 $0x380, s31;
	v3 =	vor.u32 $0x380, v3;
	v9 =	vor.u32 $0x200, v10;
	v12 =	vor.u32 $0x180, v10;
	[tilespmem:s30+$0xC800] =	vst v23;
	v15 =	vld.idx.msk [tilespmem:v16+s22+$0x0], $0xffff  }
0x3d7: {  	s17 =	simm.s32 $0x80;
	s14 =	sor.u32 $0x300, s16;
	s1 =	sor.u32 $0x380, s16;
	v5 =	vor.u32 $0x300, v10;
	v7 =	vor.u32 $0x280, v10;
	v10 =	vor.u32 $0x380, v10;
	v16 =	vld.idx.msk [tilespmem:v25+s22+$0x0], $0xffff;
	[tilespmem:s31+$0xC800] =	vst v24  }
.LBB2_17:
0x3d8: {  	v23 =	vld [tilespmem:s17+$0x0];
	[tilespmem:s6+$0x100] =	vst v19;
	s3 =	sadd.s32 $0x40, s3  }
0x3d9: {  	s9 =	sadd.s32 $0x4, s9;
	s16 =	sand.u32 $0x40, s3;
	[tilespmem:s13+$0x100] =	vst v17;
	v17 =	vld.idx.msk [tilespmem:v22+s22+$0x0], $0xffff  }
0x3da: {  	s0 =	sand.u32 $0x780, s3;
	p1 =	slt.u32 s9, $0x7C;
	s18 =	sor.u32 $0x30, s16;
	v19 =	vld.idx.msk [tilespmem:v21+s22+$0x0], $0xffff;
	[tilespmem:s15+$0x100] =	vst v18  }
0x3db: {  	s2 =	sor.u32 $0x10, s16;
	s5 =	sor.u32 $0x20, s16;
	v18 =	vor.u32 $0x200, v2;
	s4 =	sor.u32 s18, s0;
	v13 =	vld.idx.msk [tilespmem:v13+s22+$0x0], $0xffff;
	[tilespmem:s10+$0x100] =	vst v20  }
0x3dc: {  	v21 =	vor.u32 $0x200, v1;
	s19 =	sor.u32 s2, s0;
	s0 =	sor.u32 s5, s0;
	v20 =	vld [tilespmem:s4+$0x0];
	[tilespmem:s14+$0xC800] =	vst v14  }
0x3dd: {  	v14 =	vld [tilespmem:s19+$0x0];
	[tilespmem:s12+$0xC800] =	vst v15  }
0x3de: {  	v15 =	vshll.u32 v23, $0x3;
	v22 =	vld [tilespmem:s0+$0x0];
	[tilespmem:s11+$0xC800] =	vst v16  }
0x3df: {  	v16 =	vand.u32 $0x7F, v23;
	v15 =	vand.u32 $0xFFFFFC00, v15;
	v12 =	vld.idx.msk [tilespmem:v12+s22+$0x0], $0xffff;
	[tilespmem:s6+$0x180] =	vst v17;
	v17 =	vor.u32 $0x380, v0;
	v0 =	vmovc v1  }
0x3e0: {  	p0 =	por !p0, !p0;
	s0 =	simm.s32 $0x1;
	v1 =	vor.u32 v16, v15;
	[tilespmem:s13+$0x180] =	vst v19;
	v15 =	vld.idx.msk [tilespmem:v18+s22+$0x0], $0xffff  }
0x3e1: {  	s0 =	simm.s32 @!p0 $0x0;
	v16 =	vshll.u32 v20, $0x3;
	v18 =	vld.idx.msk [tilespmem:v21+s22+$0x0], $0xffff;
	[tilespmem:s15+$0x180] =	vst v13  }
0x3e2: {  	s0 =	sshll.u32 s0, $0x6;
	v13 =	vand.u32 $0x7F, v20;
	v16 =	vand.u32 $0xFFFFFC00, v16;
	v19 =	vld.idx.msk [tilespmem:v11+s22+$0x0], $0xffff;
	v11 =	vor.u32 $0x280, v2  }
0x3e3: {  	s0 =	sadd.s32 s0, s7;
	v20 =	vshll.u32 v14, $0x3;
	v21 =	vshll.u32 v22, $0x3;
	v16 =	vor.u32 v13, v16;
	v23 =	vld.idx.msk [tilespmem:v3+s22+$0x0], $0xffff;
	v3 =	vmovc v10  }
0x3e4: {  	s6 =	sadd.s32 $0x10, s0;
	s13 =	sadd.s32 $0x20, s0;
	s4 =	sadd.s32 $0x30, s0;
	v10 =	vand.u32 $0x7F, v14;
	v13 =	vand.u32 $0xFFFFFC00, v20;
	v14 =	vand.u32 $0xFFFFFC00, v21;
	v17 =	vld.idx.msk [tilespmem:v17+s22+$0x0], $0xffff  }
0x3e5: {  	s11 =	sor.u32 $0x200, s6;
	s12 =	sor.u32 $0x200, s4;
	v10 =	vor.u32 v10, v13;
	v13 =	vand.u32 $0x7F, v22;
	v21 =	vor.u32 $0x280, v0;
	v20 =	vld.idx.msk [tilespmem:v1+s22+$0x0], $0xffff;
	[tilespmem:s10+$0x180] =	vst v12;
	s10 =	sor.u32 $0x200, s13  }
0x3e6: {  	s14 =	sor.u32 $0x200, s0;
	s25 =	sor.u32 $0x280, s6;
	s21 =	sor.u32 $0x280, s13;
	v22 =	vor.u32 $0x80, v10;
	v24 =	vor.u32 $0x100, v10;
	v14 =	vor.u32 v13, v14;
	v25 =	vld.idx.msk [tilespmem:v9+s22+$0x0], $0xffff;
	[tilespmem:s12+$0xC800] =	vst v15  }
0x3e7: {  	s20 =	sor.u32 $0x280, s0;
	s19 =	sor.u32 $0x300, s6;
	v13 =	vor.u32 $0x180, v10;
	v15 =	vor.u32 $0x80, v14;
	v26 =	vor.u32 $0x100, v14;
	[tilespmem:s14+$0xC800] =	vst v18;
	s14 =	sor.u32 $0x300, s13;
	v18 =	vld.idx.msk [tilespmem:v11+s22+$0x0], $0xffff  }
0x3e8: {  	v12 =	vor.u32 $0x180, v14;
	v9 =	vor.u32 $0x200, v14;
	s12 =	sor.u32 $0x300, s0;
	v11 =	vor.u32 $0x200, v10;
	v27 =	vld.idx.msk [tilespmem:v16+s22+$0x0], $0xffff;
	[tilespmem:s11+$0xC800] =	vst v19;
	s11 =	sor.u32 $0x380, s6;
	s6 =	sor.u32 $0x380, s13  }
0x3e9: {  	v29 =	vor.u32 $0x300, v2;
	s0 =	sor.u32 $0x380, s0;
	v19 =	vor.u32 $0x280, v14;
	v28 =	vld.idx.msk [tilespmem:v8+s22+$0x0], $0xffff;
	v8 =	vor.u32 $0x280, v10;
	[tilespmem:s1+$0xC800] =	vst v23;
	s1 =	smov.u32 s6  }
0x3ea: {  	s7 =	sadd.s32 $0x200, s7;
	v32 =	vor.u32 $0x80, v16;
	v30 =	vor.u32 $0x300, v10;
	v31 =	vor.u32 $0x300, v14;
	v23 =	vld.idx.msk [tilespmem:v10+s22+$0x0], $0xffff;
	[tilespmem:s8+$0xC800] =	vst v17;
	s8 =	smov.u32 s0  }
0x3eb: {  	v33 =	vor.u32 $0x380, v10;
	s0 =	sand.u32 $0x3C00, s7;
	v17 =	vor.u32 $0x80, v1;
	v10 =	vor.u32 $0x380, v14;
	v34 =	vld.idx.msk [tilespmem:v14+s22+$0x0], $0xffff  }
0x3ec: {  	s0 =	sadd.s32 $0xC800, s0;
	v35 =	vld.idx.msk [tilespmem:v21+s22+$0x0], $0xffff;
	[tilespmem:s10+$0xC800] =	vst v25;
	s10 =	sor.u32 $0x280, s4  }
0x3ed: {  	s13 =	sor.u32 s16, s0;
	s15 =	sor.u32 s2, s0;
	s6 =	sor.u32 s18, s0;
	v14 =	vld.idx.msk [tilespmem:v7+s22+$0x0], $0xffff;
	[tilespmem:s10+$0xC800] =	vst v18;
	v7 =	vmov v19  }
0x3ee: {  	s10 =	sor.u32 s5, s0;
	[tilespmem:s6+$0x0] =	vst v27;
	v18 =	vld.idx.msk [tilespmem:v29+s22+$0x0], $0xffff  }
0x3ef: {  	[tilespmem:s13+$0x0] =	vst v20;
	v19 =	vld.idx.msk [tilespmem:v32+s22+$0x0], $0xffff  }
0x3f0: {  	v20 =	vor.u32 $0x380, v2;
	v2 =	vmov v16;
	v17 =	vld.idx.msk [tilespmem:v17+s22+$0x0], $0xffff;
	[tilespmem:s15+$0x0] =	vst v23  }
0x3f1: {  	v21 =	vor.u32 $0x100, v2;
	v16 =	vld.idx.msk [tilespmem:v22+s22+$0x0], $0xffff;
	[tilespmem:s10+$0x0] =	vst v34  }
0x3f2: {  	v22 =	vor.u32 $0x100, v1;
	v15 =	vld.idx.msk [tilespmem:v15+s22+$0x0], $0xffff;
	[tilespmem:s25+$0xC800] =	vst v28  }
0x3f3: {  	s0 =	sor.u32 $0x300, s4;
	v23 =	vld.idx.msk [tilespmem:v6+s22+$0x0], $0xffff;
	[tilespmem:s21+$0xC800] =	vst v14;
	v6 =	vmov v30  }
0x3f4: {  	v14 =	vld.idx.msk [tilespmem:v5+s22+$0x0], $0xffff;
	[tilespmem:s0+$0xC800] =	vst v18;
	v5 =	vmov v31  }
0x3f5: {  	v25 =	vor.u32 $0x300, v0;
	[tilespmem:s6+$0x80] =	vst v19;
	v27 =	vld.idx.msk [tilespmem:v20+s22+$0x0], $0xffff  }
0x3f6: {  	[tilespmem:s13+$0x80] =	vst v17;
	v19 =	vld.idx.msk [tilespmem:v21+s22+$0x0], $0xffff  }
.Ltmp8:
0x3f7: {  	v17 =	vld.idx.msk [tilespmem:v22+s22+$0x0], $0xffff;
	[tilespmem:s15+$0x80] =	vst v16;
	(pc) =	sbr.rel @p1 .LBB2_17-.Ltmp8, $4  }
0x3f8: {  	v22 =	vor.u32 $0x180, v2;
	v18 =	vld.idx.msk [tilespmem:v24+s22+$0x0], $0xffff;
	[tilespmem:s10+$0x80] =	vst v15  }
0x3f9: {  	v21 =	vor.u32 $0x180, v1;
	v20 =	vld.idx.msk [tilespmem:v26+s22+$0x0], $0xffff;
	[tilespmem:s20+$0xC800] =	vst v35  }
0x3fa: {  	s0 =	sor.u32 $0x380, s4;
	v15 =	vld.idx.msk [tilespmem:v25+s22+$0x0], $0xffff;
	[tilespmem:s19+$0xC800] =	vst v23  }
0x3fb: {  	s17 =	sadd.s32 $0x40, s17;
	v16 =	vld.idx.msk [tilespmem:v4+s22+$0x0], $0xffff;
	[tilespmem:s0+$0xC800] =	vst v27;
	v4 =	vmov v33  }
0x3fc: {  	_ =	sdelay $0x2  }
0x3fd: {  	[tilespmem:s6+$0x100] =	vst v19  }
0x3fe: {  	v19 =	vld.idx.msk [tilespmem:v22+s22+$0x0], $0xffff;
	[tilespmem:s15+$0x100] =	vst v18  }
0x3ff: {  	[tilespmem:s13+$0x100] =	vst v17;
	v18 =	vor.u32 $0x200, v2;
	v13 =	vld.idx.msk [tilespmem:v13+s22+$0x0], $0xffff  }
0x400: {  	v17 =	vld.idx.msk [tilespmem:v21+s22+$0x0], $0xffff;
	[tilespmem:s10+$0x100] =	vst v20  }
0x401: {  	v20 =	vor.u32 $0x200, v1;
	v12 =	vld.idx.msk [tilespmem:v12+s22+$0x0], $0xffff;
	_ =	sdelay $0x1  }
0x402: {  	p0 =	por !p0, !p0;
	s0 =	simm.s32 $0x1;
	[tilespmem:s6+$0x180] =	vst v19  }
0x403: {  	s0 =	simm.s32 @!p0 $0x0;
	v18 =	vld.idx.msk [tilespmem:v18+s22+$0x0], $0xffff;
	[tilespmem:s15+$0x180] =	vst v13  }
0x404: {  	s0 =	sshll.u32 s0, $0x6;
	[tilespmem:s13+$0x180] =	vst v17;
	v13 =	vor.u32 $0x280, v2;
	v11 =	vld.idx.msk [tilespmem:v11+s22+$0x0], $0xffff  }
0x405: {  	s0 =	sadd.s32 s0, s7;
	[tilespmem:s10+$0x180] =	vst v12;
	v12 =	vld.idx.msk [tilespmem:v20+s22+$0x0], $0xffff  }
0x406: {  	s2 =	sadd.s32 $0x30, s0;
	v17 =	vor.u32 $0x280, v1;
	v9 =	vld.idx.msk [tilespmem:v9+s22+$0x0], $0xffff  }
0x407: {  	s3 =	sadd.s32 $0x10, s0;
	s4 =	sor.u32 $0x200, s2  }
0x408: {  	s30 =	sor.u32 $0x200, s3;
	[tilespmem:s4+$0xC800] =	vst v18  }
0x409: {  	s5 =	sadd.s32 $0x20, s0;
	s7 =	sor.u32 $0x200, s0;
	v13 =	vld.idx.msk [tilespmem:v13+s22+$0x0], $0xffff;
	[tilespmem:s30+$0xC800] =	vst v11  }
0x40a: {  	s31 =	sor.u32 $0x200, s5;
	v11 =	vor.u32 $0x300, v2;
	[tilespmem:s7+$0xC800] =	vst v12;
	v8 =	vld.idx.msk [tilespmem:v8+s22+$0x0], $0xffff  }
0x40b: {  	[tilespmem:s31+$0xC800] =	vst v9;
	v9 =	vld.idx.msk [tilespmem:v17+s22+$0x0], $0xffff  }
0x40c: {  	v12 =	vor.u32 $0x300, v1;
	v7 =	vld.idx.msk [tilespmem:v7+s22+$0x0], $0xffff  }
0x40d: {  	[tilespmem:s14+$0xC800] =	vst v14;
	s9 =	sor.u32 $0x280, s2  }
0x40e: {  	s10 =	sor.u32 $0x280, s3;
	[tilespmem:s9+$0xC800] =	vst v13  }
0x40f: {  	v0 =	vor.u32 $0x380, v0;
	s14 =	sor.u32 $0x280, s0;
	v11 =	vld.idx.msk [tilespmem:v11+s22+$0x0], $0xffff;
	[tilespmem:s10+$0xC800] =	vst v8  }
0x410: {  	s13 =	sor.u32 $0x280, s5;
	v2 =	vor.u32 $0x380, v2;
	[tilespmem:s14+$0xC800] =	vst v9;
	v6 =	vld.idx.msk [tilespmem:v6+s22+$0x0], $0xffff  }
0x411: {  	[tilespmem:s13+$0xC800] =	vst v7;
	v7 =	vld.idx.msk [tilespmem:v12+s22+$0x0], $0xffff  }
0x412: {  	[tilespmem:s12+$0xC800] =	vst v15;
	v1 =	vor.u32 $0x380, v1;
	v5 =	vld.idx.msk [tilespmem:v5+s22+$0x0], $0xffff  }
0x413: {  	v3 =	vld.idx.msk [tilespmem:v3+s22+$0x0], $0xffff;
	[tilespmem:s11+$0xC800] =	vst v16;
	s15 =	sor.u32 $0x300, s2  }
0x414: {  	v0 =	vld.idx.msk [tilespmem:v0+s22+$0x0], $0xffff;
	s16 =	sor.u32 $0x300, s3;
	[tilespmem:s15+$0xC800] =	vst v11  }
0x415: {  	s18 =	sor.u32 $0x300, s0;
	v2 =	vld.idx.msk [tilespmem:v2+s22+$0x0], $0xffff;
	[tilespmem:s16+$0xC800] =	vst v6  }
0x416: {  	s17 =	sor.u32 $0x300, s5;
	[tilespmem:s18+$0xC800] =	vst v7;
	v4 =	vld.idx.msk [tilespmem:v4+s22+$0x0], $0xffff  }
0x417: {  	[tilespmem:s17+$0xC800] =	vst v5;
	v1 =	vld.idx.msk [tilespmem:v1+s22+$0x0], $0xffff  }
0x418: {  	[tilespmem:s1+$0xC800] =	vst v3;
	v5 =	vld.idx.msk [tilespmem:v10+s22+$0x0], $0xffff  }
0x419: {  	s19 =	sor.u32 $0x380, s2;
	[tilespmem:s8+$0xC800] =	vst v0  }
0x41a: {  	s20 =	sor.u32 $0x380, s3;
	[tilespmem:s19+$0xC800] =	vst v2  }
0x41b: {  	s0 =	sor.u32 $0x380, s0;
	[tilespmem:s20+$0xC800] =	vst v4  }
0x41c: {  	s21 =	sor.u32 $0x380, s5;
	[tilespmem:s0+$0xC800] =	vst v1  }
0x41d: {  	s25 =	simm.s32 $0x0;
	[tilespmem:s21+$0xC800] =	vst v5  }
0x41e: {  	s28 =	simm.s32 $0xC800;
	s29 =	simm.s32 $0x2;
	s1 =	rddreg [dreg:$0x10]  }
0x41f: {  	[hbm4b:s1+s25] =	stream.linear.scatter [tilespmem:s28], [sflag:$0x4], $0x4000, $0x38;
	[tilespmem:$0x14800] =	vst v63  }
0x420: {  	_ =	swait.ge [sflag:s29], $0x4000  }
0x421: {  	[sflag:s29] =	ssyncset.done $0x0  }
0x422: {  	s30 =	simm.s32 $0x5;
	[sflag:s29] =	ssyncadd.s32 $0xFFFFC000  }
0x423: {  	s31 =	sand.u32 $0x40, s25;
	_ =	swait.ge [sflag:s30], $0x4000  }
0x424: {  	s3 =	sand.u32 $0x780, s25;
	s5 =	sor.u32 $0x30, s31;
	[sflag:s30] =	ssyncset.done $0x0  }
0x425: {  	s6 =	sor.u32 s5, s3;
	[sflag:s30] =	ssyncadd.s32 $0xFFFFC000  }
0x426: {  	v0 =	vld [tilespmem:s6+$0x0]  }
0x427: {  	s7 =	sor.u32 $0x10, s31;
	v1 =	vld [tilespmem:s25+$0x0]  }
0x428: {  	s8 =	sor.u32 $0x20, s31;
	s10 =	sor.u32 s7, s3  }
0x429: {  	s2 =	sor.u32 s8, s3;
	v2 =	vld [tilespmem:s10+$0x0]  }
0x42a: {  	v3 =	vld [tilespmem:s2+$0x0]  }
0x42b: {  	v4 =	vshll.u32 v0, $0x3  }
0x42c: {  	v5 =	vshll.u32 v1, $0x3;
	v0 =	vand.u32 $0x7F, v0;
	v4 =	vand.u32 $0xFFFFFC00, v4  }
0x42d: {  	v1 =	vand.u32 $0x7F, v1;
	v6 =	vand.u32 $0xFFFFFC00, v5;
	v5 =	vor.u32 v0, v4  }
0x42e: {  	v0 =	vor.u32 v1, v6;
	v1 =	vshll.u32 v2, $0x3  }
0x42f: {  	v4 =	vshll.u32 v3, $0x3;
	v2 =	vand.u32 $0x7F, v2;
	v1 =	vand.u32 $0xFFFFFC00, v1  }
0x430: {  	v6 =	vand.u32 $0xFFFFFC00, v4;
	v4 =	vor.u32 v2, v1;
	v1 =	vand.u32 $0x7F, v3  }
0x431: {  	v3 =	vor.u32 v1, v6  }
0x432: {  	v1 =	vld.idx.msk [tilespmem:v5+s23+$0x0], $0xffff  }
0x433: {  	v6 =	vor.u32 $0x80, v5;
	v2 =	vld.idx.msk [tilespmem:v0+s23+$0x0], $0xffff  }
0x434: {  	s0 =	sand.u32 $0x3C00, s25;
	v7 =	vor.u32 $0x80, v0  }
0x435: {  	s0 =	sadd.s32 $0x10800, s0;
	v8 =	vld.idx.msk [tilespmem:v4+s23+$0x0], $0xffff  }
0x436: {  	s11 =	sor.u32 s5, s0;
	v9 =	vor.u32 $0x80, v4;
	v10 =	vld.idx.msk [tilespmem:v3+s23+$0x0], $0xffff  }
0x437: {  	s1 =	sor.u32 s31, s0;
	v11 =	vor.u32 $0x80, v3;
	[tilespmem:s11+$0x0] =	vst v1  }
0x438: {  	[tilespmem:s1+$0x0] =	vst v2;
	v1 =	vld.idx.msk [tilespmem:v6+s23+$0x0], $0xffff  }
0x439: {  	s9 =	sor.u32 s7, s0;
	v2 =	vld.idx.msk [tilespmem:v7+s23+$0x0], $0xffff;
	v6 =	vor.u32 $0x100, v5  }
0x43a: {  	s12 =	sor.u32 s8, s0;
	v7 =	vor.u32 $0x100, v0;
	[tilespmem:s9+$0x0] =	vst v8  }
0x43b: {  	v8 =	vld.idx.msk [tilespmem:v9+s23+$0x0], $0xffff;
	[tilespmem:s12+$0x0] =	vst v10  }
0x43c: {  	v9 =	vor.u32 $0x100, v4;
	v10 =	vld.idx.msk [tilespmem:v11+s23+$0x0], $0xffff  }
0x43d: {  	v11 =	vor.u32 $0x100, v3;
	[tilespmem:s11+$0x80] =	vst v1  }
0x43e: {  	[tilespmem:s1+$0x80] =	vst v2;
	v1 =	vld.idx.msk [tilespmem:v6+s23+$0x0], $0xffff  }
0x43f: {  	v2 =	vld.idx.msk [tilespmem:v7+s23+$0x0], $0xffff;
	v6 =	vor.u32 $0x180, v5  }
0x440: {  	v7 =	vor.u32 $0x180, v0;
	[tilespmem:s9+$0x80] =	vst v8  }
0x441: {  	v8 =	vld.idx.msk [tilespmem:v9+s23+$0x0], $0xffff;
	[tilespmem:s12+$0x80] =	vst v10  }
0x442: {  	s3 =	simm.s32 $0x40;
	v9 =	vor.u32 $0x180, v4;
	v10 =	vld.idx.msk [tilespmem:v11+s23+$0x0], $0xffff  }
0x443: {  	s13 =	sand.u32 $0x40, s3;
	v11 =	vld [tilespmem:s3+$0x0];
	[tilespmem:s11+$0x100] =	vst v1  }
0x444: {  	s14 =	sand.u32 $0x780, s3;
	s15 =	sor.u32 $0x30, s13;
	[tilespmem:s1+$0x100] =	vst v2;
	v1 =	vld.idx.msk [tilespmem:v6+s23+$0x0], $0xffff  }
0x445: {  	s21 =	sor.u32 s15, s14;
	v2 =	vor.u32 $0x180, v3;
	v6 =	vld.idx.msk [tilespmem:v7+s23+$0x0], $0xffff  }
0x446: {  	s25 =	sor.u32 $0x10, s13;
	v7 =	vor.u32 $0x200, v5;
	[tilespmem:s9+$0x100] =	vst v8;
	v8 =	vld [tilespmem:s21+$0x0]  }
0x447: {  	s28 =	sor.u32 $0x20, s13;
	s29 =	sor.u32 s25, s14;
	v9 =	vld.idx.msk [tilespmem:v9+s23+$0x0], $0xffff  }
0x448: {  	s0 =	sor.u32 s28, s14;
	v13 =	vld [tilespmem:s29+$0x0];
	v12 =	vor.u32 $0x200, v4;
	v14 =	vshll.u32 v11, $0x3  }
0x449: {  	v15 =	vld [tilespmem:s0+$0x0];
	[tilespmem:s12+$0x100] =	vst v10;
	v10 =	vor.u32 $0x200, v0;
	v11 =	vand.u32 $0x7F, v11;
	v14 =	vand.u32 $0xFFFFFC00, v14  }
0x44a: {  	p0 =	por $0x0, $0x0;
	s0 =	simm.s32 $0x1;
	v16 =	vld.idx.msk [tilespmem:v2+s23+$0x0], $0xffff;
	[tilespmem:s11+$0x180] =	vst v1;
	v1 =	vor.u32 v11, v14  }
0x44b: {  	s0 =	simm.s32 @!p0 $0x0;
	v11 =	vor.u32 $0x200, v3;
	v7 =	vld.idx.msk [tilespmem:v7+s23+$0x0], $0xffff;
	v2 =	vshll.u32 v8, $0x3  }
0x44c: {  	s0 =	sshll.u32 s0, $0x6;
	v8 =	vand.u32 $0x7F, v8;
	[tilespmem:s9+$0x180] =	vst v9;
	v2 =	vand.u32 $0xFFFFFC00, v2;
	v9 =	vor.u32 $0x280, v5  }
0x44d: {  	s2 =	sadd.s32 $0x0, s0;
	v14 =	vor.u32 $0x280, v4;
	[tilespmem:s1+$0x180] =	vst v6;
	v6 =	vld.idx.msk [tilespmem:v12+s23+$0x0], $0xffff;
	v12 =	vshll.u32 v13, $0x3;
	v2 =	vor.u32 v8, v2  }
0x44e: {  	s1 =	sadd.s32 $0x30, s2;
	v8 =	vld.idx.msk [tilespmem:v10+s23+$0x0], $0xffff;
	v10 =	vshll.u32 v15, $0x3;
	v13 =	vand.u32 $0x7F, v13;
	v12 =	vand.u32 $0xFFFFFC00, v12  }
0x44f: {  	s30 =	sor.u32 $0x200, s1;
	v10 =	vand.u32 $0xFFFFFC00, v10;
	[tilespmem:s12+$0x180] =	vst v16;
	v17 =	vld.idx.msk [tilespmem:v1+s23+$0x0], $0xffff;
	v21 =	vor.u32 v13, v12;
	v12 =	vand.u32 $0x7F, v15  }
0x450: {  	s31 =	sadd.s32 $0x10, s2;
	v11 =	vld.idx.msk [tilespmem:v11+s23+$0x0], $0xffff;
	v10 =	vor.u32 v12, v10;
	[tilespmem:s30+$0x10800] =	vst v7  }
0x451: {  	s16 =	sor.u32 $0x200, s31;
	v7 =	vor.u32 $0x280, v0;
	v9 =	vld.idx.msk [tilespmem:v9+s23+$0x0], $0xffff  }
0x452: {  	s7 =	simm.s32 $0x200;
	s17 =	sor.u32 $0x200, s2;
	v12 =	vor.u32 $0x280, v3;
	v13 =	vld.idx.msk [tilespmem:v2+s23+$0x0], $0xffff;
	[tilespmem:s16+$0x10800] =	vst v6  }
0x453: {  	s19 =	sand.u32 $0x3C00, s7;
	s16 =	sadd.s32 $0x20, s2;
	[tilespmem:s17+$0x10800] =	vst v8;
	v8 =	vor.u32 $0x80, v1;
	v6 =	vld.idx.msk [tilespmem:v14+s23+$0x0], $0xffff  }
0x454: {  	s0 =	sadd.s32 $0x10800, s19;
	v14 =	vor.u32 $0x300, v5;
	s18 =	sor.u32 $0x200, s16;
	v15 =	vld.idx.msk [tilespmem:v21+s23+$0x0], $0xffff  }
0x455: {  	s13 =	sor.u32 s13, s0;
	v16 =	vor.u32 $0x80, v2;
	[tilespmem:s18+$0x10800] =	vst v11;
	v18 =	vld.idx.msk [tilespmem:v10+s23+$0x0], $0xffff  }
0x456: {  	s20 =	sor.u32 $0x280, s1;
	v19 =	vor.u32 $0x80, v21;
	[tilespmem:s13+$0x0] =	vst v17;
	v22 =	vld.idx.msk [tilespmem:v7+s23+$0x0], $0xffff  }
0x457: {  	s6 =	sor.u32 s15, s0;
	v7 =	vor.u32 $0x80, v10;
	v11 =	vld.idx.msk [tilespmem:v12+s23+$0x0], $0xffff;
	[tilespmem:s20+$0x10800] =	vst v9  }
0x458: {  	s21 =	sor.u32 $0x280, s31;
	v9 =	vor.u32 $0x300, v4;
	[tilespmem:s6+$0x0] =	vst v13;
	v8 =	vld.idx.msk [tilespmem:v8+s23+$0x0], $0xffff  }
0x459: {  	s15 =	sor.u32 s25, s0;
	v13 =	vor.u32 $0x300, v3;
	v12 =	vld.idx.msk [tilespmem:v14+s23+$0x0], $0xffff;
	[tilespmem:s21+$0x10800] =	vst v6  }
0x45a: {  	s10 =	sor.u32 s28, s0;
	v5 =	vor.u32 $0x380, v5;
	v16 =	vld.idx.msk [tilespmem:v16+s23+$0x0], $0xffff;
	[tilespmem:s15+$0x0] =	vst v15  }
0x45b: {  	s25 =	sor.u32 $0x280, s16;
	v17 =	vor.u32 $0x100, v2;
	v15 =	vld.idx.msk [tilespmem:v19+s23+$0x0], $0xffff;
	[tilespmem:s10+$0x0] =	vst v18  }
0x45c: {  	s29 =	sor.u32 $0x280, s2;
	v18 =	vor.u32 $0x100, v1;
	[tilespmem:s25+$0x10800] =	vst v11;
	v7 =	vld.idx.msk [tilespmem:v7+s23+$0x0], $0xffff  }
0x45d: {  	s28 =	sor.u32 $0x300, s1;
	v6 =	vor.u32 $0x100, v21;
	[tilespmem:s29+$0x10800] =	vst v22;
	v23 =	vld.idx.msk [tilespmem:v9+s23+$0x0], $0xffff  }
0x45e: {  	v20 =	vor.u32 $0x100, v10;
	v14 =	vld.idx.msk [tilespmem:v13+s23+$0x0], $0xffff;
	[tilespmem:s28+$0x10800] =	vst v12  }
0x45f: {  	[tilespmem:s6+$0x80] =	vst v16;
	v16 =	vor.u32 $0x300, v0;
	v24 =	vld.idx.msk [tilespmem:v5+s23+$0x0], $0xffff  }
0x460: {  	v25 =	vor.u32 $0x380, v4;
	[tilespmem:s13+$0x80] =	vst v8;
	v19 =	vld.idx.msk [tilespmem:v17+s23+$0x0], $0xffff  }
0x461: {  	v4 =	vor.u32 $0x380, v21;
	v17 =	vld.idx.msk [tilespmem:v18+s23+$0x0], $0xffff;
	[tilespmem:s15+$0x80] =	vst v15  }
0x462: {  	v11 =	vor.u32 $0x200, v21;
	v22 =	vor.u32 $0x180, v2;
	v13 =	vor.u32 $0x180, v21;
	v18 =	vld.idx.msk [tilespmem:v6+s23+$0x0], $0xffff;
	[tilespmem:s10+$0x80] =	vst v7  }
0x463: {  	s8 =	sor.u32 $0x380, s2;
	s11 =	sor.u32 $0x380, s31;
	s30 =	sor.u32 $0x300, s31;
	v8 =	vor.u32 $0x280, v21;
	v6 =	vor.u32 $0x300, v21;
	v21 =	vor.u32 $0x180, v1;
	v20 =	vld.idx.msk [tilespmem:v20+s23+$0x0], $0xffff  }
0x464: {  	s9 =	simm.s32 $0x4;
	s12 =	sor.u32 $0x300, s2;
	s31 =	sor.u32 $0x380, s1;
	v3 =	vor.u32 $0x380, v3;
	v9 =	vor.u32 $0x200, v10;
	v12 =	vor.u32 $0x180, v10;
	[tilespmem:s30+$0x10800] =	vst v23;
	v15 =	vld.idx.msk [tilespmem:v16+s23+$0x0], $0xffff  }
0x465: {  	s17 =	simm.s32 $0x80;
	s14 =	sor.u32 $0x300, s16;
	s1 =	sor.u32 $0x380, s16;
	v5 =	vor.u32 $0x300, v10;
	v7 =	vor.u32 $0x280, v10;
	v10 =	vor.u32 $0x380, v10;
	v16 =	vld.idx.msk [tilespmem:v25+s23+$0x0], $0xffff;
	[tilespmem:s31+$0x10800] =	vst v24  }
.LBB2_19:
0x466: {  	v23 =	vld [tilespmem:s17+$0x0];
	[tilespmem:s6+$0x100] =	vst v19;
	s3 =	sadd.s32 $0x40, s3  }
0x467: {  	s9 =	sadd.s32 $0x4, s9;
	s16 =	sand.u32 $0x40, s3;
	[tilespmem:s13+$0x100] =	vst v17;
	v17 =	vld.idx.msk [tilespmem:v22+s23+$0x0], $0xffff  }
0x468: {  	s0 =	sand.u32 $0x780, s3;
	p1 =	slt.u32 s9, $0x7C;
	s18 =	sor.u32 $0x30, s16;
	v19 =	vld.idx.msk [tilespmem:v21+s23+$0x0], $0xffff;
	[tilespmem:s15+$0x100] =	vst v18  }
0x469: {  	s2 =	sor.u32 $0x10, s16;
	s5 =	sor.u32 $0x20, s16;
	v18 =	vor.u32 $0x200, v2;
	s4 =	sor.u32 s18, s0;
	v13 =	vld.idx.msk [tilespmem:v13+s23+$0x0], $0xffff;
	[tilespmem:s10+$0x100] =	vst v20  }
0x46a: {  	v21 =	vor.u32 $0x200, v1;
	s19 =	sor.u32 s2, s0;
	s0 =	sor.u32 s5, s0;
	v20 =	vld [tilespmem:s4+$0x0];
	[tilespmem:s14+$0x10800] =	vst v14  }
0x46b: {  	v14 =	vld [tilespmem:s19+$0x0];
	[tilespmem:s12+$0x10800] =	vst v15  }
0x46c: {  	v15 =	vshll.u32 v23, $0x3;
	v22 =	vld [tilespmem:s0+$0x0];
	[tilespmem:s11+$0x10800] =	vst v16  }
0x46d: {  	v16 =	vand.u32 $0x7F, v23;
	v15 =	vand.u32 $0xFFFFFC00, v15;
	v12 =	vld.idx.msk [tilespmem:v12+s23+$0x0], $0xffff;
	[tilespmem:s6+$0x180] =	vst v17;
	v17 =	vor.u32 $0x380, v0;
	v0 =	vmovc v1  }
0x46e: {  	p0 =	por !p0, !p0;
	s0 =	simm.s32 $0x1;
	v1 =	vor.u32 v16, v15;
	[tilespmem:s13+$0x180] =	vst v19;
	v15 =	vld.idx.msk [tilespmem:v18+s23+$0x0], $0xffff  }
0x46f: {  	s0 =	simm.s32 @!p0 $0x0;
	v16 =	vshll.u32 v20, $0x3;
	v18 =	vld.idx.msk [tilespmem:v21+s23+$0x0], $0xffff;
	[tilespmem:s15+$0x180] =	vst v13  }
0x470: {  	s0 =	sshll.u32 s0, $0x6;
	v13 =	vand.u32 $0x7F, v20;
	v16 =	vand.u32 $0xFFFFFC00, v16;
	v19 =	vld.idx.msk [tilespmem:v11+s23+$0x0], $0xffff;
	v11 =	vor.u32 $0x280, v2  }
0x471: {  	s0 =	sadd.s32 s0, s7;
	v20 =	vshll.u32 v14, $0x3;
	v21 =	vshll.u32 v22, $0x3;
	v16 =	vor.u32 v13, v16;
	v23 =	vld.idx.msk [tilespmem:v3+s23+$0x0], $0xffff;
	v3 =	vmovc v10  }
0x472: {  	s6 =	sadd.s32 $0x10, s0;
	s13 =	sadd.s32 $0x20, s0;
	s4 =	sadd.s32 $0x30, s0;
	v10 =	vand.u32 $0x7F, v14;
	v13 =	vand.u32 $0xFFFFFC00, v20;
	v14 =	vand.u32 $0xFFFFFC00, v21;
	v17 =	vld.idx.msk [tilespmem:v17+s23+$0x0], $0xffff  }
0x473: {  	s11 =	sor.u32 $0x200, s6;
	s12 =	sor.u32 $0x200, s4;
	v10 =	vor.u32 v10, v13;
	v13 =	vand.u32 $0x7F, v22;
	v21 =	vor.u32 $0x280, v0;
	v20 =	vld.idx.msk [tilespmem:v1+s23+$0x0], $0xffff;
	[tilespmem:s10+$0x180] =	vst v12;
	s10 =	sor.u32 $0x200, s13  }
0x474: {  	s14 =	sor.u32 $0x200, s0;
	s25 =	sor.u32 $0x280, s6;
	s21 =	sor.u32 $0x280, s13;
	v22 =	vor.u32 $0x80, v10;
	v24 =	vor.u32 $0x100, v10;
	v14 =	vor.u32 v13, v14;
	v25 =	vld.idx.msk [tilespmem:v9+s23+$0x0], $0xffff;
	[tilespmem:s12+$0x10800] =	vst v15  }
0x475: {  	s20 =	sor.u32 $0x280, s0;
	s19 =	sor.u32 $0x300, s6;
	v13 =	vor.u32 $0x180, v10;
	v15 =	vor.u32 $0x80, v14;
	v26 =	vor.u32 $0x100, v14;
	[tilespmem:s14+$0x10800] =	vst v18;
	s14 =	sor.u32 $0x300, s13;
	v18 =	vld.idx.msk [tilespmem:v11+s23+$0x0], $0xffff  }
0x476: {  	v12 =	vor.u32 $0x180, v14;
	v9 =	vor.u32 $0x200, v14;
	s12 =	sor.u32 $0x300, s0;
	v11 =	vor.u32 $0x200, v10;
	v27 =	vld.idx.msk [tilespmem:v16+s23+$0x0], $0xffff;
	[tilespmem:s11+$0x10800] =	vst v19;
	s11 =	sor.u32 $0x380, s6;
	s6 =	sor.u32 $0x380, s13  }
0x477: {  	v29 =	vor.u32 $0x300, v2;
	s0 =	sor.u32 $0x380, s0;
	v19 =	vor.u32 $0x280, v14;
	v28 =	vld.idx.msk [tilespmem:v8+s23+$0x0], $0xffff;
	v8 =	vor.u32 $0x280, v10;
	[tilespmem:s1+$0x10800] =	vst v23;
	s1 =	smov.u32 s6  }
0x478: {  	s7 =	sadd.s32 $0x200, s7;
	v32 =	vor.u32 $0x80, v16;
	v30 =	vor.u32 $0x300, v10;
	v31 =	vor.u32 $0x300, v14;
	v23 =	vld.idx.msk [tilespmem:v10+s23+$0x0], $0xffff;
	[tilespmem:s8+$0x10800] =	vst v17;
	s8 =	smov.u32 s0  }
0x479: {  	v33 =	vor.u32 $0x380, v10;
	s0 =	sand.u32 $0x3C00, s7;
	v17 =	vor.u32 $0x80, v1;
	v10 =	vor.u32 $0x380, v14;
	v34 =	vld.idx.msk [tilespmem:v14+s23+$0x0], $0xffff  }
0x47a: {  	s0 =	sadd.s32 $0x10800, s0;
	v35 =	vld.idx.msk [tilespmem:v21+s23+$0x0], $0xffff;
	[tilespmem:s10+$0x10800] =	vst v25;
	s10 =	sor.u32 $0x280, s4  }
0x47b: {  	s13 =	sor.u32 s16, s0;
	s15 =	sor.u32 s2, s0;
	s6 =	sor.u32 s18, s0;
	v14 =	vld.idx.msk [tilespmem:v7+s23+$0x0], $0xffff;
	[tilespmem:s10+$0x10800] =	vst v18;
	v7 =	vmov v19  }
0x47c: {  	s10 =	sor.u32 s5, s0;
	[tilespmem:s6+$0x0] =	vst v27;
	v18 =	vld.idx.msk [tilespmem:v29+s23+$0x0], $0xffff  }
0x47d: {  	[tilespmem:s13+$0x0] =	vst v20;
	v19 =	vld.idx.msk [tilespmem:v32+s23+$0x0], $0xffff  }
0x47e: {  	v20 =	vor.u32 $0x380, v2;
	v2 =	vmov v16;
	v17 =	vld.idx.msk [tilespmem:v17+s23+$0x0], $0xffff;
	[tilespmem:s15+$0x0] =	vst v23  }
0x47f: {  	v21 =	vor.u32 $0x100, v2;
	v16 =	vld.idx.msk [tilespmem:v22+s23+$0x0], $0xffff;
	[tilespmem:s10+$0x0] =	vst v34  }
0x480: {  	v22 =	vor.u32 $0x100, v1;
	v15 =	vld.idx.msk [tilespmem:v15+s23+$0x0], $0xffff;
	[tilespmem:s25+$0x10800] =	vst v28  }
0x481: {  	s0 =	sor.u32 $0x300, s4;
	v23 =	vld.idx.msk [tilespmem:v6+s23+$0x0], $0xffff;
	[tilespmem:s21+$0x10800] =	vst v14;
	v6 =	vmov v30  }
0x482: {  	v14 =	vld.idx.msk [tilespmem:v5+s23+$0x0], $0xffff;
	[tilespmem:s0+$0x10800] =	vst v18;
	v5 =	vmov v31  }
0x483: {  	v25 =	vor.u32 $0x300, v0;
	[tilespmem:s6+$0x80] =	vst v19;
	v27 =	vld.idx.msk [tilespmem:v20+s23+$0x0], $0xffff  }
0x484: {  	[tilespmem:s13+$0x80] =	vst v17;
	v19 =	vld.idx.msk [tilespmem:v21+s23+$0x0], $0xffff  }
.Ltmp9:
0x485: {  	v17 =	vld.idx.msk [tilespmem:v22+s23+$0x0], $0xffff;
	[tilespmem:s15+$0x80] =	vst v16;
	(pc) =	sbr.rel @p1 .LBB2_19-.Ltmp9, $4  }
0x486: {  	v22 =	vor.u32 $0x180, v2;
	v18 =	vld.idx.msk [tilespmem:v24+s23+$0x0], $0xffff;
	[tilespmem:s10+$0x80] =	vst v15  }
0x487: {  	v21 =	vor.u32 $0x180, v1;
	v20 =	vld.idx.msk [tilespmem:v26+s23+$0x0], $0xffff;
	[tilespmem:s20+$0x10800] =	vst v35  }
0x488: {  	s0 =	sor.u32 $0x380, s4;
	v15 =	vld.idx.msk [tilespmem:v25+s23+$0x0], $0xffff;
	[tilespmem:s19+$0x10800] =	vst v23  }
0x489: {  	s17 =	sadd.s32 $0x40, s17;
	v16 =	vld.idx.msk [tilespmem:v4+s23+$0x0], $0xffff;
	[tilespmem:s0+$0x10800] =	vst v27;
	v4 =	vmov v33  }
0x48a: {  	_ =	sdelay $0x2  }
0x48b: {  	[tilespmem:s6+$0x100] =	vst v19  }
0x48c: {  	[tilespmem:s13+$0x100] =	vst v17;
	v19 =	vld.idx.msk [tilespmem:v22+s23+$0x0], $0xffff  }
0x48d: {  	v53 =	vor.u32 $0x200, v2;
	[tilespmem:s15+$0x100] =	vst v18;
	v17 =	vld.idx.msk [tilespmem:v21+s23+$0x0], $0xffff  }
0x48e: {  	v54 =	vor.u32 $0x200, v1;
	v13 =	vld.idx.msk [tilespmem:v13+s23+$0x0], $0xffff;
	[tilespmem:s10+$0x100] =	vst v20  }
0x48f: {  	v12 =	vld.idx.msk [tilespmem:v12+s23+$0x0], $0xffff;
	_ =	sdelay $0x1  }
0x490: {  	p0 =	por !p0, !p0;
	s0 =	simm.s32 $0x1;
	[tilespmem:s6+$0x180] =	vst v19  }
0x491: {  	s0 =	simm.s32 @!p0 $0x0;
	[tilespmem:s13+$0x180] =	vst v17;
	v18 =	vld.idx.msk [tilespmem:v53+s23+$0x0], $0xffff  }
0x492: {  	v55 =	vor.u32 $0x280, v2;
	s0 =	sshll.u32 s0, $0x6;
	[tilespmem:s15+$0x180] =	vst v13;
	v56 =	vld.idx.msk [tilespmem:v54+s23+$0x0], $0xffff  }
0x493: {  	v57 =	vor.u32 $0x280, v1;
	s0 =	sadd.s32 s0, s7;
	v11 =	vld.idx.msk [tilespmem:v11+s23+$0x0], $0xffff;
	[tilespmem:s10+$0x180] =	vst v12  }
0x494: {  	s2 =	sadd.s32 $0x30, s0;
	v9 =	vld.idx.msk [tilespmem:v9+s23+$0x0], $0xffff  }
0x495: {  	s4 =	sor.u32 $0x200, s2  }
0x496: {  	s3 =	sadd.s32 $0x10, s0;
	s7 =	sor.u32 $0x200, s0;
	[tilespmem:s4+$0x10800] =	vst v18  }
0x497: {  	s5 =	sadd.s32 $0x20, s0;
	s30 =	sor.u32 $0x200, s3;
	[tilespmem:s7+$0x10800] =	vst v56;
	v13 =	vld.idx.msk [tilespmem:v55+s23+$0x0], $0xffff  }
0x498: {  	v58 =	vor.u32 $0x300, v2;
	s31 =	sor.u32 $0x200, s5;
	[tilespmem:s30+$0x10800] =	vst v11;
	v59 =	vld.idx.msk [tilespmem:v57+s23+$0x0], $0xffff  }
0x499: {  	v60 =	vor.u32 $0x300, v1;
	v8 =	vld.idx.msk [tilespmem:v8+s23+$0x0], $0xffff;
	[tilespmem:s31+$0x10800] =	vst v9  }
0x49a: {  	v7 =	vld.idx.msk [tilespmem:v7+s23+$0x0], $0xffff  }
0x49b: {  	[tilespmem:s14+$0x10800] =	vst v14;
	s9 =	sor.u32 $0x280, s2  }
0x49c: {  	s14 =	sor.u32 $0x280, s0;
	[tilespmem:s9+$0x10800] =	vst v13  }
0x49d: {  	v0 =	vor.u32 $0x380, v0;
	s10 =	sor.u32 $0x280, s3;
	[tilespmem:s14+$0x10800] =	vst v59;
	v11 =	vld.idx.msk [tilespmem:v58+s23+$0x0], $0xffff  }
0x49e: {  	v61 =	vor.u32 $0x380, v2;
	s13 =	sor.u32 $0x280, s5;
	[tilespmem:s10+$0x10800] =	vst v8;
	v62 =	vld.idx.msk [tilespmem:v60+s23+$0x0], $0xffff  }
0x49f: {  	v63 =	vor.u32 $0x380, v1;
	v6 =	vld.idx.msk [tilespmem:v6+s23+$0x0], $0xffff;
	[tilespmem:s13+$0x10800] =	vst v7  }
0x4a0: {  	[tilespmem:s12+$0x10800] =	vst v15;
	v5 =	vld.idx.msk [tilespmem:v5+s23+$0x0], $0xffff  }
0x4a1: {  	v3 =	vld.idx.msk [tilespmem:v3+s23+$0x0], $0xffff;
	[tilespmem:s11+$0x10800] =	vst v16;
	s15 =	sor.u32 $0x300, s2  }
0x4a2: {  	s18 =	sor.u32 $0x300, s0;
	v0 =	vld.idx.msk [tilespmem:v0+s23+$0x0], $0xffff;
	[tilespmem:s15+$0x10800] =	vst v11  }
0x4a3: {  	s16 =	sor.u32 $0x300, s3;
	[tilespmem:s18+$0x10800] =	vst v62;
	v2 =	vld.idx.msk [tilespmem:v61+s23+$0x0], $0xffff  }
0x4a4: {  	s17 =	sor.u32 $0x300, s5;
	[tilespmem:s16+$0x10800] =	vst v6;
	v1 =	vld.idx.msk [tilespmem:v63+s23+$0x0], $0xffff  }
0x4a5: {  	v4 =	vld.idx.msk [tilespmem:v4+s23+$0x0], $0xffff;
	[tilespmem:s17+$0x10800] =	vst v5  }
0x4a6: {  	[tilespmem:s1+$0x10800] =	vst v3;
	v5 =	vld.idx.msk [tilespmem:v10+s23+$0x0], $0xffff  }
0x4a7: {  	s19 =	sor.u32 $0x380, s2;
	[tilespmem:s8+$0x10800] =	vst v0  }
0x4a8: {  	s0 =	sor.u32 $0x380, s0;
	[tilespmem:s19+$0x10800] =	vst v2  }
0x4a9: {  	s20 =	sor.u32 $0x380, s3;
	[tilespmem:s0+$0x10800] =	vst v1  }
0x4aa: {  	s21 =	sor.u32 $0x380, s5;
	[tilespmem:s20+$0x10800] =	vst v4  }
0x4ab: {  	[tilespmem:s21+$0x10800] =	vst v5  }
0x4ac: {  	s25 =	simm.s32 $0x10800;
	s28 =	simm.s32 $0x4;
	s0 =	rddreg [dreg:$0x11]  }
0x4ad: {  	[hbm4b:s0+s26] =	stream.linear.scatter [tilespmem:s25], [sflag:$0x5], $0x4000, $0x38;
	[tilespmem:$0x14800] =	vst v63  }
0x4ae: {  	_ =	swait.ge [sflag:s28], $0x4000  }
0x4af: {  	[sflag:s28] =	ssyncset.done $0x0  }
0x4b0: {  	s29 =	simm.s32 $0x5;
	[sflag:s28] =	ssyncadd.s32 $0xFFFFC000  }
0x4b1: {  	_ =	swait.ge [sflag:s29], $0x4000  }
0x4b2: {  	s30 =	rddreg [dreg:$0x13]  }
0x4b3: {  	s31 =	rddreg [dreg:$0x12];
	s2 =	sadd.s32 $0x1, s30  }
0x4b4: {  	p0 =	sne.s32 s2, s31  }
.Ltmp10:
0x4b5: {  	_ = 	snop;
	(pc) =	sbr.rel @p0 .LBB2_1-.Ltmp10, $3  }
0x4b6: {  	_ =	sdelay $0x1  }
0x4b7: {  	[sflag:s29] =	ssyncset.done $0x0  }
0x4b8: {  	[sflag:s29] =	ssyncadd.s32 $0xFFFFC000  }
0x4b9: {  	_ =	sfence.sel $0x180000  }
0x4ba: {  	[bflag:$0x0] =	sbarrier.arrive $0xFFFF  }
0x4bb: {  	_ =	strace $0x90000047  }
0x4bc: {  	s0 =	stileid.u32;
	[bflag:$0x2] =	sbarrier.arrive $0xFFFF  }
0x4bd: {  	p0 =	sne.s32 s0, $0x0;
	s0 =	rddreg [dreg:$0x3]  }
0x4be: {  	s0 =	sadd.s32 @!p0 $0x100000, s0  }
0x4bf: {  	[sflag:s0] =	ssyncadd.tile.s32 @!p0 $0x1;
	_ =	shalt  }
.Lfunc_end2:
_tile_overlayer_lowered:
.L_overlay_start_2:
0x4c0: {  	(tag) =	ssettag $0x2  }
0x4c1: {  	s0 =	rddreg [dreg:$0x0];
	s2 =	stileid.u32  }
0x4c2: {  	s1 =	rddreg [dreg:$0x1];
	p0 =	sne.s32 s2, $0x0  }
0x4c3: {  	s3 =	rddreg [dreg:$0x2];
	[bflag:$0x3] =	sbarrier.arrive $0xFFFF;
	s2 =	simm.s32 @!p0 $0x1C06  }
0x4c4: {  	[timem:s3], [sflag:s2] =	dma.local @!p0 [hbm:s0], s1  }
0x4c5: {  	s0 =	simm.s32 @!p0 $0x6  }
0x4c6: {  	_ =	swait.ge @!p0 [sflag:s0], s1  }
0x4c7: {  	s1 =	ssub.s32 @!p0 $0x0, s1;
	[sflag:s0] =	ssyncset.done @!p0 $0x0  }
0x4c8: {  	[sflag:s0] =	ssyncadd.s32 @!p0 s1  }
0x4c9: {  	[bflag:$0x3] =	sbarrier.arrive $0xFFFF  }
0x4ca: {  	_ =	shalt  }

</sc_bundles>
